<compile_context>
chip_gen: v7x
topology: tpu7x:2x2x1
jax: 0.10.2.dev20260603
libtpu: 0.0.44.dev20260713+nightly
codegen_flags: <defaults>
</compile_context>

<pallas_src>
import functools

import jax
import jax.numpy as jnp
from jax import lax
from jax.experimental import pallas as pl
from jax.experimental.pallas import tpu as pltpu
from jax.experimental.pallas import tpu_sc as plsc

N = 16384
D = 128
L = 16
NC, NS = 2, 16
NW = NC * NS

N_SC = 8192
N_TC = N - N_SC
ROWS_PER_W = N_SC // NW
VPR = D // L

_mesh = plsc.VectorSubcoreMesh(core_axis_name="c", subcore_axis_name="s")


def _permute(v, idx):
    dnums = lax.GatherDimensionNumbers(
        offset_dims=(), collapsed_slice_dims=(0,), start_index_map=(0,))
    return lax.gather(v, idx[:, None], dnums, (1,),
                      mode=lax.GatherScatterMode.PROMISE_IN_BOUNDS)


@functools.partial(
    pl.kernel,
    mesh=_mesh,
    out_type=jax.ShapeDtypeStruct((N_SC, D), jnp.float32),
    scratch_types=[
        pltpu.VMEM((ROWS_PER_W, D), jnp.float32),
        pltpu.VMEM((ROWS_PER_W,), jnp.int32),
        pltpu.VMEM((L,), jnp.float32),
        pltpu.VMEM((L,), jnp.float32),
    ],
)
def _affine_sc(z_hbm, obs_hbm, coefs_hbm, offsets_hbm, out_hbm,
               zbuf, obsbuf, cbuf, obuf):
    wid = lax.axis_index("s") * NC + lax.axis_index("c")
    base = wid * ROWS_PER_W

    pltpu.sync_copy(coefs_hbm, cbuf.at[pl.ds(0, 8)])
    pltpu.sync_copy(offsets_hbm, obuf.at[pl.ds(0, 8)])
    pltpu.sync_copy(obs_hbm.at[pl.ds(base, ROWS_PER_W)], obsbuf)
    pltpu.sync_copy(z_hbm.at[pl.ds(base, ROWS_PER_W)], zbuf)

    ctab = cbuf[...]
    otab = obuf[...]

    def group_body(t, carry):
        r0 = t * L
        idx16 = obsbuf[pl.ds(r0, L)]
        c16 = _permute(ctab, idx16)
        o16 = _permute(otab, idx16)
        for k in range(L):
            lane = jnp.full((L,), k, dtype=jnp.int32)
            c = _permute(c16, lane)
            o = _permute(o16, lane)
            for j in range(VPR):
                s = pl.ds(j * L, L)
                zbuf[r0 + k, s] = c * zbuf[r0 + k, s] + o
        return carry

    lax.fori_loop(0, ROWS_PER_W // L, group_body, 0)

    pltpu.sync_copy(zbuf, out_hbm.at[pl.ds(base, ROWS_PER_W)])


TC_BLK = 1024
TC_NB = N_TC // TC_BLK
TC_OFF = N_SC // TC_BLK


def _affine_tc_body(obs_ref, coefs_ref, offsets_ref, z_ref, o_ref):
    ob = obs_ref[0, 0, :]
    c = jnp.zeros((TC_BLK,), jnp.float32)
    o = jnp.zeros((TC_BLK,), jnp.float32)
    for k in range(8):
        sel = ob == k
        c = jnp.where(sel, coefs_ref[k], c)
        o = jnp.where(sel, offsets_ref[k], o)
    o_ref[...] = c[:, None] * z_ref[...] + o[:, None]


def _affine_tc(z, obs, coefs, offsets):
    obs3 = obs.reshape(N // TC_BLK, 1, TC_BLK)
    return pl.pallas_call(
        _affine_tc_body,
        grid=(TC_NB,),
        in_specs=[
            pl.BlockSpec((1, 1, TC_BLK), lambda i: (i + TC_OFF, 0, 0)),
            pl.BlockSpec(memory_space=pltpu.SMEM),
            pl.BlockSpec(memory_space=pltpu.SMEM),
            pl.BlockSpec((TC_BLK, D), lambda i: (i + TC_OFF, 0)),
        ],
        out_specs=pl.BlockSpec((TC_BLK, D), lambda i: (i, 0)),
        out_shape=jax.ShapeDtypeStruct((N_TC, D), jnp.float32),
    )(obs3, coefs, offsets, z)


def kernel(z, obs, coefs, offsets):
    obs32 = obs.astype(jnp.int32)
    y_sc = _affine_sc(z, obs32, coefs, offsets)
    y_tc = _affine_tc(z, obs32, coefs, offsets)
    return jnp.concatenate([y_sc, y_tc], axis=0)

# --- scband reference (transcript-rebuilt; emitter-appended) ---
"""Pipeline reference for scband-linear-switching-54116587930254 (READ-ONLY COPY).

The authoritative reference and input builder live on the scoring server;
editing this copy changes nothing except your own understanding.
"""

import jax, jax.numpy as jnp
import numpy as np


def setup_inputs(seed: int = 0) -> dict:
    key = jax.random.key(seed)
    k1, k2, k3 = jax.random.split(key, 3)
    z = jax.random.normal(k1, (16384, 128), dtype=jnp.float32)
    obs = jax.random.randint(k2, (16384,), 0, 8, dtype=jnp.int64)
    # learned parameters matching torch module
    coefs = jnp.ones((8,), dtype=jnp.float32)
    offsets = jnp.zeros((8,), dtype=jnp.float32)
    return {"z": z, "obs": obs, "coefs": coefs, "offsets": offsets}


def reference(z, obs, coefs, offsets):
    # coefs[obs].unsqueeze(1) -> gather + broadcast
    c = jnp.take(coefs, obs, axis=0)[:, None]
    o = jnp.take(offsets, obs, axis=0)[:, None]
    return c * z + o

if __name__ == "__main__":
    import jax
    _d = setup_inputs()
    print(jax.jit(kernel)(*tuple(_d.values())))

</pallas_src>

<mosaic_0001>
#map = affine_map<(d0, d1) -> (0, 0)>
#map1 = affine_map<(d0, d1) -> (0)>
module attributes {stable_mosaic.version = 14 : i64} {
  func.func @_affine_sc(%arg0: i32, %arg1: i32, %arg2: memref<16384x128xf32, #tpu.memory_space<hbm>>, %arg3: memref<16384xi32, #tpu.memory_space<hbm>>, %arg4: memref<8xf32, #tpu.memory_space<hbm>>, %arg5: memref<8xf32, #tpu.memory_space<hbm>>, %arg6: memref<8192x128xf32, #tpu.memory_space<hbm>>, %arg7: memref<256x128xf32, #tpu.memory_space<vmem>>, %arg8: memref<256xi32, #tpu.memory_space<vmem>>, %arg9: memref<16xf32, #tpu.memory_space<vmem>>, %arg10: memref<16xf32, #tpu.memory_space<vmem>>) attributes {dimension_semantics = [#tpu.dimension_semantics<core_parallel>, #tpu.dimension_semantics<subcore_parallel>], iteration_bounds = array<i64: 2, 16>, scalar_prefetch = 0 : i64, scratch_operands = 4 : i64, tpu.core_type = #tpu.core_type<sc_vector_subcore>, window_params = [{transform_indices = #map}, {transform_indices = #map1}, {transform_indices = #map1}, {transform_indices = #map1}, {transform_indices = #map}]} {
    %mul3A = arith.constant 2 : i32
    %mul3A_0 = arith.muli %arg1, %mul3A : i32
    %add3A = arith.addi %mul3A_0, %arg0 : i32
    %mul3A_1 = arith.constant 256 : i32
    %mul3A_2 = arith.muli %add3A, %mul3A_1 : i32
    "tpu.region"() ({
      %run_scoped3A = tpu.sem_alloc : memref<!tpu.dma_semaphore, #tpu.memory_space<semaphore_mem>>
      %dma_start3A = arith.constant 0 : i32
      %dma_start3A_13 = tpu.memref_slice %arg9[%dma_start3A] : memref<16xf32, #tpu.memory_space<vmem>> -> memref<8xf32, #tpu.memory_space<vmem>>
      %dma_start3A_14 = arith.constant 0 : i32
      %dma_start3A_15 = tpu.memref_slice %arg9[%dma_start3A_14] : memref<16xf32, #tpu.memory_space<vmem>> -> memref<8xf32, #tpu.memory_space<vmem>>
      tpu.enqueue_dma source(%arg4 : memref<8xf32, #tpu.memory_space<hbm>>) target(%dma_start3A_15 : memref<8xf32, #tpu.memory_space<vmem>>) target_semaphore(%run_scoped3A : memref<!tpu.dma_semaphore, #tpu.memory_space<semaphore_mem>>)
      %dma_wait3A = arith.constant 0 : i32
      %dma_wait3A_16 = tpu.memref_slice %arg9[%dma_wait3A] : memref<16xf32, #tpu.memory_space<vmem>> -> memref<8xf32, #tpu.memory_space<vmem>>
      %dma_wait3A_17 = arith.constant 0 : i32
      %dma_wait3A_18 = tpu.memref_slice %arg9[%dma_wait3A_17] : memref<16xf32, #tpu.memory_space<vmem>> -> memref<8xf32, #tpu.memory_space<vmem>>
      tpu.wait_dma2 semaphore(%run_scoped3A : memref<!tpu.dma_semaphore, #tpu.memory_space<semaphore_mem>>) src(%arg4 : memref<8xf32, #tpu.memory_space<hbm>>) dst(%dma_wait3A_18 : memref<8xf32, #tpu.memory_space<vmem>>)
      tpu.yield
    }) : () -> ()
    "tpu.region"() ({
      %run_scoped3A = tpu.sem_alloc : memref<!tpu.dma_semaphore, #tpu.memory_space<semaphore_mem>>
      %dma_start3A = arith.constant 0 : i32
      %dma_start3A_13 = tpu.memref_slice %arg10[%dma_start3A] : memref<16xf32, #tpu.memory_space<vmem>> -> memref<8xf32, #tpu.memory_space<vmem>>
      %dma_start3A_14 = arith.constant 0 : i32
      %dma_start3A_15 = tpu.memref_slice %arg10[%dma_start3A_14] : memref<16xf32, #tpu.memory_space<vmem>> -> memref<8xf32, #tpu.memory_space<vmem>>
      tpu.enqueue_dma source(%arg5 : memref<8xf32, #tpu.memory_space<hbm>>) target(%dma_start3A_15 : memref<8xf32, #tpu.memory_space<vmem>>) target_semaphore(%run_scoped3A : memref<!tpu.dma_semaphore, #tpu.memory_space<semaphore_mem>>)
      %dma_wait3A = arith.constant 0 : i32
      %dma_wait3A_16 = tpu.memref_slice %arg10[%dma_wait3A] : memref<16xf32, #tpu.memory_space<vmem>> -> memref<8xf32, #tpu.memory_space<vmem>>
      %dma_wait3A_17 = arith.constant 0 : i32
      %dma_wait3A_18 = tpu.memref_slice %arg10[%dma_wait3A_17] : memref<16xf32, #tpu.memory_space<vmem>> -> memref<8xf32, #tpu.memory_space<vmem>>
      tpu.wait_dma2 semaphore(%run_scoped3A : memref<!tpu.dma_semaphore, #tpu.memory_space<semaphore_mem>>) src(%arg5 : memref<8xf32, #tpu.memory_space<hbm>>) dst(%dma_wait3A_18 : memref<8xf32, #tpu.memory_space<vmem>>)
      tpu.yield
    }) : () -> ()
    "tpu.region"() ({
      %run_scoped3A = tpu.sem_alloc : memref<!tpu.dma_semaphore, #tpu.memory_space<semaphore_mem>>
      %dma_start3A = tpu.memref_slice %arg3[%mul3A_2] : memref<16384xi32, #tpu.memory_space<hbm>> -> memref<256xi32, #tpu.memory_space<hbm>>
      %dma_start3A_13 = tpu.memref_slice %arg3[%mul3A_2] : memref<16384xi32, #tpu.memory_space<hbm>> -> memref<256xi32, #tpu.memory_space<hbm>>
      tpu.enqueue_dma source(%dma_start3A_13 : memref<256xi32, #tpu.memory_space<hbm>>) target(%arg8 : memref<256xi32, #tpu.memory_space<vmem>>) target_semaphore(%run_scoped3A : memref<!tpu.dma_semaphore, #tpu.memory_space<semaphore_mem>>)
      %dma_wait3A = tpu.memref_slice %arg3[%mul3A_2] : memref<16384xi32, #tpu.memory_space<hbm>> -> memref<256xi32, #tpu.memory_space<hbm>>
      %dma_wait3A_14 = tpu.memref_slice %arg3[%mul3A_2] : memref<16384xi32, #tpu.memory_space<hbm>> -> memref<256xi32, #tpu.memory_space<hbm>>
      tpu.wait_dma2 semaphore(%run_scoped3A : memref<!tpu.dma_semaphore, #tpu.memory_space<semaphore_mem>>) src(%dma_wait3A_14 : memref<256xi32, #tpu.memory_space<hbm>>) dst(%arg8 : memref<256xi32, #tpu.memory_space<vmem>>)
      tpu.yield
    }) : () -> ()
    "tpu.region"() ({
      %run_scoped3A = tpu.sem_alloc : memref<!tpu.dma_semaphore, #tpu.memory_space<semaphore_mem>>
      %dma_start3A = arith.constant 0 : i32
      %dma_start3A_13 = tpu.memref_slice %arg2[%mul3A_2, %dma_start3A] : memref<16384x128xf32, #tpu.memory_space<hbm>> -> memref<256x128xf32, #tpu.memory_space<hbm>>
      %dma_start3A_14 = arith.constant 0 : i32
      %dma_start3A_15 = tpu.memref_slice %arg2[%mul3A_2, %dma_start3A_14] : memref<16384x128xf32, #tpu.memory_space<hbm>> -> memref<256x128xf32, #tpu.memory_space<hbm>>
      tpu.enqueue_dma source(%dma_start3A_15 : memref<256x128xf32, #tpu.memory_space<hbm>>) target(%arg7 : memref<256x128xf32, #tpu.memory_space<vmem>>) target_semaphore(%run_scoped3A : memref<!tpu.dma_semaphore, #tpu.memory_space<semaphore_mem>>)
      %dma_wait3A = arith.constant 0 : i32
      %dma_wait3A_16 = tpu.memref_slice %arg2[%mul3A_2, %dma_wait3A] : memref<16384x128xf32, #tpu.memory_space<hbm>> -> memref<256x128xf32, #tpu.memory_space<hbm>>
      %dma_wait3A_17 = arith.constant 0 : i32
      %dma_wait3A_18 = tpu.memref_slice %arg2[%mul3A_2, %dma_wait3A_17] : memref<16384x128xf32, #tpu.memory_space<hbm>> -> memref<256x128xf32, #tpu.memory_space<hbm>>
      tpu.wait_dma2 semaphore(%run_scoped3A : memref<!tpu.dma_semaphore, #tpu.memory_space<semaphore_mem>>) src(%dma_wait3A_18 : memref<256x128xf32, #tpu.memory_space<hbm>>) dst(%arg7 : memref<256x128xf32, #tpu.memory_space<vmem>>)
      tpu.yield
    }) : () -> ()
    %get3A = arith.constant 0 : index
    %get3A_3 = tpu.vector_load %arg9[%get3A] {strides = array<i32>} : memref<16xf32, #tpu.memory_space<vmem>>, vector<16xf32>,
    %get3A_4 = vector.shape_cast %get3A_3 : vector<16xf32> to vector<16xf32>
    %get3A_5 = arith.constant 0 : index
    %get3A_6 = tpu.vector_load %arg10[%get3A_5] {strides = array<i32>} : memref<16xf32, #tpu.memory_space<vmem>>, vector<16xf32>,
    %get3A_7 = vector.shape_cast %get3A_6 : vector<16xf32> to vector<16xf32>
    %scan3A = arith.constant 0 : i32
    %scan3A_8 = arith.constant 0 : i32
    %scan3A_9 = arith.constant 16 : i32
    %scan3A_10 = arith.addi %scan3A_8, %scan3A_9 : i32
    %scan3A_11 = arith.constant 1 : i32
    scf.for %scan3A_13 = %scan3A_8 to %scan3A_10 step %scan3A_11  : i32 {
      %mul3A_14 = arith.constant 16 : i32
      %mul3A_15 = arith.muli %scan3A_13, %mul3A_14 : i32
      %get3A_16 = arith.index_cast %mul3A_15 : i32 to index
      %get3A_17 = tpu.vector_load %arg8[%get3A_16] {strides = array<i32>} : memref<256xi32, #tpu.memory_space<vmem>>, vector<16xi32>,
      %get3A_18 = vector.shape_cast %get3A_17 : vector<16xi32> to vector<16xi32>
      %broadcast_in_dim3A = vector.shape_cast %get3A_18 : vector<16xi32> to vector<16x1xi32>
      %gather3A = vector.shape_cast %broadcast_in_dim3A : vector<16x1xi32> to vector<16xi32>
      %gather3A_19 = tpu.dynamic_gather %get3A_4[%gather3A] in [0] : vector<16xf32>, vector<16xi32> -> vector<16xf32>
      %broadcast_in_dim3A_20 = vector.shape_cast %get3A_18 : vector<16xi32> to vector<16x1xi32>
      %gather3A_21 = vector.shape_cast %broadcast_in_dim3A_20 : vector<16x1xi32> to vector<16xi32>
      %gather3A_22 = tpu.dynamic_gather %get3A_7[%gather3A_21] in [0] : vector<16xf32>, vector<16xi32> -> vector<16xf32>
      %broadcast_in_dim3A_23 = arith.constant 0 : i32
      %broadcast_in_dim3A_24 = vector.broadcast %broadcast_in_dim3A_23 : i32 to vector<16xi32>
      %broadcast_in_dim3A_25 = vector.shape_cast %broadcast_in_dim3A_24 : vector<16xi32> to vector<16x1xi32>
      %gather3A_26 = vector.shape_cast %broadcast_in_dim3A_25 : vector<16x1xi32> to vector<16xi32>
      %gather3A_27 = tpu.dynamic_gather %gather3A_19[%gather3A_26] in [0] : vector<16xf32>, vector<16xi32> -> vector<16xf32>
      %broadcast_in_dim3A_28 = vector.shape_cast %broadcast_in_dim3A_24 : vector<16xi32> to vector<16x1xi32>
      %gather3A_29 = vector.shape_cast %broadcast_in_dim3A_28 : vector<16x1xi32> to vector<16xi32>
      %gather3A_30 = tpu.dynamic_gather %gather3A_22[%gather3A_29] in [0] : vector<16xf32>, vector<16xi32> -> vector<16xf32>
      %add3A_31 = arith.constant 0 : i32
      %add3A_32 = arith.addi %mul3A_15, %add3A_31 : i32
      %get3A_33 = arith.index_cast %add3A_32 : i32 to index
      %get3A_34 = arith.constant 0 : index
      %get3A_35 = tpu.vector_load %arg7[%get3A_33, %get3A_34] {strides = array<i32>} : memref<256x128xf32, #tpu.memory_space<vmem>>, vector<1x16xf32>,
      %get3A_36 = vector.shape_cast %get3A_35 : vector<1x16xf32> to vector<16xf32>
      %mul3A_37 = arith.mulf %gather3A_27, %get3A_36 : vector<16xf32>
      %add3A_38 = arith.addf %mul3A_37, %gather3A_30 : vector<16xf32>
      %add3A_39 = arith.constant 0 : i32
      %add3A_40 = arith.addi %mul3A_15, %add3A_39 : i32
      %swap3A = arith.index_cast %add3A_40 : i32 to index
      %swap3A_41 = arith.constant 0 : index
      %swap3A_42 = tpu.vector_load %arg7[%swap3A, %swap3A_41] {strides = array<i32>} : memref<256x128xf32, #tpu.memory_space<vmem>>, vector<1x16xf32>,
      %swap3A_43 = vector.shape_cast %swap3A_42 : vector<1x16xf32> to vector<16xf32>
      %swap3A_44 = vector.shape_cast %add3A_38 : vector<16xf32> to vector<1x16xf32>
      tpu.vector_store %arg7[%swap3A, %swap3A_41], %swap3A_44 {strides = array<i32>} : memref<256x128xf32, #tpu.memory_space<vmem>>, vector<1x16xf32>,
      %add3A_45 = arith.constant 0 : i32
      %add3A_46 = arith.addi %mul3A_15, %add3A_45 : i32
      %get3A_47 = arith.index_cast %add3A_46 : i32 to index
      %get3A_48 = arith.constant 16 : index
      %get3A_49 = tpu.vector_load %arg7[%get3A_47, %get3A_48] {strides = array<i32>} : memref<256x128xf32, #tpu.memory_space<vmem>>, vector<1x16xf32>,
      %get3A_50 = vector.shape_cast %get3A_49 : vector<1x16xf32> to vector<16xf32>
      %mul3A_51 = arith.mulf %gather3A_27, %get3A_50 : vector<16xf32>
      %add3A_52 = arith.addf %mul3A_51, %gather3A_30 : vector<16xf32>
      %add3A_53 = arith.constant 0 : i32
      %add3A_54 = arith.addi %mul3A_15, %add3A_53 : i32
      %swap3A_55 = arith.index_cast %add3A_54 : i32 to index
      %swap3A_56 = arith.constant 16 : index
      %swap3A_57 = tpu.vector_load %arg7[%swap3A_55, %swap3A_56] {strides = array<i32>} : memref<256x128xf32, #tpu.memory_space<vmem>>, vector<1x16xf32>,
      %swap3A_58 = vector.shape_cast %swap3A_57 : vector<1x16xf32> to vector<16xf32>
      %swap3A_59 = vector.shape_cast %add3A_52 : vector<16xf32> to vector<1x16xf32>
      tpu.vector_store %arg7[%swap3A_55, %swap3A_56], %swap3A_59 {strides = array<i32>} : memref<256x128xf32, #tpu.memory_space<vmem>>, vector<1x16xf32>,
      %add3A_60 = arith.constant 0 : i32
      %add3A_61 = arith.addi %mul3A_15, %add3A_60 : i32
      %get3A_62 = arith.index_cast %add3A_61 : i32 to index
      %get3A_63 = arith.constant 32 : index
      %get3A_64 = tpu.vector_load %arg7[%get3A_62, %get3A_63] {strides = array<i32>} : memref<256x128xf32, #tpu.memory_space<vmem>>, vector<1x16xf32>,
      %get3A_65 = vector.shape_cast %get3A_64 : vector<1x16xf32> to vector<16xf32>
      %mul3A_66 = arith.mulf %gather3A_27, %get3A_65 : vector<16xf32>
      %add3A_67 = arith.addf %mul3A_66, %gather3A_30 : vector<16xf32>
      %add3A_68 = arith.constant 0 : i32
      %add3A_69 = arith.addi %mul3A_15, %add3A_68 : i32
      %swap3A_70 = arith.index_cast %add3A_69 : i32 to index
      %swap3A_71 = arith.constant 32 : index
      %swap3A_72 = tpu.vector_load %arg7[%swap3A_70, %swap3A_71] {strides = array<i32>} : memref<256x128xf32, #tpu.memory_space<vmem>>, vector<1x16xf32>,
      %swap3A_73 = vector.shape_cast %swap3A_72 : vector<1x16xf32> to vector<16xf32>
      %swap3A_74 = vector.shape_cast %add3A_67 : vector<16xf32> to vector<1x16xf32>
      tpu.vector_store %arg7[%swap3A_70, %swap3A_71], %swap3A_74 {strides = array<i32>} : memref<256x128xf32, #tpu.memory_space<vmem>>, vector<1x16xf32>,
      %add3A_75 = arith.constant 0 : i32
      %add3A_76 = arith.addi %mul3A_15, %add3A_75 : i32
      %get3A_77 = arith.index_cast %add3A_76 : i32 to index
      %get3A_78 = arith.constant 48 : index
      %get3A_79 = tpu.vector_load %arg7[%get3A_77, %get3A_78] {strides = array<i32>} : memref<256x128xf32, #tpu.memory_space<vmem>>, vector<1x16xf32>,
      %get3A_80 = vector.shape_cast %get3A_79 : vector<1x16xf32> to vector<16xf32>
      %mul3A_81 = arith.mulf %gather3A_27, %get3A_80 : vector<16xf32>
      %add3A_82 = arith.addf %mul3A_81, %gather3A_30 : vector<16xf32>
      %add3A_83 = arith.constant 0 : i32
      %add3A_84 = arith.addi %mul3A_15, %add3A_83 : i32
      %swap3A_85 = arith.index_cast %add3A_84 : i32 to index
      %swap3A_86 = arith.constant 48 : index
      %swap3A_87 = tpu.vector_load %arg7[%swap3A_85, %swap3A_86] {strides = array<i32>} : memref<256x128xf32, #tpu.memory_space<vmem>>, vector<1x16xf32>,
      %swap3A_88 = vector.shape_cast %swap3A_87 : vector<1x16xf32> to vector<16xf32>
      %swap3A_89 = vector.shape_cast %add3A_82 : vector<16xf32> to vector<1x16xf32>
      tpu.vector_store %arg7[%swap3A_85, %swap3A_86], %swap3A_89 {strides = array<i32>} : memref<256x128xf32, #tpu.memory_space<vmem>>, vector<1x16xf32>,
      %add3A_90 = arith.constant 0 : i32
      %add3A_91 = arith.addi %mul3A_15, %add3A_90 : i32
      %get3A_92 = arith.index_cast %add3A_91 : i32 to index
      %get3A_93 = arith.constant 64 : index
      %get3A_94 = tpu.vector_load %arg7[%get3A_92, %get3A_93] {strides = array<i32>} : memref<256x128xf32, #tpu.memory_space<vmem>>, vector<1x16xf32>,
      %get3A_95 = vector.shape_cast %get3A_94 : vector<1x16xf32> to vector<16xf32>
      %mul3A_96 = arith.mulf %gather3A_27, %get3A_95 : vector<16xf32>
      %add3A_97 = arith.addf %mul3A_96, %gather3A_30 : vector<16xf32>
      %add3A_98 = arith.constant 0 : i32
      %add3A_99 = arith.addi %mul3A_15, %add3A_98 : i32
      %swap3A_100 = arith.index_cast %add3A_99 : i32 to index
      %swap3A_101 = arith.constant 64 : index
      %swap3A_102 = tpu.vector_load %arg7[%swap3A_100, %swap3A_101] {strides = array<i32>} : memref<256x128xf32, #tpu.memory_space<vmem>>, vector<1x16xf32>,
      %swap3A_103 = vector.shape_cast %swap3A_102 : vector<1x16xf32> to vector<16xf32>
      %swap3A_104 = vector.shape_cast %add3A_97 : vector<16xf32> to vector<1x16xf32>
      tpu.vector_store %arg7[%swap3A_100, %swap3A_101], %swap3A_104 {strides = array<i32>} : memref<256x128xf32, #tpu.memory_space<vmem>>, vector<1x16xf32>,
      %add3A_105 = arith.constant 0 : i32
      %add3A_106 = arith.addi %mul3A_15, %add3A_105 : i32
      %get3A_107 = arith.index_cast %add3A_106 : i32 to index
      %get3A_108 = arith.constant 80 : index
      %get3A_109 = tpu.vector_load %arg7[%get3A_107, %get3A_108] {strides = array<i32>} : memref<256x128xf32, #tpu.memory_space<vmem>>, vector<1x16xf32>,
      %get3A_110 = vector.shape_cast %get3A_109 : vector<1x16xf32> to vector<16xf32>
      %mul3A_111 = arith.mulf %gather3A_27, %get3A_110 : vector<16xf32>
      %add3A_112 = arith.addf %mul3A_111, %gather3A_30 : vector<16xf32>
      %add3A_113 = arith.constant 0 : i32
      %add3A_114 = arith.addi %mul3A_15, %add3A_113 : i32
      %swap3A_115 = arith.index_cast %add3A_114 : i32 to index
      %swap3A_116 = arith.constant 80 : index
      %swap3A_117 = tpu.vector_load %arg7[%swap3A_115, %swap3A_116] {strides = array<i32>} : memref<256x128xf32, #tpu.memory_space<vmem>>, vector<1x16xf32>,
      %swap3A_118 = vector.shape_cast %swap3A_117 : vector<1x16xf32> to vector<16xf32>
      %swap3A_119 = vector.shape_cast %add3A_112 : vector<16xf32> to vector<1x16xf32>
      tpu.vector_store %arg7[%swap3A_115, %swap3A_116], %swap3A_119 {strides = array<i32>} : memref<256x128xf32, #tpu.memory_space<vmem>>, vector<1x16xf32>,
      %add3A_120 = arith.constant 0 : i32
      %add3A_121 = arith.addi %mul3A_15, %add3A_120 : i32
      %get3A_122 = arith.index_cast %add3A_121 : i32 to index
      %get3A_123 = arith.constant 96 : index
      %get3A_124 = tpu.vector_load %arg7[%get3A_122, %get3A_123] {strides = array<i32>} : memref<256x128xf32, #tpu.memory_space<vmem>>, vector<1x16xf32>,
      %get3A_125 = vector.shape_cast %get3A_124 : vector<1x16xf32> to vector<16xf32>
      %mul3A_126 = arith.mulf %gather3A_27, %get3A_125 : vector<16xf32>
      %add3A_127 = arith.addf %mul3A_126, %gather3A_30 : vector<16xf32>
      %add3A_128 = arith.constant 0 : i32
      %add3A_129 = arith.addi %mul3A_15, %add3A_128 : i32
      %swap3A_130 = arith.index_cast %add3A_129 : i32 to index
      %swap3A_131 = arith.constant 96 : index
      %swap3A_132 = tpu.vector_load %arg7[%swap3A_130, %swap3A_131] {strides = array<i32>} : memref<256x128xf32, #tpu.memory_space<vmem>>, vector<1x16xf32>,
      %swap3A_133 = vector.shape_cast %swap3A_132 : vector<1x16xf32> to vector<16xf32>
      %swap3A_134 = vector.shape_cast %add3A_127 : vector<16xf32> to vector<1x16xf32>
      tpu.vector_store %arg7[%swap3A_130, %swap3A_131], %swap3A_134 {strides = array<i32>} : memref<256x128xf32, #tpu.memory_space<vmem>>, vector<1x16xf32>,
      %add3A_135 = arith.constant 0 : i32
      %add3A_136 = arith.addi %mul3A_15, %add3A_135 : i32
      %get3A_137 = arith.index_cast %add3A_136 : i32 to index
      %get3A_138 = arith.constant 112 : index
      %get3A_139 = tpu.vector_load %arg7[%get3A_137, %get3A_138] {strides = array<i32>} : memref<256x128xf32, #tpu.memory_space<vmem>>, vector<1x16xf32>,
      %get3A_140 = vector.shape_cast %get3A_139 : vector<1x16xf32> to vector<16xf32>
      %mul3A_141 = arith.mulf %gather3A_27, %get3A_140 : vector<16xf32>
      %add3A_142 = arith.addf %mul3A_141, %gather3A_30 : vector<16xf32>
      %add3A_143 = arith.constant 0 : i32
      %add3A_144 = arith.addi %mul3A_15, %add3A_143 : i32
      %swap3A_145 = arith.index_cast %add3A_144 : i32 to index
      %swap3A_146 = arith.constant 112 : index
      %swap3A_147 = tpu.vector_load %arg7[%swap3A_145, %swap3A_146] {strides = array<i32>} : memref<256x128xf32, #tpu.memory_space<vmem>>, vector<1x16xf32>,
      %swap3A_148 = vector.shape_cast %swap3A_147 : vector<1x16xf32> to vector<16xf32>
      %swap3A_149 = vector.shape_cast %add3A_142 : vector<16xf32> to vector<1x16xf32>
      tpu.vector_store %arg7[%swap3A_145, %swap3A_146], %swap3A_149 {strides = array<i32>} : memref<256x128xf32, #tpu.memory_space<vmem>>, vector<1x16xf32>,
      %broadcast_in_dim3A_150 = arith.constant 1 : i32
      %broadcast_in_dim3A_151 = vector.broadcast %broadcast_in_dim3A_150 : i32 to vector<16xi32>
      %broadcast_in_dim3A_152 = vector.shape_cast %broadcast_in_dim3A_151 : vector<16xi32> to vector<16x1xi32>
      %gather3A_153 = vector.shape_cast %broadcast_in_dim3A_152 : vector<16x1xi32> to vector<16xi32>
      %gather3A_154 = tpu.dynamic_gather %gather3A_19[%gather3A_153] in [0] : vector<16xf32>, vector<16xi32> -> vector<16xf32>
      %broadcast_in_dim3A_155 = vector.shape_cast %broadcast_in_dim3A_151 : vector<16xi32> to vector<16x1xi32>
      %gather3A_156 = vector.shape_cast %broadcast_in_dim3A_155 : vector<16x1xi32> to vector<16xi32>
      %gather3A_157 = tpu.dynamic_gather %gather3A_22[%gather3A_156] in [0] : vector<16xf32>, vector<16xi32> -> vector<16xf32>
      %add3A_158 = arith.constant 1 : i32
      %add3A_159 = arith.addi %mul3A_15, %add3A_158 : i32
      %get3A_160 = arith.index_cast %add3A_159 : i32 to index
      %get3A_161 = arith.constant 0 : index
      %get3A_162 = tpu.vector_load %arg7[%get3A_160, %get3A_161] {strides = array<i32>} : memref<256x128xf32, #tpu.memory_space<vmem>>, vector<1x16xf32>,
      %get3A_163 = vector.shape_cast %get3A_162 : vector<1x16xf32> to vector<16xf32>
      %mul3A_164 = arith.mulf %gather3A_154, %get3A_163 : vector<16xf32>
      %add3A_165 = arith.addf %mul3A_164, %gather3A_157 : vector<16xf32>
      %add3A_166 = arith.constant 1 : i32
      %add3A_167 = arith.addi %mul3A_15, %add3A_166 : i32
      %swap3A_168 = arith.index_cast %add3A_167 : i32 to index
      %swap3A_169 = arith.constant 0 : index
      %swap3A_170 = tpu.vector_load %arg7[%swap3A_168, %swap3A_169] {strides = array<i32>} : memref<256x128xf32, #tpu.memory_space<vmem>>, vector<1x16xf32>,
      %swap3A_171 = vector.shape_cast %swap3A_170 : vector<1x16xf32> to vector<16xf32>
      %swap3A_172 = vector.shape_cast %add3A_165 : vector<16xf32> to vector<1x16xf32>
      tpu.vector_store %arg7[%swap3A_168, %swap3A_169], %swap3A_172 {strides = array<i32>} : memref<256x128xf32, #tpu.memory_space<vmem>>, vector<1x16xf32>,
      %add3A_173 = arith.constant 1 : i32
      %add3A_174 = arith.addi %mul3A_15, %add3A_173 : i32
      %get3A_175 = arith.index_cast %add3A_174 : i32 to index
      %get3A_176 = arith.constant 16 : index
      %get3A_177 = tpu.vector_load %arg7[%get3A_175, %get3A_176] {strides = array<i32>} : memref<256x128xf32, #tpu.memory_space<vmem>>, vector<1x16xf32>,
      %get3A_178 = vector.shape_cast %get3A_177 : vector<1x16xf32> to vector<16xf32>
      %mul3A_179 = arith.mulf %gather3A_154, %get3A_178 : vector<16xf32>
      %add3A_180 = arith.addf %mul3A_179, %gather3A_157 : vector<16xf32>
      %add3A_181 = arith.constant 1 : i32
      %add3A_182 = arith.addi %mul3A_15, %add3A_181 : i32
      %swap3A_183 = arith.index_cast %add3A_182 : i32 to index
      %swap3A_184 = arith.constant 16 : index
      %swap3A_185 = tpu.vector_load %arg7[%swap3A_183, %swap3A_184] {strides = array<i32>} : memref<256x128xf32, #tpu.memory_space<vmem>>, vector<1x16xf32>,
      %swap3A_186 = vector.shape_cast %swap3A_185 : vector<1x16xf32> to vector<16xf32>
      %swap3A_187 = vector.shape_cast %add3A_180 : vector<16xf32> to vector<1x16xf32>
      tpu.vector_store %arg7[%swap3A_183, %swap3A_184], %swap3A_187 {strides = array<i32>} : memref<256x128xf32, #tpu.memory_space<vmem>>, vector<1x16xf32>,
      %add3A_188 = arith.constant 1 : i32
      %add3A_189 = arith.addi %mul3A_15, %add3A_188 : i32
      %get3A_190 = arith.index_cast %add3A_189 : i32 to index
      %get3A_191 = arith.constant 32 : index
      %get3A_192 = tpu.vector_load %arg7[%get3A_190, %get3A_191] {strides = array<i32>} : memref<256x128xf32, #tpu.memory_space<vmem>>, vector<1x16xf32>,
      %get3A_193 = vector.shape_cast %get3A_192 : vector<1x16xf32> to vector<16xf32>
      %mul3A_194 = arith.mulf %gather3A_154, %get3A_193 : vector<16xf32>
      %add3A_195 = arith.addf %mul3A_194, %gather3A_157 : vector<16xf32>
      %add3A_196 = arith.constant 1 : i32
      %add3A_197 = arith.addi %mul3A_15, %add3A_196 : i32
      %swap3A_198 = arith.index_cast %add3A_197 : i32 to index
      %swap3A_199 = arith.constant 32 : index
      %swap3A_200 = tpu.vector_load %arg7[%swap3A_198, %swap3A_199] {strides = array<i32>} : memref<256x128xf32, #tpu.memory_space<vmem>>, vector<1x16xf32>,
      %swap3A_201 = vector.shape_cast %swap3A_200 : vector<1x16xf32> to vector<16xf32>
      %swap3A_202 = vector.shape_cast %add3A_195 : vector<16xf32> to vector<1x16xf32>
      tpu.vector_store %arg7[%swap3A_198, %swap3A_199], %swap3A_202 {strides = array<i32>} : memref<256x128xf32, #tpu.memory_space<vmem>>, vector<1x16xf32>,
      %add3A_203 = arith.constant 1 : i32
      %add3A_204 = arith.addi %mul3A_15, %add3A_203 : i32
      %get3A_205 = arith.index_cast %add3A_204 : i32 to index
      %get3A_206 = arith.constant 48 : index
      %get3A_207 = tpu.vector_load %arg7[%get3A_205, %get3A_206] {strides = array<i32>} : memref<256x128xf32, #tpu.memory_space<vmem>>, vector<1x16xf32>,
      %get3A_208 = vector.shape_cast %get3A_207 : vector<1x16xf32> to vector<16xf32>
      %mul3A_209 = arith.mulf %gather3A_154, %get3A_208 : vector<16xf32>
      %add3A_210 = arith.addf %mul3A_209, %gather3A_157 : vector<16xf32>
      %add3A_211 = arith.constant 1 : i32
      %add3A_212 = arith.addi %mul3A_15, %add3A_211 : i32
      %swap3A_213 = arith.index_cast %add3A_212 : i32 to index
      %swap3A_214 = arith.constant 48 : index
      %swap3A_215 = tpu.vector_load %arg7[%swap3A_213, %swap3A_214] {strides = array<i32>} : memref<256x128xf32, #tpu.memory_space<vmem>>, vector<1x16xf32>,
      %swap3A_216 = vector.shape_cast %swap3A_215 : vector<1x16xf32> to vector<16xf32>
      %swap3A_217 = vector.shape_cast %add3A_210 : vector<16xf32> to vector<1x16xf32>
      tpu.vector_store %arg7[%swap3A_213, %swap3A_214], %swap3A_217 {strides = array<i32>} : memref<256x128xf32, #tpu.memory_space<vmem>>, vector<1x16xf32>,
      %add3A_218 = arith.constant 1 : i32
      %add3A_219 = arith.addi %mul3A_15, %add3A_218 : i32
      %get3A_220 = arith.index_cast %add3A_219 : i32 to index
      %get3A_221 = arith.constant 64 : index
      %get3A_222 = tpu.vector_load %arg7[%get3A_220, %get3A_221] {strides = array<i32>} : memref<256x128xf32, #tpu.memory_space<vmem>>, vector<1x16xf32>,
      %get3A_223 = vector.shape_cast %get3A_222 : vector<1x16xf32> to vector<16xf32>
      %mul3A_224 = arith.mulf %gather3A_154, %get3A_223 : vector<16xf32>
      %add3A_225 = arith.addf %mul3A_224, %gather3A_157 : vector<16xf32>
      %add3A_226 = arith.constant 1 : i32
      %add3A_227 = arith.addi %mul3A_15, %add3A_226 : i32
      %swap3A_228 = arith.index_cast %add3A_227 : i32 to index
      %swap3A_229 = arith.constant 64 : index
      %swap3A_230 = tpu.vector_load %arg7[%swap3A_228, %swap3A_229] {strides = array<i32>} : memref<256x128xf32, #tpu.memory_space<vmem>>, vector<1x16xf32>,
      %swap3A_231 = vector.shape_cast %swap3A_230 : vector<1x16xf32> to vector<16xf32>
      %swap3A_232 = vector.shape_cast %add3A_225 : vector<16xf32> to vector<1x16xf32>
      tpu.vector_store %arg7[%swap3A_228, %swap3A_229], %swap3A_232 {strides = array<i32>} : memref<256x128xf32, #tpu.memory_space<vmem>>, vector<1x16xf32>,
      %add3A_233 = arith.constant 1 : i32
      %add3A_234 = arith.addi %mul3A_15, %add3A_233 : i32
      %get3A_235 = arith.index_cast %add3A_234 : i32 to index
      %get3A_236 = arith.constant 80 : index
      %get3A_237 = tpu.vector_load %arg7[%get3A_235, %get3A_236] {strides = array<i32>} : memref<256x128xf32, #tpu.memory_space<vmem>>, vector<1x16xf32>,
      %get3A_238 = vector.shape_cast %get3A_237 : vector<1x16xf32> to vector<16xf32>
      %mul3A_239 = arith.mulf %gather3A_154, %get3A_238 : vector<16xf32>
      %add3A_240 = arith.addf %mul3A_239, %gather3A_157 : vector<16xf32>
      %add3A_241 = arith.constant 1 : i32
      %add3A_242 = arith.addi %mul3A_15, %add3A_241 : i32
      %swap3A_243 = arith.index_cast %add3A_242 : i32 to index
      %swap3A_244 = arith.constant 80 : index
      %swap3A_245 = tpu.vector_load %arg7[%swap3A_243, %swap3A_244] {strides = array<i32>} : memref<256x128xf32, #tpu.memory_space<vmem>>, vector<1x16xf32>,
      %swap3A_246 = vector.shape_cast %swap3A_245 : vector<1x16xf32> to vector<16xf32>
      %swap3A_247 = vector.shape_cast %add3A_240 : vector<16xf32> to vector<1x16xf32>
      tpu.vector_store %arg7[%swap3A_243, %swap3A_244], %swap3A_247 {strides = array<i32>} : memref<256x128xf32, #tpu.memory_space<vmem>>, vector<1x16xf32>,
      %add3A_248 = arith.constant 1 : i32
      %add3A_249 = arith.addi %mul3A_15, %add3A_248 : i32
      %get3A_250 = arith.index_cast %add3A_249 : i32 to index
      %get3A_251 = arith.constant 96 : index
      %get3A_252 = tpu.vector_load %arg7[%get3A_250, %get3A_251] {strides = array<i32>} : memref<256x128xf32, #tpu.memory_space<vmem>>, vector<1x16xf32>,
      %get3A_253 = vector.shape_cast %get3A_252 : vector<1x16xf32> to vector<16xf32>
      %mul3A_254 = arith.mulf %gather3A_154, %get3A_253 : vector<16xf32>
      %add3A_255 = arith.addf %mul3A_254, %gather3A_157 : vector<16xf32>
      %add3A_256 = arith.constant 1 : i32
      %add3A_257 = arith.addi %mul3A_15, %add3A_256 : i32
      %swap3A_258 = arith.index_cast %add3A_257 : i32 to index
      %swap3A_259 = arith.constant 96 : index
      %swap3A_260 = tpu.vector_load %arg7[%swap3A_258, %swap3A_259] {strides = array<i32>} : memref<256x128xf32, #tpu.memory_space<vmem>>, vector<1x16xf32>,
      %swap3A_261 = vector.shape_cast %swap3A_260 : vector<1x16xf32> to vector<16xf32>
      %swap3A_262 = vector.shape_cast %add3A_255 : vector<16xf32> to vector<1x16xf32>
      tpu.vector_store %arg7[%swap3A_258, %swap3A_259], %swap3A_262 {strides = array<i32>} : memref<256x128xf32, #tpu.memory_space<vmem>>, vector<1x16xf32>,
      %add3A_263 = arith.constant 1 : i32
      %add3A_264 = arith.addi %mul3A_15, %add3A_263 : i32
      %get3A_265 = arith.index_cast %add3A_264 : i32 to index
      %get3A_266 = arith.constant 112 : index
      %get3A_267 = tpu.vector_load %arg7[%get3A_265, %get3A_266] {strides = array<i32>} : memref<256x128xf32, #tpu.memory_space<vmem>>, vector<1x16xf32>,
      %get3A_268 = vector.shape_cast %get3A_267 : vector<1x16xf32> to vector<16xf32>
      %mul3A_269 = arith.mulf %gather3A_154, %get3A_268 : vector<16xf32>
      %add3A_270 = arith.addf %mul3A_269, %gather3A_157 : vector<16xf32>
      %add3A_271 = arith.constant 1 : i32
      %add3A_272 = arith.addi %mul3A_15, %add3A_271 : i32
      %swap3A_273 = arith.index_cast %add3A_272 : i32 to index
      %swap3A_274 = arith.constant 112 : index
      %swap3A_275 = tpu.vector_load %arg7[%swap3A_273, %swap3A_274] {strides = array<i32>} : memref<256x128xf32, #tpu.memory_space<vmem>>, vector<1x16xf32>,
      %swap3A_276 = vector.shape_cast %swap3A_275 : vector<1x16xf32> to vector<16xf32>
      %swap3A_277 = vector.shape_cast %add3A_270 : vector<16xf32> to vector<1x16xf32>
      tpu.vector_store %arg7[%swap3A_273, %swap3A_274], %swap3A_277 {strides = array<i32>} : memref<256x128xf32, #tpu.memory_space<vmem>>, vector<1x16xf32>,
      %broadcast_in_dim3A_278 = arith.constant 2 : i32
      %broadcast_in_dim3A_279 = vector.broadcast %broadcast_in_dim3A_278 : i32 to vector<16xi32>
      %broadcast_in_dim3A_280 = vector.shape_cast %broadcast_in_dim3A_279 : vector<16xi32> to vector<16x1xi32>
      %gather3A_281 = vector.shape_cast %broadcast_in_dim3A_280 : vector<16x1xi32> to vector<16xi32>
      %gather3A_282 = tpu.dynamic_gather %gather3A_19[%gather3A_281] in [0] : vector<16xf32>, vector<16xi32> -> vector<16xf32>
      %broadcast_in_dim3A_283 = vector.shape_cast %broadcast_in_dim3A_279 : vector<16xi32> to vector<16x1xi32>
      %gather3A_284 = vector.shape_cast %broadcast_in_dim3A_283 : vector<16x1xi32> to vector<16xi32>
      %gather3A_285 = tpu.dynamic_gather %gather3A_22[%gather3A_284] in [0] : vector<16xf32>, vector<16xi32> -> vector<16xf32>
      %add3A_286 = arith.constant 2 : i32
      %add3A_287 = arith.addi %mul3A_15, %add3A_286 : i32
      %get3A_288 = arith.index_cast %add3A_287 : i32 to index
      %get3A_289 = arith.constant 0 : index
      %get3A_290 = tpu.vector_load %arg7[%get3A_288, %get3A_289] {strides = array<i32>} : memref<256x128xf32, #tpu.memory_space<vmem>>, vector<1x16xf32>,
      %get3A_291 = vector.shape_cast %get3A_290 : vector<1x16xf32> to vector<16xf32>
      %mul3A_292 = arith.mulf %gather3A_282, %get3A_291 : vector<16xf32>
      %add3A_293 = arith.addf %mul3A_292, %gather3A_285 : vector<16xf32>
      %add3A_294 = arith.constant 2 : i32
      %add3A_295 = arith.addi %mul3A_15, %add3A_294 : i32
      %swap3A_296 = arith.index_cast %add3A_295 : i32 to index
      %swap3A_297 = arith.constant 0 : index
      %swap3A_298 = tpu.vector_load %arg7[%swap3A_296, %swap3A_297] {strides = array<i32>} : memref<256x128xf32, #tpu.memory_space<vmem>>, vector<1x16xf32>,
      %swap3A_299 = vector.shape_cast %swap3A_298 : vector<1x16xf32> to vector<16xf32>
      %swap3A_300 = vector.shape_cast %add3A_293 : vector<16xf32> to vector<1x16xf32>
      tpu.vector_store %arg7[%swap3A_296, %swap3A_297], %swap3A_300 {strides = array<i32>} : memref<256x128xf32, #tpu.memory_space<vmem>>, vector<1x16xf32>,
      %add3A_301 = arith.constant 2 : i32
      %add3A_302 = arith.addi %mul3A_15, %add3A_301 : i32
      %get3A_303 = arith.index_cast %add3A_302 : i32 to index
      %get3A_304 = arith.constant 16 : index
      %get3A_305 = tpu.vector_load %arg7[%get3A_303, %get3A_304] {strides = array<i32>} : memref<256x128xf32, #tpu.memory_space<vmem>>, vector<1x16xf32>,
      %get3A_306 = vector.shape_cast %get3A_305 : vector<1x16xf32> to vector<16xf32>
      %mul3A_307 = arith.mulf %gather3A_282, %get3A_306 : vector<16xf32>
      %add3A_308 = arith.addf %mul3A_307, %gather3A_285 : vector<16xf32>
      %add3A_309 = arith.constant 2 : i32
      %add3A_310 = arith.addi %mul3A_15, %add3A_309 : i32
      %swap3A_311 = arith.index_cast %add3A_310 : i32 to index
      %swap3A_312 = arith.constant 16 : index
      %swap3A_313 = tpu.vector_load %arg7[%swap3A_311, %swap3A_312] {strides = array<i32>} : memref<256x128xf32, #tpu.memory_space<vmem>>, vector<1x16xf32>,
      %swap3A_314 = vector.shape_cast %swap3A_313 : vector<1x16xf32> to vector<16xf32>
      %swap3A_315 = vector.shape_cast %add3A_308 : vector<16xf32> to vector<1x16xf32>
      tpu.vector_store %arg7[%swap3A_311, %swap3A_312], %swap3A_315 {strides = array<i32>} : memref<256x128xf32, #tpu.memory_space<vmem>>, vector<1x16xf32>,
      %add3A_316 = arith.constant 2 : i32
      %add3A_317 = arith.addi %mul3A_15, %add3A_316 : i32
      %get3A_318 = arith.index_cast %add3A_317 : i32 to index
      %get3A_319 = arith.constant 32 : index
      %get3A_320 = tpu.vector_load %arg7[%get3A_318, %get3A_319] {strides = array<i32>} : memref<256x128xf32, #tpu.memory_space<vmem>>, vector<1x16xf32>,
      %get3A_321 = vector.shape_cast %get3A_320 : vector<1x16xf32> to vector<16xf32>
      %mul3A_322 = arith.mulf %gather3A_282, %get3A_321 : vector<16xf32>
      %add3A_323 = arith.addf %mul3A_322, %gather3A_285 : vector<16xf32>
      %add3A_324 = arith.constant 2 : i32
      %add3A_325 = arith.addi %mul3A_15, %add3A_324 : i32
      %swap3A_326 = arith.index_cast %add3A_325 : i32 to index
      %swap3A_327 = arith.constant 32 : index
      %swap3A_328 = tpu.vector_load %arg7[%swap3A_326, %swap3A_327] {strides = array<i32>} : memref<256x128xf32, #tpu.memory_space<vmem>>, vector<1x16xf32>,
      %swap3A_329 = vector.shape_cast %swap3A_328 : vector<1x16xf32> to vector<16xf32>
      %swap3A_330 = vector.shape_cast %add3A_323 : vector<16xf32> to vector<1x16xf32>
      tpu.vector_store %arg7[%swap3A_326, %swap3A_327], %swap3A_330 {strides = array<i32>} : memref<256x128xf32, #tpu.memory_space<vmem>>, vector<1x16xf32>,
      %add3A_331 = arith.constant 2 : i32
      %add3A_332 = arith.addi %mul3A_15, %add3A_331 : i32
      %get3A_333 = arith.index_cast %add3A_332 : i32 to index
      %get3A_334 = arith.constant 48 : index
      %get3A_335 = tpu.vector_load %arg7[%get3A_333, %get3A_334] {strides = array<i32>} : memref<256x128xf32, #tpu.memory_space<vmem>>, vector<1x16xf32>,
      %get3A_336 = vector.shape_cast %get3A_335 : vector<1x16xf32> to vector<16xf32>
      %mul3A_337 = arith.mulf %gather3A_282, %get3A_336 : vector<16xf32>
      %add3A_338 = arith.addf %mul3A_337, %gather3A_285 : vector<16xf32>
      %add3A_339 = arith.constant 2 : i32
      %add3A_340 = arith.addi %mul3A_15, %add3A_339 : i32
      %swap3A_341 = arith.index_cast %add3A_340 : i32 to index
      %swap3A_342 = arith.constant 48 : index
      %swap3A_343 = tpu.vector_load %arg7[%swap3A_341, %swap3A_342] {strides = array<i32>} : memref<256x128xf32, #tpu.memory_space<vmem>>, vector<1x16xf32>,
      %swap3A_344 = vector.shape_cast %swap3A_343 : vector<1x16xf32> to vector<16xf32>
      %swap3A_345 = vector.shape_cast %add3A_338 : vector<16xf32> to vector<1x16xf32>
      tpu.vector_store %arg7[%swap3A_341, %swap3A_342], %swap3A_345 {strides = array<i32>} : memref<256x128xf32, #tpu.memory_space<vmem>>, vector<1x16xf32>,
      %add3A_346 = arith.constant 2 : i32
      %add3A_347 = arith.addi %mul3A_15, %add3A_346 : i32
      %get3A_348 = arith.index_cast %add3A_347 : i32 to index
      %get3A_349 = arith.constant 64 : index
      %get3A_350 = tpu.vector_load %arg7[%get3A_348, %get3A_349] {strides = array<i32>} : memref<256x128xf32, #tpu.memory_space<vmem>>, vector<1x16xf32>,
      %get3A_351 = vector.shape_cast %get3A_350 : vector<1x16xf32> to vector<16xf32>
      %mul3A_352 = arith.mulf %gather3A_282, %get3A_351 : vector<16xf32>
      %add3A_353 = arith.addf %mul3A_352, %gather3A_285 : vector<16xf32>
      %add3A_354 = arith.constant 2 : i32
      %add3A_355 = arith.addi %mul3A_15, %add3A_354 : i32
      %swap3A_356 = arith.index_cast %add3A_355 : i32 to index
      %swap3A_357 = arith.constant 64 : index
      %swap3A_358 = tpu.vector_load %arg7[%swap3A_356, %swap3A_357] {strides = array<i32>} : memref<256x128xf32, #tpu.memory_space<vmem>>, vector<1x16xf32>,
      %swap3A_359 = vector.shape_cast %swap3A_358 : vector<1x16xf32> to vector<16xf32>
      %swap3A_360 = vector.shape_cast %add3A_353 : vector<16xf32> to vector<1x16xf32>
      tpu.vector_store %arg7[%swap3A_356, %swap3A_357], %swap3A_360 {strides = array<i32>} : memref<256x128xf32, #tpu.memory_space<vmem>>, vector<1x16xf32>,
      %add3A_361 = arith.constant 2 : i32
      %add3A_362 = arith.addi %mul3A_15, %add3A_361 : i32
      %get3A_363 = arith.index_cast %add3A_362 : i32 to index
      %get3A_364 = arith.constant 80 : index
      %get3A_365 = tpu.vector_load %arg7[%get3A_363, %get3A_364] {strides = array<i32>} : memref<256x128xf32, #tpu.memory_space<vmem>>, vector<1x16xf32>,
      %get3A_366 = vector.shape_cast %get3A_365 : vector<1x16xf32> to vector<16xf32>
      %mul3A_367 = arith.mulf %gather3A_282, %get3A_366 : vector<16xf32>
      %add3A_368 = arith.addf %mul3A_367, %gather3A_285 : vector<16xf32>
      %add3A_369 = arith.constant 2 : i32
      %add3A_370 = arith.addi %mul3A_15, %add3A_369 : i32
      %swap3A_371 = arith.index_cast %add3A_370 : i32 to index
      %swap3A_372 = arith.constant 80 : index
      %swap3A_373 = tpu.vector_load %arg7[%swap3A_371, %swap3A_372] {strides = array<i32>} : memref<256x128xf32, #tpu.memory_space<vmem>>, vector<1x16xf32>,
      %swap3A_374 = vector.shape_cast %swap3A_373 : vector<1x16xf32> to vector<16xf32>
      %swap3A_375 = vector.shape_cast %add3A_368 : vector<16xf32> to vector<1x16xf32>
      tpu.vector_store %arg7[%swap3A_371, %swap3A_372], %swap3A_375 {strides = array<i32>} : memref<256x128xf32, #tpu.memory_space<vmem>>, vector<1x16xf32>,
      %add3A_376 = arith.constant 2 : i32
      %add3A_377 = arith.addi %mul3A_15, %add3A_376 : i32
      %get3A_378 = arith.index_cast %add3A_377 : i32 to index
      %get3A_379 = arith.constant 96 : index
      %get3A_380 = tpu.vector_load %arg7[%get3A_378, %get3A_379] {strides = array<i32>} : memref<256x128xf32, #tpu.memory_space<vmem>>, vector<1x16xf32>,
      %get3A_381 = vector.shape_cast %get3A_380 : vector<1x16xf32> to vector<16xf32>
      %mul3A_382 = arith.mulf %gather3A_282, %get3A_381 : vector<16xf32>
      %add3A_383 = arith.addf %mul3A_382, %gather3A_285 : vector<16xf32>
      %add3A_384 = arith.constant 2 : i32
      %add3A_385 = arith.addi %mul3A_15, %add3A_384 : i32
      %swap3A_386 = arith.index_cast %add3A_385 : i32 to index
      %swap3A_387 = arith.constant 96 : index
      %swap3A_388 = tpu.vector_load %arg7[%swap3A_386, %swap3A_387] {strides = array<i32>} : memref<256x128xf32, #tpu.memory_space<vmem>>, vector<1x16xf32>,
      %swap3A_389 = vector.shape_cast %swap3A_388 : vector<1x16xf32> to vector<16xf32>
      %swap3A_390 = vector.shape_cast %add3A_383 : vector<16xf32> to vector<1x16xf32>
      tpu.vector_store %arg7[%swap3A_386, %swap3A_387], %swap3A_390 {strides = array<i32>} : memref<256x128xf32, #tpu.memory_space<vmem>>, vector<1x16xf32>,
      %add3A_391 = arith.constant 2 : i32
      %add3A_392 = arith.addi %mul3A_15, %add3A_391 : i32
      %get3A_393 = arith.index_cast %add3A_392 : i32 to index
      %get3A_394 = arith.constant 112 : index
      %get3A_395 = tpu.vector_load %arg7[%get3A_393, %get3A_394] {strides = array<i32>} : memref<256x128xf32, #tpu.memory_space<vmem>>, vector<1x16xf32>,
      %get3A_396 = vector.shape_cast %get3A_395 : vector<1x16xf32> to vector<16xf32>
      %mul3A_397 = arith.mulf %gather3A_282, %get3A_396 : vector<16xf32>
      %add3A_398 = arith.addf %mul3A_397, %gather3A_285 : vector<16xf32>
      %add3A_399 = arith.constant 2 : i32
      %add3A_400 = arith.addi %mul3A_15, %add3A_399 : i32
      %swap3A_401 = arith.index_cast %add3A_400 : i32 to index
      %swap3A_402 = arith.constant 112 : index
      %swap3A_403 = tpu.vector_load %arg7[%swap3A_401, %swap3A_402] {strides = array<i32>} : memref<256x128xf32, #tpu.memory_space<vmem>>, vector<1x16xf32>,
      %swap3A_404 = vector.shape_cast %swap3A_403 : vector<1x16xf32> to vector<16xf32>
      %swap3A_405 = vector.shape_cast %add3A_398 : vector<16xf32> to vector<1x16xf32>
      tpu.vector_store %arg7[%swap3A_401, %swap3A_402], %swap3A_405 {strides = array<i32>} : memref<256x128xf32, #tpu.memory_space<vmem>>, vector<1x16xf32>,
      %broadcast_in_dim3A_406 = arith.constant 3 : i32
      %broadcast_in_dim3A_407 = vector.broadcast %broadcast_in_dim3A_406 : i32 to vector<16xi32>
      %broadcast_in_dim3A_408 = vector.shape_cast %broadcast_in_dim3A_407 : vector<16xi32> to vector<16x1xi32>
      %gather3A_409 = vector.shape_cast %broadcast_in_dim3A_408 : vector<16x1xi32> to vector<16xi32>
      %gather3A_410 = tpu.dynamic_gather %gather3A_19[%gather3A_409] in [0] : vector<16xf32>, vector<16xi32> -> vector<16xf32>
      %broadcast_in_dim3A_411 = vector.shape_cast %broadcast_in_dim3A_407 : vector<16xi32> to vector<16x1xi32>
      %gather3A_412 = vector.shape_cast %broadcast_in_dim3A_411 : vector<16x1xi32> to vector<16xi32>
      %gather3A_413 = tpu.dynamic_gather %gather3A_22[%gather3A_412] in [0] : vector<16xf32>, vector<16xi32> -> vector<16xf32>
      %add3A_414 = arith.constant 3 : i32
      %add3A_415 = arith.addi %mul3A_15, %add3A_414 : i32
      %get3A_416 = arith.index_cast %add3A_415 : i32 to index
      %get3A_417 = arith.constant 0 : index
      %get3A_418 = tpu.vector_load %arg7[%get3A_416, %get3A_417] {strides = array<i32>} : memref<256x128xf32, #tpu.memory_space<vmem>>, vector<1x16xf32>,
      %get3A_419 = vector.shape_cast %get3A_418 : vector<1x16xf32> to vector<16xf32>
      %mul3A_420 = arith.mulf %gather3A_410, %get3A_419 : vector<16xf32>
      %add3A_421 = arith.addf %mul3A_420, %gather3A_413 : vector<16xf32>
      %add3A_422 = arith.constant 3 : i32
      %add3A_423 = arith.addi %mul3A_15, %add3A_422 : i32
      %swap3A_424 = arith.index_cast %add3A_423 : i32 to index
      %swap3A_425 = arith.constant 0 : index
      %swap3A_426 = tpu.vector_load %arg7[%swap3A_424, %swap3A_425] {strides = array<i32>} : memref<256x128xf32, #tpu.memory_space<vmem>>, vector<1x16xf32>,
      %swap3A_427 = vector.shape_cast %swap3A_426 : vector<1x16xf32> to vector<16xf32>
      %swap3A_428 = vector.shape_cast %add3A_421 : vector<16xf32> to vector<1x16xf32>
      tpu.vector_store %arg7[%swap3A_424, %swap3A_425], %swap3A_428 {strides = array<i32>} : memref<256x128xf32, #tpu.memory_space<vmem>>, vector<1x16xf32>,
      %add3A_429 = arith.constant 3 : i32
      %add3A_430 = arith.addi %mul3A_15, %add3A_429 : i32
      %get3A_431 = arith.index_cast %add3A_430 : i32 to index
      %get3A_432 = arith.constant 16 : index
      %get3A_433 = tpu.vector_load %arg7[%get3A_431, %get3A_432] {strides = array<i32>} : memref<256x128xf32, #tpu.memory_space<vmem>>, vector<1x16xf32>,
      %get3A_434 = vector.shape_cast %get3A_433 : vector<1x16xf32> to vector<16xf32>
      %mul3A_435 = arith.mulf %gather3A_410, %get3A_434 : vector<16xf32>
      %add3A_436 = arith.addf %mul3A_435, %gather3A_413 : vector<16xf32>
      %add3A_437 = arith.constant 3 : i32
      %add3A_438 = arith.addi %mul3A_15, %add3A_437 : i32
      %swap3A_439 = arith.index_cast %add3A_438 : i32 to index
      %swap3A_440 = arith.constant 16 : index
      %swap3A_441 = tpu.vector_load %arg7[%swap3A_439, %swap3A_440] {strides = array<i32>} : memref<256x128xf32, #tpu.memory_space<vmem>>, vector<1x16xf32>,
      %swap3A_442 = vector.shape_cast %swap3A_441 : vector<1x16xf32> to vector<16xf32>
      %swap3A_443 = vector.shape_cast %add3A_436 : vector<16xf32> to vector<1x16xf32>
      tpu.vector_store %arg7[%swap3A_439, %swap3A_440], %swap3A_443 {strides = array<i32>} : memref<256x128xf32, #tpu.memory_space<vmem>>, vector<1x16xf32>,
      %add3A_444 = arith.constant 3 : i32
      %add3A_445 = arith.addi %mul3A_15, %add3A_444 : i32
      %get3A_446 = arith.index_cast %add3A_445 : i32 to index
      %get3A_447 = arith.constant 32 : index
      %get3A_448 = tpu.vector_load %arg7[%get3A_446, %get3A_447] {strides = array<i32>} : memref<256x128xf32, #tpu.memory_space<vmem>>, vector<1x16xf32>,
      %get3A_449 = vector.shape_cast %get3A_448 : vector<1x16xf32> to vector<16xf32>
      %mul3A_450 = arith.mulf %gather3A_410, %get3A_449 : vector<16xf32>
      %add3A_451 = arith.addf %mul3A_450, %gather3A_413 : vector<16xf32>
      %add3A_452 = arith.constant 3 : i32
      %add3A_453 = arith.addi %mul3A_15, %add3A_452 : i32
      %swap3A_454 = arith.index_cast %add3A_453 : i32 to index
      %swap3A_455 = arith.constant 32 : index
      %swap3A_456 = tpu.vector_load %arg7[%swap3A_454, %swap3A_455] {strides = array<i32>} : memref<256x128xf32, #tpu.memory_space<vmem>>, vector<1x16xf32>,
      %swap3A_457 = vector.shape_cast %swap3A_456 : vector<1x16xf32> to vector<16xf32>
      %swap3A_458 = vector.shape_cast %add3A_451 : vector<16xf32> to vector<1x16xf32>
      tpu.vector_store %arg7[%swap3A_454, %swap3A_455], %swap3A_458 {strides = array<i32>} : memref<256x128xf32, #tpu.memory_space<vmem>>, vector<1x16xf32>,
      %add3A_459 = arith.constant 3 : i32
      %add3A_460 = arith.addi %mul3A_15, %add3A_459 : i32
      %get3A_461 = arith.index_cast %add3A_460 : i32 to index
      %get3A_462 = arith.constant 48 : index
      %get3A_463 = tpu.vector_load %arg7[%get3A_461, %get3A_462] {strides = array<i32>} : memref<256x128xf32, #tpu.memory_space<vmem>>, vector<1x16xf32>,
      %get3A_464 = vector.shape_cast %get3A_463 : vector<1x16xf32> to vector<16xf32>
      %mul3A_465 = arith.mulf %gather3A_410, %get3A_464 : vector<16xf32>
      %add3A_466 = arith.addf %mul3A_465, %gather3A_413 : vector<16xf32>
      %add3A_467 = arith.constant 3 : i32
      %add3A_468 = arith.addi %mul3A_15, %add3A_467 : i32
      %swap3A_469 = arith.index_cast %add3A_468 : i32 to index
      %swap3A_470 = arith.constant 48 : index
      %swap3A_471 = tpu.vector_load %arg7[%swap3A_469, %swap3A_470] {strides = array<i32>} : memref<256x128xf32, #tpu.memory_space<vmem>>, vector<1x16xf32>,
      %swap3A_472 = vector.shape_cast %swap3A_471 : vector<1x16xf32> to vector<16xf32>
      %swap3A_473 = vector.shape_cast %add3A_466 : vector<16xf32> to vector<1x16xf32>
      tpu.vector_store %arg7[%swap3A_469, %swap3A_470], %swap3A_473 {strides = array<i32>} : memref<256x128xf32, #tpu.memory_space<vmem>>, vector<1x16xf32>,
      %add3A_474 = arith.constant 3 : i32
      %add3A_475 = arith.addi %mul3A_15, %add3A_474 : i32
      %get3A_476 = arith.index_cast %add3A_475 : i32 to index
      %get3A_477 = arith.constant 64 : index
      %get3A_478 = tpu.vector_load %arg7[%get3A_476, %get3A_477] {strides = array<i32>} : memref<256x128xf32, #tpu.memory_space<vmem>>, vector<1x16xf32>,
      %get3A_479 = vector.shape_cast %get3A_478 : vector<1x16xf32> to vector<16xf32>
      %mul3A_480 = arith.mulf %gather3A_410, %get3A_479 : vector<16xf32>
      %add3A_481 = arith.addf %mul3A_480, %gather3A_413 : vector<16xf32>
      %add3A_482 = arith.constant 3 : i32
      %add3A_483 = arith.addi %mul3A_15, %add3A_482 : i32
      %swap3A_484 = arith.index_cast %add3A_483 : i32 to index
      %swap3A_485 = arith.constant 64 : index
      %swap3A_486 = tpu.vector_load %arg7[%swap3A_484, %swap3A_485] {strides = array<i32>} : memref<256x128xf32, #tpu.memory_space<vmem>>, vector<1x16xf32>,
      %swap3A_487 = vector.shape_cast %swap3A_486 : vector<1x16xf32> to vector<16xf32>
      %swap3A_488 = vector.shape_cast %add3A_481 : vector<16xf32> to vector<1x16xf32>
      tpu.vector_store %arg7[%swap3A_484, %swap3A_485], %swap3A_488 {strides = array<i32>} : memref<256x128xf32, #tpu.memory_space<vmem>>, vector<1x16xf32>,
      %add3A_489 = arith.constant 3 : i32
      %add3A_490 = arith.addi %mul3A_15, %add3A_489 : i32
      %get3A_491 = arith.index_cast %add3A_490 : i32 to index
      %get3A_492 = arith.constant 80 : index
      %get3A_493 = tpu.vector_load %arg7[%get3A_491, %get3A_492] {strides = array<i32>} : memref<256x128xf32, #tpu.memory_space<vmem>>, vector<1x16xf32>,
      %get3A_494 = vector.shape_cast %get3A_493 : vector<1x16xf32> to vector<16xf32>
      %mul3A_495 = arith.mulf %gather3A_410, %get3A_494 : vector<16xf32>
      %add3A_496 = arith.addf %mul3A_495, %gather3A_413 : vector<16xf32>
      %add3A_497 = arith.constant 3 : i32
      %add3A_498 = arith.addi %mul3A_15, %add3A_497 : i32
      %swap3A_499 = arith.index_cast %add3A_498 : i32 to index
      %swap3A_500 = arith.constant 80 : index
      %swap3A_501 = tpu.vector_load %arg7[%swap3A_499, %swap3A_500] {strides = array<i32>} : memref<256x128xf32, #tpu.memory_space<vmem>>, vector<1x16xf32>,
      %swap3A_502 = vector.shape_cast %swap3A_501 : vector<1x16xf32> to vector<16xf32>
      %swap3A_503 = vector.shape_cast %add3A_496 : vector<16xf32> to vector<1x16xf32>
      tpu.vector_store %arg7[%swap3A_499, %swap3A_500], %swap3A_503 {strides = array<i32>} : memref<256x128xf32, #tpu.memory_space<vmem>>, vector<1x16xf32>,
      %add3A_504 = arith.constant 3 : i32
      %add3A_505 = arith.addi %mul3A_15, %add3A_504 : i32
      %get3A_506 = arith.index_cast %add3A_505 : i32 to index
      %get3A_507 = arith.constant 96 : index
      %get3A_508 = tpu.vector_load %arg7[%get3A_506, %get3A_507] {strides = array<i32>} : memref<256x128xf32, #tpu.memory_space<vmem>>, vector<1x16xf32>,
      %get3A_509 = vector.shape_cast %get3A_508 : vector<1x16xf32> to vector<16xf32>
      %mul3A_510 = arith.mulf %gather3A_410, %get3A_509 : vector<16xf32>
      %add3A_511 = arith.addf %mul3A_510, %gather3A_413 : vector<16xf32>
      %add3A_512 = arith.constant 3 : i32
      %add3A_513 = arith.addi %mul3A_15, %add3A_512 : i32
      %swap3A_514 = arith.index_cast %add3A_513 : i32 to index
      %swap3A_515 = arith.constant 96 : index
      %swap3A_516 = tpu.vector_load %arg7[%swap3A_514, %swap3A_515] {strides = array<i32>} : memref<256x128xf32, #tpu.memory_space<vmem>>, vector<1x16xf32>,
      %swap3A_517 = vector.shape_cast %swap3A_516 : vector<1x16xf32> to vector<16xf32>
      %swap3A_518 = vector.shape_cast %add3A_511 : vector<16xf32> to vector<1x16xf32>
      tpu.vector_store %arg7[%swap3A_514, %swap3A_515], %swap3A_518 {strides = array<i32>} : memref<256x128xf32, #tpu.memory_space<vmem>>, vector<1x16xf32>,
      %add3A_519 = arith.constant 3 : i32
      %add3A_520 = arith.addi %mul3A_15, %add3A_519 : i32
      %get3A_521 = arith.index_cast %add3A_520 : i32 to index
      %get3A_522 = arith.constant 112 : index
      %get3A_523 = tpu.vector_load %arg7[%get3A_521, %get3A_522] {strides = array<i32>} : memref<256x128xf32, #tpu.memory_space<vmem>>, vector<1x16xf32>,
      %get3A_524 = vector.shape_cast %get3A_523 : vector<1x16xf32> to vector<16xf32>
      %mul3A_525 = arith.mulf %gather3A_410, %get3A_524 : vector<16xf32>
      %add3A_526 = arith.addf %mul3A_525, %gather3A_413 : vector<16xf32>
      %add3A_527 = arith.constant 3 : i32
      %add3A_528 = arith.addi %mul3A_15, %add3A_527 : i32
      %swap3A_529 = arith.index_cast %add3A_528 : i32 to index
      %swap3A_530 = arith.constant 112 : index
      %swap3A_531 = tpu.vector_load %arg7[%swap3A_529, %swap3A_530] {strides = array<i32>} : memref<256x128xf32, #tpu.memory_space<vmem>>, vector<1x16xf32>,
      %swap3A_532 = vector.shape_cast %swap3A_531 : vector<1x16xf32> to vector<16xf32>
      %swap3A_533 = vector.shape_cast %add3A_526 : vector<16xf32> to vector<1x16xf32>
      tpu.vector_store %arg7[%swap3A_529, %swap3A_530], %swap3A_533 {strides = array<i32>} : memref<256x128xf32, #tpu.memory_space<vmem>>, vector<1x16xf32>,
      %broadcast_in_dim3A_534 = arith.constant 4 : i32
      %broadcast_in_dim3A_535 = vector.broadcast %broadcast_in_dim3A_534 : i32 to vector<16xi32>
      %broadcast_in_dim3A_536 = vector.shape_cast %broadcast_in_dim3A_535 : vector<16xi32> to vector<16x1xi32>
      %gather3A_537 = vector.shape_cast %broadcast_in_dim3A_536 : vector<16x1xi32> to vector<16xi32>
      %gather3A_538 = tpu.dynamic_gather %gather3A_19[%gather3A_537] in [0] : vector<16xf32>, vector<16xi32> -> vector<16xf32>
      %broadcast_in_dim3A_539 = vector.shape_cast %broadcast_in_dim3A_535 : vector<16xi32> to vector<16x1xi32>
      %gather3A_540 = vector.shape_cast %broadcast_in_dim3A_539 : vector<16x1xi32> to vector<16xi32>
      %gather3A_541 = tpu.dynamic_gather %gather3A_22[%gather3A_540] in [0] : vector<16xf32>, vector<16xi32> -> vector<16xf32>
      %add3A_542 = arith.constant 4 : i32
      %add3A_543 = arith.addi %mul3A_15, %add3A_542 : i32
      %get3A_544 = arith.index_cast %add3A_543 : i32 to index
      %get3A_545 = arith.constant 0 : index
      %get3A_546 = tpu.vector_load %arg7[%get3A_544, %get3A_545] {strides = array<i32>} : memref<256x128xf32, #tpu.memory_space<vmem>>, vector<1x16xf32>,
      %get3A_547 = vector.shape_cast %get3A_546 : vector<1x16xf32> to vector<16xf32>
      %mul3A_548 = arith.mulf %gather3A_538, %get3A_547 : vector<16xf32>
      %add3A_549 = arith.addf %mul3A_548, %gather3A_541 : vector<16xf32>
      %add3A_550 = arith.constant 4 : i32
      %add3A_551 = arith.addi %mul3A_15, %add3A_550 : i32
      %swap3A_552 = arith.index_cast %add3A_551 : i32 to index
      %swap3A_553 = arith.constant 0 : index
      %swap3A_554 = tpu.vector_load %arg7[%swap3A_552, %swap3A_553] {strides = array<i32>} : memref<256x128xf32, #tpu.memory_space<vmem>>, vector<1x16xf32>,
      %swap3A_555 = vector.shape_cast %swap3A_554 : vector<1x16xf32> to vector<16xf32>
      %swap3A_556 = vector.shape_cast %add3A_549 : vector<16xf32> to vector<1x16xf32>
      tpu.vector_store %arg7[%swap3A_552, %swap3A_553], %swap3A_556 {strides = array<i32>} : memref<256x128xf32, #tpu.memory_space<vmem>>, vector<1x16xf32>,
      %add3A_557 = arith.constant 4 : i32
      %add3A_558 = arith.addi %mul3A_15, %add3A_557 : i32
      %get3A_559 = arith.index_cast %add3A_558 : i32 to index
      %get3A_560 = arith.constant 16 : index
      %get3A_561 = tpu.vector_load %arg7[%get3A_559, %get3A_560] {strides = array<i32>} : memref<256x128xf32, #tpu.memory_space<vmem>>, vector<1x16xf32>,
      %get3A_562 = vector.shape_cast %get3A_561 : vector<1x16xf32> to vector<16xf32>
      %mul3A_563 = arith.mulf %gather3A_538, %get3A_562 : vector<16xf32>
      %add3A_564 = arith.addf %mul3A_563, %gather3A_541 : vector<16xf32>
      %add3A_565 = arith.constant 4 : i32
      %add3A_566 = arith.addi %mul3A_15, %add3A_565 : i32
      %swap3A_567 = arith.index_cast %add3A_566 : i32 to index
      %swap3A_568 = arith.constant 16 : index
      %swap3A_569 = tpu.vector_load %arg7[%swap3A_567, %swap3A_568] {strides = array<i32>} : memref<256x128xf32, #tpu.memory_space<vmem>>, vector<1x16xf32>,
      %swap3A_570 = vector.shape_cast %swap3A_569 : vector<1x16xf32> to vector<16xf32>
      %swap3A_571 = vector.shape_cast %add3A_564 : vector<16xf32> to vector<1x16xf32>
      tpu.vector_store %arg7[%swap3A_567, %swap3A_568], %swap3A_571 {strides = array<i32>} : memref<256x128xf32, #tpu.memory_space<vmem>>, vector<1x16xf32>,
      %add3A_572 = arith.constant 4 : i32
      %add3A_573 = arith.addi %mul3A_15, %add3A_572 : i32
      %get3A_574 = arith.index_cast %add3A_573 : i32 to index
      %get3A_575 = arith.constant 32 : index
      %get3A_576 = tpu.vector_load %arg7[%get3A_574, %get3A_575] {strides = array<i32>} : memref<256x128xf32, #tpu.memory_space<vmem>>, vector<1x16xf32>,
      %get3A_577 = vector.shape_cast %get3A_576 : vector<1x16xf32> to vector<16xf32>
      %mul3A_578 = arith.mulf %gather3A_538, %get3A_577 : vector<16xf32>
      %add3A_579 = arith.addf %mul3A_578, %gather3A_541 : vector<16xf32>
      %add3A_580 = arith.constant 4 : i32
      %add3A_581 = arith.addi %mul3A_15, %add3A_580 : i32
      %swap3A_582 = arith.index_cast %add3A_581 : i32 to index
      %swap3A_583 = arith.constant 32 : index
      %swap3A_584 = tpu.vector_load %arg7[%swap3A_582, %swap3A_583] {strides = array<i32>} : memref<256x128xf32, #tpu.memory_space<vmem>>, vector<1x16xf32>,
      %swap3A_585 = vector.shape_cast %swap3A_584 : vector<1x16xf32> to vector<16xf32>
      %swap3A_586 = vector.shape_cast %add3A_579 : vector<16xf32> to vector<1x16xf32>
      tpu.vector_store %arg7[%swap3A_582, %swap3A_583], %swap3A_586 {strides = array<i32>} : memref<256x128xf32, #tpu.memory_space<vmem>>, vector<1x16xf32>,
      %add3A_587 = arith.constant 4 : i32
      %add3A_588 = arith.addi %mul3A_15, %add3A_587 : i32
      %get3A_589 = arith.index_cast %add3A_588 : i32 to index
      %get3A_590 = arith.constant 48 : index
      %get3A_591 = tpu.vector_load %arg7[%get3A_589, %get3A_590] {strides = array<i32>} : memref<256x128xf32, #tpu.memory_space<vmem>>, vector<1x16xf32>,
      %get3A_592 = vector.shape_cast %get3A_591 : vector<1x16xf32> to vector<16xf32>
      %mul3A_593 = arith.mulf %gather3A_538, %get3A_592 : vector<16xf32>
      %add3A_594 = arith.addf %mul3A_593, %gather3A_541 : vector<16xf32>
      %add3A_595 = arith.constant 4 : i32
      %add3A_596 = arith.addi %mul3A_15, %add3A_595 : i32
      %swap3A_597 = arith.index_cast %add3A_596 : i32 to index
      %swap3A_598 = arith.constant 48 : index
      %swap3A_599 = tpu.vector_load %arg7[%swap3A_597, %swap3A_598] {strides = array<i32>} : memref<256x128xf32, #tpu.memory_space<vmem>>, vector<1x16xf32>,
      %swap3A_600 = vector.shape_cast %swap3A_599 : vector<1x16xf32> to vector<16xf32>
      %swap3A_601 = vector.shape_cast %add3A_594 : vector<16xf32> to vector<1x16xf32>
      tpu.vector_store %arg7[%swap3A_597, %swap3A_598], %swap3A_601 {strides = array<i32>} : memref<256x128xf32, #tpu.memory_space<vmem>>, vector<1x16xf32>,
      %add3A_602 = arith.constant 4 : i32
      %add3A_603 = arith.addi %mul3A_15, %add3A_602 : i32
      %get3A_604 = arith.index_cast %add3A_603 : i32 to index
      %get3A_605 = arith.constant 64 : index
      %get3A_606 = tpu.vector_load %arg7[%get3A_604, %get3A_605] {strides = array<i32>} : memref<256x128xf32, #tpu.memory_space<vmem>>, vector<1x16xf32>,
      %get3A_607 = vector.shape_cast %get3A_606 : vector<1x16xf32> to vector<16xf32>
      %mul3A_608 = arith.mulf %gather3A_538, %get3A_607 : vector<16xf32>
      %add3A_609 = arith.addf %mul3A_608, %gather3A_541 : vector<16xf32>
      %add3A_610 = arith.constant 4 : i32
      %add3A_611 = arith.addi %mul3A_15, %add3A_610 : i32
      %swap3A_612 = arith.index_cast %add3A_611 : i32 to index
      %swap3A_613 = arith.constant 64 : index
      %swap3A_614 = tpu.vector_load %arg7[%swap3A_612, %swap3A_613] {strides = array<i32>} : memref<256x128xf32, #tpu.memory_space<vmem>>, vector<1x16xf32>,
      %swap3A_615 = vector.shape_cast %swap3A_614 : vector<1x16xf32> to vector<16xf32>
      %swap3A_616 = vector.shape_cast %add3A_609 : vector<16xf32> to vector<1x16xf32>
      tpu.vector_store %arg7[%swap3A_612, %swap3A_613], %swap3A_616 {strides = array<i32>} : memref<256x128xf32, #tpu.memory_space<vmem>>, vector<1x16xf32>,
      %add3A_617 = arith.constant 4 : i32
      %add3A_618 = arith.addi %mul3A_15, %add3A_617 : i32
      %get3A_619 = arith.index_cast %add3A_618 : i32 to index
      %get3A_620 = arith.constant 80 : index
      %get3A_621 = tpu.vector_load %arg7[%get3A_619, %get3A_620] {strides = array<i32>} : memref<256x128xf32, #tpu.memory_space<vmem>>, vector<1x16xf32>,
      %get3A_622 = vector.shape_cast %get3A_621 : vector<1x16xf32> to vector<16xf32>
      %mul3A_623 = arith.mulf %gather3A_538, %get3A_622 : vector<16xf32>
      %add3A_624 = arith.addf %mul3A_623, %gather3A_541 : vector<16xf32>
      %add3A_625 = arith.constant 4 : i32
      %add3A_626 = arith.addi %mul3A_15, %add3A_625 : i32
      %swap3A_627 = arith.index_cast %add3A_626 : i32 to index
      %swap3A_628 = arith.constant 80 : index
      %swap3A_629 = tpu.vector_load %arg7[%swap3A_627, %swap3A_628] {strides = array<i32>} : memref<256x128xf32, #tpu.memory_space<vmem>>, vector<1x16xf32>,
      %swap3A_630 = vector.shape_cast %swap3A_629 : vector<1x16xf32> to vector<16xf32>
      %swap3A_631 = vector.shape_cast %add3A_624 : vector<16xf32> to vector<1x16xf32>
      tpu.vector_store %arg7[%swap3A_627, %swap3A_628], %swap3A_631 {strides = array<i32>} : memref<256x128xf32, #tpu.memory_space<vmem>>, vector<1x16xf32>,
      %add3A_632 = arith.constant 4 : i32
      %add3A_633 = arith.addi %mul3A_15, %add3A_632 : i32
      %get3A_634 = arith.index_cast %add3A_633 : i32 to index
      %get3A_635 = arith.constant 96 : index
      %get3A_636 = tpu.vector_load %arg7[%get3A_634, %get3A_635] {strides = array<i32>} : memref<256x128xf32, #tpu.memory_space<vmem>>, vector<1x16xf32>,
      %get3A_637 = vector.shape_cast %get3A_636 : vector<1x16xf32> to vector<16xf32>
      %mul3A_638 = arith.mulf %gather3A_538, %get3A_637 : vector<16xf32>
      %add3A_639 = arith.addf %mul3A_638, %gather3A_541 : vector<16xf32>
      %add3A_640 = arith.constant 4 : i32
      %add3A_641 = arith.addi %mul3A_15, %add3A_640 : i32
      %swap3A_642 = arith.index_cast %add3A_641 : i32 to index
      %swap3A_643 = arith.constant 96 : index
      %swap3A_644 = tpu.vector_load %arg7[%swap3A_642, %swap3A_643] {strides = array<i32>} : memref<256x128xf32, #tpu.memory_space<vmem>>, vector<1x16xf32>,
      %swap3A_645 = vector.shape_cast %swap3A_644 : vector<1x16xf32> to vector<16xf32>
      %swap3A_646 = vector.shape_cast %add3A_639 : vector<16xf32> to vector<1x16xf32>
      tpu.vector_store %arg7[%swap3A_642, %swap3A_643], %swap3A_646 {strides = array<i32>} : memref<256x128xf32, #tpu.memory_space<vmem>>, vector<1x16xf32>,
      %add3A_647 = arith.constant 4 : i32
      %add3A_648 = arith.addi %mul3A_15, %add3A_647 : i32
      %get3A_649 = arith.index_cast %add3A_648 : i32 to index
      %get3A_650 = arith.constant 112 : index
      %get3A_651 = tpu.vector_load %arg7[%get3A_649, %get3A_650] {strides = array<i32>} : memref<256x128xf32, #tpu.memory_space<vmem>>, vector<1x16xf32>,
      %get3A_652 = vector.shape_cast %get3A_651 : vector<1x16xf32> to vector<16xf32>
      %mul3A_653 = arith.mulf %gather3A_538, %get3A_652 : vector<16xf32>
      %add3A_654 = arith.addf %mul3A_653, %gather3A_541 : vector<16xf32>
      %add3A_655 = arith.constant 4 : i32
      %add3A_656 = arith.addi %mul3A_15, %add3A_655 : i32
      %swap3A_657 = arith.index_cast %add3A_656 : i32 to index
      %swap3A_658 = arith.constant 112 : index
      %swap3A_659 = tpu.vector_load %arg7[%swap3A_657, %swap3A_658] {strides = array<i32>} : memref<256x128xf32, #tpu.memory_space<vmem>>, vector<1x16xf32>,
      %swap3A_660 = vector.shape_cast %swap3A_659 : vector<1x16xf32> to vector<16xf32>
      %swap3A_661 = vector.shape_cast %add3A_654 : vector<16xf32> to vector<1x16xf32>
      tpu.vector_store %arg7[%swap3A_657, %swap3A_658], %swap3A_661 {strides = array<i32>} : memref<256x128xf32, #tpu.memory_space<vmem>>, vector<1x16xf32>,
      %broadcast_in_dim3A_662 = arith.constant 5 : i32
      %broadcast_in_dim3A_663 = vector.broadcast %broadcast_in_dim3A_662 : i32 to vector<16xi32>
      %broadcast_in_dim3A_664 = vector.shape_cast %broadcast_in_dim3A_663 : vector<16xi32> to vector<16x1xi32>
      %gather3A_665 = vector.shape_cast %broadcast_in_dim3A_664 : vector<16x1xi32> to vector<16xi32>
      %gather3A_666 = tpu.dynamic_gather %gather3A_19[%gather3A_665] in [0] : vector<16xf32>, vector<16xi32> -> vector<16xf32>
      %broadcast_in_dim3A_667 = vector.shape_cast %broadcast_in_dim3A_663 : vector<16xi32> to vector<16x1xi32>
      %gather3A_668 = vector.shape_cast %broadcast_in_dim3A_667 : vector<16x1xi32> to vector<16xi32>
      %gather3A_669 = tpu.dynamic_gather %gather3A_22[%gather3A_668] in [0] : vector<16xf32>, vector<16xi32> -> vector<16xf32>
      %add3A_670 = arith.constant 5 : i32
      %add3A_671 = arith.addi %mul3A_15, %add3A_670 : i32
      %get3A_672 = arith.index_cast %add3A_671 : i32 to index
      %get3A_673 = arith.constant 0 : index
      %get3A_674 = tpu.vector_load %arg7[%get3A_672, %get3A_673] {strides = array<i32>} : memref<256x128xf32, #tpu.memory_space<vmem>>, vector<1x16xf32>,
      %get3A_675 = vector.shape_cast %get3A_674 : vector<1x16xf32> to vector<16xf32>
      %mul3A_676 = arith.mulf %gather3A_666, %get3A_675 : vector<16xf32>
      %add3A_677 = arith.addf %mul3A_676, %gather3A_669 : vector<16xf32>
      %add3A_678 = arith.constant 5 : i32
      %add3A_679 = arith.addi %mul3A_15, %add3A_678 : i32
      %swap3A_680 = arith.index_cast %add3A_679 : i32 to index
      %swap3A_681 = arith.constant 0 : index
      %swap3A_682 = tpu.vector_load %arg7[%swap3A_680, %swap3A_681] {strides = array<i32>} : memref<256x128xf32, #tpu.memory_space<vmem>>, vector<1x16xf32>,
      %swap3A_683 = vector.shape_cast %swap3A_682 : vector<1x16xf32> to vector<16xf32>
      %swap3A_684 = vector.shape_cast %add3A_677 : vector<16xf32> to vector<1x16xf32>
      tpu.vector_store %arg7[%swap3A_680, %swap3A_681], %swap3A_684 {strides = array<i32>} : memref<256x128xf32, #tpu.memory_space<vmem>>, vector<1x16xf32>,
      %add3A_685 = arith.constant 5 : i32
      %add3A_686 = arith.addi %mul3A_15, %add3A_685 : i32
      %get3A_687 = arith.index_cast %add3A_686 : i32 to index
      %get3A_688 = arith.constant 16 : index
      %get3A_689 = tpu.vector_load %arg7[%get3A_687, %get3A_688] {strides = array<i32>} : memref<256x128xf32, #tpu.memory_space<vmem>>, vector<1x16xf32>,
      %get3A_690 = vector.shape_cast %get3A_689 : vector<1x16xf32> to vector<16xf32>
      %mul3A_691 = arith.mulf %gather3A_666, %get3A_690 : vector<16xf32>
      %add3A_692 = arith.addf %mul3A_691, %gather3A_669 : vector<16xf32>
      %add3A_693 = arith.constant 5 : i32
      %add3A_694 = arith.addi %mul3A_15, %add3A_693 : i32
      %swap3A_695 = arith.index_cast %add3A_694 : i32 to index
      %swap3A_696 = arith.constant 16 : index
      %swap3A_697 = tpu.vector_load %arg7[%swap3A_695, %swap3A_696] {strides = array<i32>} : memref<256x128xf32, #tpu.memory_space<vmem>>, vector<1x16xf32>,
      %swap3A_698 = vector.shape_cast %swap3A_697 : vector<1x16xf32> to vector<16xf32>
      %swap3A_699 = vector.shape_cast %add3A_692 : vector<16xf32> to vector<1x16xf32>
      tpu.vector_store %arg7[%swap3A_695, %swap3A_696], %swap3A_699 {strides = array<i32>} : memref<256x128xf32, #tpu.memory_space<vmem>>, vector<1x16xf32>,
      %add3A_700 = arith.constant 5 : i32
      %add3A_701 = arith.addi %mul3A_15, %add3A_700 : i32
      %get3A_702 = arith.index_cast %add3A_701 : i32 to index
      %get3A_703 = arith.constant 32 : index
      %get3A_704 = tpu.vector_load %arg7[%get3A_702, %get3A_703] {strides = array<i32>} : memref<256x128xf32, #tpu.memory_space<vmem>>, vector<1x16xf32>,
      %get3A_705 = vector.shape_cast %get3A_704 : vector<1x16xf32> to vector<16xf32>
      %mul3A_706 = arith.mulf %gather3A_666, %get3A_705 : vector<16xf32>
      %add3A_707 = arith.addf %mul3A_706, %gather3A_669 : vector<16xf32>
      %add3A_708 = arith.constant 5 : i32
      %add3A_709 = arith.addi %mul3A_15, %add3A_708 : i32
      %swap3A_710 = arith.index_cast %add3A_709 : i32 to index
      %swap3A_711 = arith.constant 32 : index
      %swap3A_712 = tpu.vector_load %arg7[%swap3A_710, %swap3A_711] {strides = array<i32>} : memref<256x128xf32, #tpu.memory_space<vmem>>, vector<1x16xf32>,
      %swap3A_713 = vector.shape_cast %swap3A_712 : vector<1x16xf32> to vector<16xf32>
      %swap3A_714 = vector.shape_cast %add3A_707 : vector<16xf32> to vector<1x16xf32>
      tpu.vector_store %arg7[%swap3A_710, %swap3A_711], %swap3A_714 {strides = array<i32>} : memref<256x128xf32, #tpu.memory_space<vmem>>, vector<1x16xf32>,
      %add3A_715 = arith.constant 5 : i32
      %add3A_716 = arith.addi %mul3A_15, %add3A_715 : i32
      %get3A_717 = arith.index_cast %add3A_716 : i32 to index
      %get3A_718 = arith.constant 48 : index
      %get3A_719 = tpu.vector_load %arg7[%get3A_717, %get3A_718] {strides = array<i32>} : memref<256x128xf32, #tpu.memory_space<vmem>>, vector<1x16xf32>,
      %get3A_720 = vector.shape_cast %get3A_719 : vector<1x16xf32> to vector<16xf32>
      %mul3A_721 = arith.mulf %gather3A_666, %get3A_720 : vector<16xf32>
      %add3A_722 = arith.addf %mul3A_721, %gather3A_669 : vector<16xf32>
      %add3A_723 = arith.constant 5 : i32
      %add3A_724 = arith.addi %mul3A_15, %add3A_723 : i32
      %swap3A_725 = arith.index_cast %add3A_724 : i32 to index
      %swap3A_726 = arith.constant 48 : index
      %swap3A_727 = tpu.vector_load %arg7[%swap3A_725, %swap3A_726] {strides = array<i32>} : memref<256x128xf32, #tpu.memory_space<vmem>>, vector<1x16xf32>,
      %swap3A_728 = vector.shape_cast %swap3A_727 : vector<1x16xf32> to vector<16xf32>
      %swap3A_729 = vector.shape_cast %add3A_722 : vector<16xf32> to vector<1x16xf32>
      tpu.vector_store %arg7[%swap3A_725, %swap3A_726], %swap3A_729 {strides = array<i32>} : memref<256x128xf32, #tpu.memory_space<vmem>>, vector<1x16xf32>,
      %add3A_730 = arith.constant 5 : i32
      %add3A_731 = arith.addi %mul3A_15, %add3A_730 : i32
      %get3A_732 = arith.index_cast %add3A_731 : i32 to index
      %get3A_733 = arith.constant 64 : index
      %get3A_734 = tpu.vector_load %arg7[%get3A_732, %get3A_733] {strides = array<i32>} : memref<256x128xf32, #tpu.memory_space<vmem>>, vector<1x16xf32>,
      %get3A_735 = vector.shape_cast %get3A_734 : vector<1x16xf32> to vector<16xf32>
      %mul3A_736 = arith.mulf %gather3A_666, %get3A_735 : vector<16xf32>
      %add3A_737 = arith.addf %mul3A_736, %gather3A_669 : vector<16xf32>
      %add3A_738 = arith.constant 5 : i32
      %add3A_739 = arith.addi %mul3A_15, %add3A_738 : i32
      %swap3A_740 = arith.index_cast %add3A_739 : i32 to index
      %swap3A_741 = arith.constant 64 : index
      %swap3A_742 = tpu.vector_load %arg7[%swap3A_740, %swap3A_741] {strides = array<i32>} : memref<256x128xf32, #tpu.memory_space<vmem>>, vector<1x16xf32>,
      %swap3A_743 = vector.shape_cast %swap3A_742 : vector<1x16xf32> to vector<16xf32>
      %swap3A_744 = vector.shape_cast %add3A_737 : vector<16xf32> to vector<1x16xf32>
      tpu.vector_store %arg7[%swap3A_740, %swap3A_741], %swap3A_744 {strides = array<i32>} : memref<256x128xf32, #tpu.memory_space<vmem>>, vector<1x16xf32>,
      %add3A_745 = arith.constant 5 : i32
      %add3A_746 = arith.addi %mul3A_15, %add3A_745 : i32
      %get3A_747 = arith.index_cast %add3A_746 : i32 to index
      %get3A_748 = arith.constant 80 : index
      %get3A_749 = tpu.vector_load %arg7[%get3A_747, %get3A_748] {strides = array<i32>} : memref<256x128xf32, #tpu.memory_space<vmem>>, vector<1x16xf32>,
      %get3A_750 = vector.shape_cast %get3A_749 : vector<1x16xf32> to vector<16xf32>
      %mul3A_751 = arith.mulf %gather3A_666, %get3A_750 : vector<16xf32>
      %add3A_752 = arith.addf %mul3A_751, %gather3A_669 : vector<16xf32>
      %add3A_753 = arith.constant 5 : i32
      %add3A_754 = arith.addi %mul3A_15, %add3A_753 : i32
      %swap3A_755 = arith.index_cast %add3A_754 : i32 to index
      %swap3A_756 = arith.constant 80 : index
      %swap3A_757 = tpu.vector_load %arg7[%swap3A_755, %swap3A_756] {strides = array<i32>} : memref<256x128xf32, #tpu.memory_space<vmem>>, vector<1x16xf32>,
      %swap3A_758 = vector.shape_cast %swap3A_757 : vector<1x16xf32> to vector<16xf32>
      %swap3A_759 = vector.shape_cast %add3A_752 : vector<16xf32> to vector<1x16xf32>
      tpu.vector_store %arg7[%swap3A_755, %swap3A_756], %swap3A_759 {strides = array<i32>} : memref<256x128xf32, #tpu.memory_space<vmem>>, vector<1x16xf32>,
      %add3A_760 = arith.constant 5 : i32
      %add3A_761 = arith.addi %mul3A_15, %add3A_760 : i32
      %get3A_762 = arith.index_cast %add3A_761 : i32 to index
      %get3A_763 = arith.constant 96 : index
      %get3A_764 = tpu.vector_load %arg7[%get3A_762, %get3A_763] {strides = array<i32>} : memref<256x128xf32, #tpu.memory_space<vmem>>, vector<1x16xf32>,
      %get3A_765 = vector.shape_cast %get3A_764 : vector<1x16xf32> to vector<16xf32>
      %mul3A_766 = arith.mulf %gather3A_666, %get3A_765 : vector<16xf32>
      %add3A_767 = arith.addf %mul3A_766, %gather3A_669 : vector<16xf32>
      %add3A_768 = arith.constant 5 : i32
      %add3A_769 = arith.addi %mul3A_15, %add3A_768 : i32
      %swap3A_770 = arith.index_cast %add3A_769 : i32 to index
      %swap3A_771 = arith.constant 96 : index
      %swap3A_772 = tpu.vector_load %arg7[%swap3A_770, %swap3A_771] {strides = array<i32>} : memref<256x128xf32, #tpu.memory_space<vmem>>, vector<1x16xf32>,
      %swap3A_773 = vector.shape_cast %swap3A_772 : vector<1x16xf32> to vector<16xf32>
      %swap3A_774 = vector.shape_cast %add3A_767 : vector<16xf32> to vector<1x16xf32>
      tpu.vector_store %arg7[%swap3A_770, %swap3A_771], %swap3A_774 {strides = array<i32>} : memref<256x128xf32, #tpu.memory_space<vmem>>, vector<1x16xf32>,
      %add3A_775 = arith.constant 5 : i32
      %add3A_776 = arith.addi %mul3A_15, %add3A_775 : i32
      %get3A_777 = arith.index_cast %add3A_776 : i32 to index
      %get3A_778 = arith.constant 112 : index
      %get3A_779 = tpu.vector_load %arg7[%get3A_777, %get3A_778] {strides = array<i32>} : memref<256x128xf32, #tpu.memory_space<vmem>>, vector<1x16xf32>,
      %get3A_780 = vector.shape_cast %get3A_779 : vector<1x16xf32> to vector<16xf32>
      %mul3A_781 = arith.mulf %gather3A_666, %get3A_780 : vector<16xf32>
      %add3A_782 = arith.addf %mul3A_781, %gather3A_669 : vector<16xf32>
      %add3A_783 = arith.constant 5 : i32
      %add3A_784 = arith.addi %mul3A_15, %add3A_783 : i32
      %swap3A_785 = arith.index_cast %add3A_784 : i32 to index
      %swap3A_786 = arith.constant 112 : index
      %swap3A_787 = tpu.vector_load %arg7[%swap3A_785, %swap3A_786] {strides = array<i32>} : memref<256x128xf32, #tpu.memory_space<vmem>>, vector<1x16xf32>,
      %swap3A_788 = vector.shape_cast %swap3A_787 : vector<1x16xf32> to vector<16xf32>
      %swap3A_789 = vector.shape_cast %add3A_782 : vector<16xf32> to vector<1x16xf32>
      tpu.vector_store %arg7[%swap3A_785, %swap3A_786], %swap3A_789 {strides = array<i32>} : memref<256x128xf32, #tpu.memory_space<vmem>>, vector<1x16xf32>,
      %broadcast_in_dim3A_790 = arith.constant 6 : i32
      %broadcast_in_dim3A_791 = vector.broadcast %broadcast_in_dim3A_790 : i32 to vector<16xi32>
      %broadcast_in_dim3A_792 = vector.shape_cast %broadcast_in_dim3A_791 : vector<16xi32> to vector<16x1xi32>
      %gather3A_793 = vector.shape_cast %broadcast_in_dim3A_792 : vector<16x1xi32> to vector<16xi32>
      %gather3A_794 = tpu.dynamic_gather %gather3A_19[%gather3A_793] in [0] : vector<16xf32>, vector<16xi32> -> vector<16xf32>
      %broadcast_in_dim3A_795 = vector.shape_cast %broadcast_in_dim3A_791 : vector<16xi32> to vector<16x1xi32>
      %gather3A_796 = vector.shape_cast %broadcast_in_dim3A_795 : vector<16x1xi32> to vector<16xi32>
      %gather3A_797 = tpu.dynamic_gather %gather3A_22[%gather3A_796] in [0] : vector<16xf32>, vector<16xi32> -> vector<16xf32>
      %add3A_798 = arith.constant 6 : i32
      %add3A_799 = arith.addi %mul3A_15, %add3A_798 : i32
      %get3A_800 = arith.index_cast %add3A_799 : i32 to index
      %get3A_801 = arith.constant 0 : index
      %get3A_802 = tpu.vector_load %arg7[%get3A_800, %get3A_801] {strides = array<i32>} : memref<256x128xf32, #tpu.memory_space<vmem>>, vector<1x16xf32>,
      %get3A_803 = vector.shape_cast %get3A_802 : vector<1x16xf32> to vector<16xf32>
      %mul3A_804 = arith.mulf %gather3A_794, %get3A_803 : vector<16xf32>
      %add3A_805 = arith.addf %mul3A_804, %gather3A_797 : vector<16xf32>
      %add3A_806 = arith.constant 6 : i32
      %add3A_807 = arith.addi %mul3A_15, %add3A_806 : i32
      %swap3A_808 = arith.index_cast %add3A_807 : i32 to index
      %swap3A_809 = arith.constant 0 : index
      %swap3A_810 = tpu.vector_load %arg7[%swap3A_808, %swap3A_809] {strides = array<i32>} : memref<256x128xf32, #tpu.memory_space<vmem>>, vector<1x16xf32>,
      %swap3A_811 = vector.shape_cast %swap3A_810 : vector<1x16xf32> to vector<16xf32>
      %swap3A_812 = vector.shape_cast %add3A_805 : vector<16xf32> to vector<1x16xf32>
      tpu.vector_store %arg7[%swap3A_808, %swap3A_809], %swap3A_812 {strides = array<i32>} : memref<256x128xf32, #tpu.memory_space<vmem>>, vector<1x16xf32>,
      %add3A_813 = arith.constant 6 : i32
      %add3A_814 = arith.addi %mul3A_15, %add3A_813 : i32
      %get3A_815 = arith.index_cast %add3A_814 : i32 to index
      %get3A_816 = arith.constant 16 : index
      %get3A_817 = tpu.vector_load %arg7[%get3A_815, %get3A_816] {strides = array<i32>} : memref<256x128xf32, #tpu.memory_space<vmem>>, vector<1x16xf32>,
      %get3A_818 = vector.shape_cast %get3A_817 : vector<1x16xf32> to vector<16xf32>
      %mul3A_819 = arith.mulf %gather3A_794, %get3A_818 : vector<16xf32>
      %add3A_820 = arith.addf %mul3A_819, %gather3A_797 : vector<16xf32>
      %add3A_821 = arith.constant 6 : i32
      %add3A_822 = arith.addi %mul3A_15, %add3A_821 : i32
      %swap3A_823 = arith.index_cast %add3A_822 : i32 to index
      %swap3A_824 = arith.constant 16 : index
      %swap3A_825 = tpu.vector_load %arg7[%swap3A_823, %swap3A_824] {strides = array<i32>} : memref<256x128xf32, #tpu.memory_space<vmem>>, vector<1x16xf32>,
      %swap3A_826 = vector.shape_cast %swap3A_825 : vector<1x16xf32> to vector<16xf32>
      %swap3A_827 = vector.shape_cast %add3A_820 : vector<16xf32> to vector<1x16xf32>
      tpu.vector_store %arg7[%swap3A_823, %swap3A_824], %swap3A_827 {strides = array<i32>} : memref<256x128xf32, #tpu.memory_space<vmem>>, vector<1x16xf32>,
      %add3A_828 = arith.constant 6 : i32
      %add3A_829 = arith.addi %mul3A_15, %add3A_828 : i32
      %get3A_830 = arith.index_cast %add3A_829 : i32 to index
      %get3A_831 = arith.constant 32 : index
      %get3A_832 = tpu.vector_load %arg7[%get3A_830, %get3A_831] {strides = array<i32>} : memref<256x128xf32, #tpu.memory_space<vmem>>, vector<1x16xf32>,
      %get3A_833 = vector.shape_cast %get3A_832 : vector<1x16xf32> to vector<16xf32>
      %mul3A_834 = arith.mulf %gather3A_794, %get3A_833 : vector<16xf32>
      %add3A_835 = arith.addf %mul3A_834, %gather3A_797 : vector<16xf32>
      %add3A_836 = arith.constant 6 : i32
      %add3A_837 = arith.addi %mul3A_15, %add3A_836 : i32
      %swap3A_838 = arith.index_cast %add3A_837 : i32 to index
      %swap3A_839 = arith.constant 32 : index
      %swap3A_840 = tpu.vector_load %arg7[%swap3A_838, %swap3A_839] {strides = array<i32>} : memref<256x128xf32, #tpu.memory_space<vmem>>, vector<1x16xf32>,
      %swap3A_841 = vector.shape_cast %swap3A_840 : vector<1x16xf32> to vector<16xf32>
      %swap3A_842 = vector.shape_cast %add3A_835 : vector<16xf32> to vector<1x16xf32>
      tpu.vector_store %arg7[%swap3A_838, %swap3A_839], %swap3A_842 {strides = array<i32>} : memref<256x128xf32, #tpu.memory_space<vmem>>, vector<1x16xf32>,
      %add3A_843 = arith.constant 6 : i32
      %add3A_844 = arith.addi %mul3A_15, %add3A_843 : i32
      %get3A_845 = arith.index_cast %add3A_844 : i32 to index
      %get3A_846 = arith.constant 48 : index
      %get3A_847 = tpu.vector_load %arg7[%get3A_845, %get3A_846] {strides = array<i32>} : memref<256x128xf32, #tpu.memory_space<vmem>>, vector<1x16xf32>,
      %get3A_848 = vector.shape_cast %get3A_847 : vector<1x16xf32> to vector<16xf32>
      %mul3A_849 = arith.mulf %gather3A_794, %get3A_848 : vector<16xf32>
      %add3A_850 = arith.addf %mul3A_849, %gather3A_797 : vector<16xf32>
      %add3A_851 = arith.constant 6 : i32
      %add3A_852 = arith.addi %mul3A_15, %add3A_851 : i32
      %swap3A_853 = arith.index_cast %add3A_852 : i32 to index
      %swap3A_854 = arith.constant 48 : index
      %swap3A_855 = tpu.vector_load %arg7[%swap3A_853, %swap3A_854] {strides = array<i32>} : memref<256x128xf32, #tpu.memory_space<vmem>>, vector<1x16xf32>,
      %swap3A_856 = vector.shape_cast %swap3A_855 : vector<1x16xf32> to vector<16xf32>
      %swap3A_857 = vector.shape_cast %add3A_850 : vector<16xf32> to vector<1x16xf32>
      tpu.vector_store %arg7[%swap3A_853, %swap3A_854], %swap3A_857 {strides = array<i32>} : memref<256x128xf32, #tpu.memory_space<vmem>>, vector<1x16xf32>,
      %add3A_858 = arith.constant 6 : i32
      %add3A_859 = arith.addi %mul3A_15, %add3A_858 : i32
      %get3A_860 = arith.index_cast %add3A_859 : i32 to index
      %get3A_861 = arith.constant 64 : index
      %get3A_862 = tpu.vector_load %arg7[%get3A_860, %get3A_861] {strides = array<i32>} : memref<256x128xf32, #tpu.memory_space<vmem>>, vector<1x16xf32>,
      %get3A_863 = vector.shape_cast %get3A_862 : vector<1x16xf32> to vector<16xf32>
      %mul3A_864 = arith.mulf %gather3A_794, %get3A_863 : vector<16xf32>
      %add3A_865 = arith.addf %mul3A_864, %gather3A_797 : vector<16xf32>
      %add3A_866 = arith.constant 6 : i32
      %add3A_867 = arith.addi %mul3A_15, %add3A_866 : i32
      %swap3A_868 = arith.index_cast %add3A_867 : i32 to index
      %swap3A_869 = arith.constant 64 : index
      %swap3A_870 = tpu.vector_load %arg7[%swap3A_868, %swap3A_869] {strides = array<i32>} : memref<256x128xf32, #tpu.memory_space<vmem>>, vector<1x16xf32>,
      %swap3A_871 = vector.shape_cast %swap3A_870 : vector<1x16xf32> to vector<16xf32>
      %swap3A_872 = vector.shape_cast %add3A_865 : vector<16xf32> to vector<1x16xf32>
      tpu.vector_store %arg7[%swap3A_868, %swap3A_869], %swap3A_872 {strides = array<i32>} : memref<256x128xf32, #tpu.memory_space<vmem>>, vector<1x16xf32>,
      %add3A_873 = arith.constant 6 : i32
      %add3A_874 = arith.addi %mul3A_15, %add3A_873 : i32
      %get3A_875 = arith.index_cast %add3A_874 : i32 to index
      %get3A_876 = arith.constant 80 : index
      %get3A_877 = tpu.vector_load %arg7[%get3A_875, %get3A_876] {strides = array<i32>} : memref<256x128xf32, #tpu.memory_space<vmem>>, vector<1x16xf32>,
      %get3A_878 = vector.shape_cast %get3A_877 : vector<1x16xf32> to vector<16xf32>
      %mul3A_879 = arith.mulf %gather3A_794, %get3A_878 : vector<16xf32>
      %add3A_880 = arith.addf %mul3A_879, %gather3A_797 : vector<16xf32>
      %add3A_881 = arith.constant 6 : i32
      %add3A_882 = arith.addi %mul3A_15, %add3A_881 : i32
      %swap3A_883 = arith.index_cast %add3A_882 : i32 to index
      %swap3A_884 = arith.constant 80 : index
      %swap3A_885 = tpu.vector_load %arg7[%swap3A_883, %swap3A_884] {strides = array<i32>} : memref<256x128xf32, #tpu.memory_space<vmem>>, vector<1x16xf32>,
      %swap3A_886 = vector.shape_cast %swap3A_885 : vector<1x16xf32> to vector<16xf32>
      %swap3A_887 = vector.shape_cast %add3A_880 : vector<16xf32> to vector<1x16xf32>
      tpu.vector_store %arg7[%swap3A_883, %swap3A_884], %swap3A_887 {strides = array<i32>} : memref<256x128xf32, #tpu.memory_space<vmem>>, vector<1x16xf32>,
      %add3A_888 = arith.constant 6 : i32
      %add3A_889 = arith.addi %mul3A_15, %add3A_888 : i32
      %get3A_890 = arith.index_cast %add3A_889 : i32 to index
      %get3A_891 = arith.constant 96 : index
      %get3A_892 = tpu.vector_load %arg7[%get3A_890, %get3A_891] {strides = array<i32>} : memref<256x128xf32, #tpu.memory_space<vmem>>, vector<1x16xf32>,
      %get3A_893 = vector.shape_cast %get3A_892 : vector<1x16xf32> to vector<16xf32>
      %mul3A_894 = arith.mulf %gather3A_794, %get3A_893 : vector<16xf32>
      %add3A_895 = arith.addf %mul3A_894, %gather3A_797 : vector<16xf32>
      %add3A_896 = arith.constant 6 : i32
      %add3A_897 = arith.addi %mul3A_15, %add3A_896 : i32
      %swap3A_898 = arith.index_cast %add3A_897 : i32 to index
      %swap3A_899 = arith.constant 96 : index
      %swap3A_900 = tpu.vector_load %arg7[%swap3A_898, %swap3A_899] {strides = array<i32>} : memref<256x128xf32, #tpu.memory_space<vmem>>, vector<1x16xf32>,
      %swap3A_901 = vector.shape_cast %swap3A_900 : vector<1x16xf32> to vector<16xf32>
      %swap3A_902 = vector.shape_cast %add3A_895 : vector<16xf32> to vector<1x16xf32>
      tpu.vector_store %arg7[%swap3A_898, %swap3A_899], %swap3A_902 {strides = array<i32>} : memref<256x128xf32, #tpu.memory_space<vmem>>, vector<1x16xf32>,
      %add3A_903 = arith.constant 6 : i32
      %add3A_904 = arith.addi %mul3A_15, %add3A_903 : i32
      %get3A_905 = arith.index_cast %add3A_904 : i32 to index
      %get3A_906 = arith.constant 112 : index
      %get3A_907 = tpu.vector_load %arg7[%get3A_905, %get3A_906] {strides = array<i32>} : memref<256x128xf32, #tpu.memory_space<vmem>>, vector<1x16xf32>,
      %get3A_908 = vector.shape_cast %get3A_907 : vector<1x16xf32> to vector<16xf32>
      %mul3A_909 = arith.mulf %gather3A_794, %get3A_908 : vector<16xf32>
      %add3A_910 = arith.addf %mul3A_909, %gather3A_797 : vector<16xf32>
      %add3A_911 = arith.constant 6 : i32
      %add3A_912 = arith.addi %mul3A_15, %add3A_911 : i32
      %swap3A_913 = arith.index_cast %add3A_912 : i32 to index
      %swap3A_914 = arith.constant 112 : index
      %swap3A_915 = tpu.vector_load %arg7[%swap3A_913, %swap3A_914] {strides = array<i32>} : memref<256x128xf32, #tpu.memory_space<vmem>>, vector<1x16xf32>,
      %swap3A_916 = vector.shape_cast %swap3A_915 : vector<1x16xf32> to vector<16xf32>
      %swap3A_917 = vector.shape_cast %add3A_910 : vector<16xf32> to vector<1x16xf32>
      tpu.vector_store %arg7[%swap3A_913, %swap3A_914], %swap3A_917 {strides = array<i32>} : memref<256x128xf32, #tpu.memory_space<vmem>>, vector<1x16xf32>,
      %broadcast_in_dim3A_918 = arith.constant 7 : i32
      %broadcast_in_dim3A_919 = vector.broadcast %broadcast_in_dim3A_918 : i32 to vector<16xi32>
      %broadcast_in_dim3A_920 = vector.shape_cast %broadcast_in_dim3A_919 : vector<16xi32> to vector<16x1xi32>
      %gather3A_921 = vector.shape_cast %broadcast_in_dim3A_920 : vector<16x1xi32> to vector<16xi32>
      %gather3A_922 = tpu.dynamic_gather %gather3A_19[%gather3A_921] in [0] : vector<16xf32>, vector<16xi32> -> vector<16xf32>
      %broadcast_in_dim3A_923 = vector.shape_cast %broadcast_in_dim3A_919 : vector<16xi32> to vector<16x1xi32>
      %gather3A_924 = vector.shape_cast %broadcast_in_dim3A_923 : vector<16x1xi32> to vector<16xi32>
      %gather3A_925 = tpu.dynamic_gather %gather3A_22[%gather3A_924] in [0] : vector<16xf32>, vector<16xi32> -> vector<16xf32>
      %add3A_926 = arith.constant 7 : i32
      %add3A_927 = arith.addi %mul3A_15, %add3A_926 : i32
      %get3A_928 = arith.index_cast %add3A_927 : i32 to index
      %get3A_929 = arith.constant 0 : index
      %get3A_930 = tpu.vector_load %arg7[%get3A_928, %get3A_929] {strides = array<i32>} : memref<256x128xf32, #tpu.memory_space<vmem>>, vector<1x16xf32>,
      %get3A_931 = vector.shape_cast %get3A_930 : vector<1x16xf32> to vector<16xf32>
      %mul3A_932 = arith.mulf %gather3A_922, %get3A_931 : vector<16xf32>
      %add3A_933 = arith.addf %mul3A_932, %gather3A_925 : vector<16xf32>
      %add3A_934 = arith.constant 7 : i32
      %add3A_935 = arith.addi %mul3A_15, %add3A_934 : i32
      %swap3A_936 = arith.index_cast %add3A_935 : i32 to index
      %swap3A_937 = arith.constant 0 : index
      %swap3A_938 = tpu.vector_load %arg7[%swap3A_936, %swap3A_937] {strides = array<i32>} : memref<256x128xf32, #tpu.memory_space<vmem>>, vector<1x16xf32>,
      %swap3A_939 = vector.shape_cast %swap3A_938 : vector<1x16xf32> to vector<16xf32>
      %swap3A_940 = vector.shape_cast %add3A_933 : vector<16xf32> to vector<1x16xf32>
      tpu.vector_store %arg7[%swap3A_936, %swap3A_937], %swap3A_940 {strides = array<i32>} : memref<256x128xf32, #tpu.memory_space<vmem>>, vector<1x16xf32>,
      %add3A_941 = arith.constant 7 : i32
      %add3A_942 = arith.addi %mul3A_15, %add3A_941 : i32
      %get3A_943 = arith.index_cast %add3A_942 : i32 to index
      %get3A_944 = arith.constant 16 : index
      %get3A_945 = tpu.vector_load %arg7[%get3A_943, %get3A_944] {strides = array<i32>} : memref<256x128xf32, #tpu.memory_space<vmem>>, vector<1x16xf32>,
      %get3A_946 = vector.shape_cast %get3A_945 : vector<1x16xf32> to vector<16xf32>
      %mul3A_947 = arith.mulf %gather3A_922, %get3A_946 : vector<16xf32>
      %add3A_948 = arith.addf %mul3A_947, %gather3A_925 : vector<16xf32>
      %add3A_949 = arith.constant 7 : i32
      %add3A_950 = arith.addi %mul3A_15, %add3A_949 : i32
      %swap3A_951 = arith.index_cast %add3A_950 : i32 to index
      %swap3A_952 = arith.constant 16 : index
      %swap3A_953 = tpu.vector_load %arg7[%swap3A_951, %swap3A_952] {strides = array<i32>} : memref<256x128xf32, #tpu.memory_space<vmem>>, vector<1x16xf32>,
      %swap3A_954 = vector.shape_cast %swap3A_953 : vector<1x16xf32> to vector<16xf32>
      %swap3A_955 = vector.shape_cast %add3A_948 : vector<16xf32> to vector<1x16xf32>
      tpu.vector_store %arg7[%swap3A_951, %swap3A_952], %swap3A_955 {strides = array<i32>} : memref<256x128xf32, #tpu.memory_space<vmem>>, vector<1x16xf32>,
      %add3A_956 = arith.constant 7 : i32
      %add3A_957 = arith.addi %mul3A_15, %add3A_956 : i32
      %get3A_958 = arith.index_cast %add3A_957 : i32 to index
      %get3A_959 = arith.constant 32 : index
      %get3A_960 = tpu.vector_load %arg7[%get3A_958, %get3A_959] {strides = array<i32>} : memref<256x128xf32, #tpu.memory_space<vmem>>, vector<1x16xf32>,
      %get3A_961 = vector.shape_cast %get3A_960 : vector<1x16xf32> to vector<16xf32>
      %mul3A_962 = arith.mulf %gather3A_922, %get3A_961 : vector<16xf32>
      %add3A_963 = arith.addf %mul3A_962, %gather3A_925 : vector<16xf32>
      %add3A_964 = arith.constant 7 : i32
      %add3A_965 = arith.addi %mul3A_15, %add3A_964 : i32
      %swap3A_966 = arith.index_cast %add3A_965 : i32 to index
      %swap3A_967 = arith.constant 32 : index
      %swap3A_968 = tpu.vector_load %arg7[%swap3A_966, %swap3A_967] {strides = array<i32>} : memref<256x128xf32, #tpu.memory_space<vmem>>, vector<1x16xf32>,
      %swap3A_969 = vector.shape_cast %swap3A_968 : vector<1x16xf32> to vector<16xf32>
      %swap3A_970 = vector.shape_cast %add3A_963 : vector<16xf32> to vector<1x16xf32>
      tpu.vector_store %arg7[%swap3A_966, %swap3A_967], %swap3A_970 {strides = array<i32>} : memref<256x128xf32, #tpu.memory_space<vmem>>, vector<1x16xf32>,
      %add3A_971 = arith.constant 7 : i32
      %add3A_972 = arith.addi %mul3A_15, %add3A_971 : i32
      %get3A_973 = arith.index_cast %add3A_972 : i32 to index
      %get3A_974 = arith.constant 48 : index
      %get3A_975 = tpu.vector_load %arg7[%get3A_973, %get3A_974] {strides = array<i32>} : memref<256x128xf32, #tpu.memory_space<vmem>>, vector<1x16xf32>,
      %get3A_976 = vector.shape_cast %get3A_975 : vector<1x16xf32> to vector<16xf32>
      %mul3A_977 = arith.mulf %gather3A_922, %get3A_976 : vector<16xf32>
      %add3A_978 = arith.addf %mul3A_977, %gather3A_925 : vector<16xf32>
      %add3A_979 = arith.constant 7 : i32
      %add3A_980 = arith.addi %mul3A_15, %add3A_979 : i32
      %swap3A_981 = arith.index_cast %add3A_980 : i32 to index
      %swap3A_982 = arith.constant 48 : index
      %swap3A_983 = tpu.vector_load %arg7[%swap3A_981, %swap3A_982] {strides = array<i32>} : memref<256x128xf32, #tpu.memory_space<vmem>>, vector<1x16xf32>,
      %swap3A_984 = vector.shape_cast %swap3A_983 : vector<1x16xf32> to vector<16xf32>
      %swap3A_985 = vector.shape_cast %add3A_978 : vector<16xf32> to vector<1x16xf32>
      tpu.vector_store %arg7[%swap3A_981, %swap3A_982], %swap3A_985 {strides = array<i32>} : memref<256x128xf32, #tpu.memory_space<vmem>>, vector<1x16xf32>,
      %add3A_986 = arith.constant 7 : i32
      %add3A_987 = arith.addi %mul3A_15, %add3A_986 : i32
      %get3A_988 = arith.index_cast %add3A_987 : i32 to index
      %get3A_989 = arith.constant 64 : index
      %get3A_990 = tpu.vector_load %arg7[%get3A_988, %get3A_989] {strides = array<i32>} : memref<256x128xf32, #tpu.memory_space<vmem>>, vector<1x16xf32>,
      %get3A_991 = vector.shape_cast %get3A_990 : vector<1x16xf32> to vector<16xf32>
      %mul3A_992 = arith.mulf %gather3A_922, %get3A_991 : vector<16xf32>
      %add3A_993 = arith.addf %mul3A_992, %gather3A_925 : vector<16xf32>
      %add3A_994 = arith.constant 7 : i32
      %add3A_995 = arith.addi %mul3A_15, %add3A_994 : i32
      %swap3A_996 = arith.index_cast %add3A_995 : i32 to index
      %swap3A_997 = arith.constant 64 : index
      %swap3A_998 = tpu.vector_load %arg7[%swap3A_996, %swap3A_997] {strides = array<i32>} : memref<256x128xf32, #tpu.memory_space<vmem>>, vector<1x16xf32>,
      %swap3A_999 = vector.shape_cast %swap3A_998 : vector<1x16xf32> to vector<16xf32>
      %swap3A_1000 = vector.shape_cast %add3A_993 : vector<16xf32> to vector<1x16xf32>
      tpu.vector_store %arg7[%swap3A_996, %swap3A_997], %swap3A_1000 {strides = array<i32>} : memref<256x128xf32, #tpu.memory_space<vmem>>, vector<1x16xf32>,
      %add3A_1001 = arith.constant 7 : i32
      %add3A_1002 = arith.addi %mul3A_15, %add3A_1001 : i32
      %get3A_1003 = arith.index_cast %add3A_1002 : i32 to index
      %get3A_1004 = arith.constant 80 : index
      %get3A_1005 = tpu.vector_load %arg7[%get3A_1003, %get3A_1004] {strides = array<i32>} : memref<256x128xf32, #tpu.memory_space<vmem>>, vector<1x16xf32>,
      %get3A_1006 = vector.shape_cast %get3A_1005 : vector<1x16xf32> to vector<16xf32>
      %mul3A_1007 = arith.mulf %gather3A_922, %get3A_1006 : vector<16xf32>
      %add3A_1008 = arith.addf %mul3A_1007, %gather3A_925 : vector<16xf32>
      %add3A_1009 = arith.constant 7 : i32
      %add3A_1010 = arith.addi %mul3A_15, %add3A_1009 : i32
      %swap3A_1011 = arith.index_cast %add3A_1010 : i32 to index
      %swap3A_1012 = arith.constant 80 : index
      %swap3A_1013 = tpu.vector_load %arg7[%swap3A_1011, %swap3A_1012] {strides = array<i32>} : memref<256x128xf32, #tpu.memory_space<vmem>>, vector<1x16xf32>,
      %swap3A_1014 = vector.shape_cast %swap3A_1013 : vector<1x16xf32> to vector<16xf32>
      %swap3A_1015 = vector.shape_cast %add3A_1008 : vector<16xf32> to vector<1x16xf32>
      tpu.vector_store %arg7[%swap3A_1011, %swap3A_1012], %swap3A_1015 {strides = array<i32>} : memref<256x128xf32, #tpu.memory_space<vmem>>, vector<1x16xf32>,
      %add3A_1016 = arith.constant 7 : i32
      %add3A_1017 = arith.addi %mul3A_15, %add3A_1016 : i32
      %get3A_1018 = arith.index_cast %add3A_1017 : i32 to index
      %get3A_1019 = arith.constant 96 : index
      %get3A_1020 = tpu.vector_load %arg7[%get3A_1018, %get3A_1019] {strides = array<i32>} : memref<256x128xf32, #tpu.memory_space<vmem>>, vector<1x16xf32>,
      %get3A_1021 = vector.shape_cast %get3A_1020 : vector<1x16xf32> to vector<16xf32>
      %mul3A_1022 = arith.mulf %gather3A_922, %get3A_1021 : vector<16xf32>
      %add3A_1023 = arith.addf %mul3A_1022, %gather3A_925 : vector<16xf32>
      %add3A_1024 = arith.constant 7 : i32
      %add3A_1025 = arith.addi %mul3A_15, %add3A_1024 : i32
      %swap3A_1026 = arith.index_cast %add3A_1025 : i32 to index
      %swap3A_1027 = arith.constant 96 : index
      %swap3A_1028 = tpu.vector_load %arg7[%swap3A_1026, %swap3A_1027] {strides = array<i32>} : memref<256x128xf32, #tpu.memory_space<vmem>>, vector<1x16xf32>,
      %swap3A_1029 = vector.shape_cast %swap3A_1028 : vector<1x16xf32> to vector<16xf32>
      %swap3A_1030 = vector.shape_cast %add3A_1023 : vector<16xf32> to vector<1x16xf32>
      tpu.vector_store %arg7[%swap3A_1026, %swap3A_1027], %swap3A_1030 {strides = array<i32>} : memref<256x128xf32, #tpu.memory_space<vmem>>, vector<1x16xf32>,
      %add3A_1031 = arith.constant 7 : i32
      %add3A_1032 = arith.addi %mul3A_15, %add3A_1031 : i32
      %get3A_1033 = arith.index_cast %add3A_1032 : i32 to index
      %get3A_1034 = arith.constant 112 : index
      %get3A_1035 = tpu.vector_load %arg7[%get3A_1033, %get3A_1034] {strides = array<i32>} : memref<256x128xf32, #tpu.memory_space<vmem>>, vector<1x16xf32>,
      %get3A_1036 = vector.shape_cast %get3A_1035 : vector<1x16xf32> to vector<16xf32>
      %mul3A_1037 = arith.mulf %gather3A_922, %get3A_1036 : vector<16xf32>
      %add3A_1038 = arith.addf %mul3A_1037, %gather3A_925 : vector<16xf32>
      %add3A_1039 = arith.constant 7 : i32
      %add3A_1040 = arith.addi %mul3A_15, %add3A_1039 : i32
      %swap3A_1041 = arith.index_cast %add3A_1040 : i32 to index
      %swap3A_1042 = arith.constant 112 : index
      %swap3A_1043 = tpu.vector_load %arg7[%swap3A_1041, %swap3A_1042] {strides = array<i32>} : memref<256x128xf32, #tpu.memory_space<vmem>>, vector<1x16xf32>,
      %swap3A_1044 = vector.shape_cast %swap3A_1043 : vector<1x16xf32> to vector<16xf32>
      %swap3A_1045 = vector.shape_cast %add3A_1038 : vector<16xf32> to vector<1x16xf32>
      tpu.vector_store %arg7[%swap3A_1041, %swap3A_1042], %swap3A_1045 {strides = array<i32>} : memref<256x128xf32, #tpu.memory_space<vmem>>, vector<1x16xf32>,
      %broadcast_in_dim3A_1046 = arith.constant 8 : i32
      %broadcast_in_dim3A_1047 = vector.broadcast %broadcast_in_dim3A_1046 : i32 to vector<16xi32>
      %broadcast_in_dim3A_1048 = vector.shape_cast %broadcast_in_dim3A_1047 : vector<16xi32> to vector<16x1xi32>
      %gather3A_1049 = vector.shape_cast %broadcast_in_dim3A_1048 : vector<16x1xi32> to vector<16xi32>
      %gather3A_1050 = tpu.dynamic_gather %gather3A_19[%gather3A_1049] in [0] : vector<16xf32>, vector<16xi32> -> vector<16xf32>
      %broadcast_in_dim3A_1051 = vector.shape_cast %broadcast_in_dim3A_1047 : vector<16xi32> to vector<16x1xi32>
      %gather3A_1052 = vector.shape_cast %broadcast_in_dim3A_1051 : vector<16x1xi32> to vector<16xi32>
      %gather3A_1053 = tpu.dynamic_gather %gather3A_22[%gather3A_1052] in [0] : vector<16xf32>, vector<16xi32> -> vector<16xf32>
      %add3A_1054 = arith.constant 8 : i32
      %add3A_1055 = arith.addi %mul3A_15, %add3A_1054 : i32
      %get3A_1056 = arith.index_cast %add3A_1055 : i32 to index
      %get3A_1057 = arith.constant 0 : index
      %get3A_1058 = tpu.vector_load %arg7[%get3A_1056, %get3A_1057] {strides = array<i32>} : memref<256x128xf32, #tpu.memory_space<vmem>>, vector<1x16xf32>,
      %get3A_1059 = vector.shape_cast %get3A_1058 : vector<1x16xf32> to vector<16xf32>
      %mul3A_1060 = arith.mulf %gather3A_1050, %get3A_1059 : vector<16xf32>
      %add3A_1061 = arith.addf %mul3A_1060, %gather3A_1053 : vector<16xf32>
      %add3A_1062 = arith.constant 8 : i32
      %add3A_1063 = arith.addi %mul3A_15, %add3A_1062 : i32
      %swap3A_1064 = arith.index_cast %add3A_1063 : i32 to index
      %swap3A_1065 = arith.constant 0 : index
      %swap3A_1066 = tpu.vector_load %arg7[%swap3A_1064, %swap3A_1065] {strides = array<i32>} : memref<256x128xf32, #tpu.memory_space<vmem>>, vector<1x16xf32>,
      %swap3A_1067 = vector.shape_cast %swap3A_1066 : vector<1x16xf32> to vector<16xf32>
      %swap3A_1068 = vector.shape_cast %add3A_1061 : vector<16xf32> to vector<1x16xf32>
      tpu.vector_store %arg7[%swap3A_1064, %swap3A_1065], %swap3A_1068 {strides = array<i32>} : memref<256x128xf32, #tpu.memory_space<vmem>>, vector<1x16xf32>,
      %add3A_1069 = arith.constant 8 : i32
      %add3A_1070 = arith.addi %mul3A_15, %add3A_1069 : i32
      %get3A_1071 = arith.index_cast %add3A_1070 : i32 to index
      %get3A_1072 = arith.constant 16 : index
      %get3A_1073 = tpu.vector_load %arg7[%get3A_1071, %get3A_1072] {strides = array<i32>} : memref<256x128xf32, #tpu.memory_space<vmem>>, vector<1x16xf32>,
      %get3A_1074 = vector.shape_cast %get3A_1073 : vector<1x16xf32> to vector<16xf32>
      %mul3A_1075 = arith.mulf %gather3A_1050, %get3A_1074 : vector<16xf32>
      %add3A_1076 = arith.addf %mul3A_1075, %gather3A_1053 : vector<16xf32>
      %add3A_1077 = arith.constant 8 : i32
      %add3A_1078 = arith.addi %mul3A_15, %add3A_1077 : i32
      %swap3A_1079 = arith.index_cast %add3A_1078 : i32 to index
      %swap3A_1080 = arith.constant 16 : index
      %swap3A_1081 = tpu.vector_load %arg7[%swap3A_1079, %swap3A_1080] {strides = array<i32>} : memref<256x128xf32, #tpu.memory_space<vmem>>, vector<1x16xf32>,
      %swap3A_1082 = vector.shape_cast %swap3A_1081 : vector<1x16xf32> to vector<16xf32>
      %swap3A_1083 = vector.shape_cast %add3A_1076 : vector<16xf32> to vector<1x16xf32>
      tpu.vector_store %arg7[%swap3A_1079, %swap3A_1080], %swap3A_1083 {strides = array<i32>} : memref<256x128xf32, #tpu.memory_space<vmem>>, vector<1x16xf32>,
      %add3A_1084 = arith.constant 8 : i32
      %add3A_1085 = arith.addi %mul3A_15, %add3A_1084 : i32
      %get3A_1086 = arith.index_cast %add3A_1085 : i32 to index
      %get3A_1087 = arith.constant 32 : index
      %get3A_1088 = tpu.vector_load %arg7[%get3A_1086, %get3A_1087] {strides = array<i32>} : memref<256x128xf32, #tpu.memory_space<vmem>>, vector<1x16xf32>,
      %get3A_1089 = vector.shape_cast %get3A_1088 : vector<1x16xf32> to vector<16xf32>
      %mul3A_1090 = arith.mulf %gather3A_1050, %get3A_1089 : vector<16xf32>
      %add3A_1091 = arith.addf %mul3A_1090, %gather3A_1053 : vector<16xf32>
      %add3A_1092 = arith.constant 8 : i32
      %add3A_1093 = arith.addi %mul3A_15, %add3A_1092 : i32
      %swap3A_1094 = arith.index_cast %add3A_1093 : i32 to index
      %swap3A_1095 = arith.constant 32 : index
      %swap3A_1096 = tpu.vector_load %arg7[%swap3A_1094, %swap3A_1095] {strides = array<i32>} : memref<256x128xf32, #tpu.memory_space<vmem>>, vector<1x16xf32>,
      %swap3A_1097 = vector.shape_cast %swap3A_1096 : vector<1x16xf32> to vector<16xf32>
      %swap3A_1098 = vector.shape_cast %add3A_1091 : vector<16xf32> to vector<1x16xf32>
      tpu.vector_store %arg7[%swap3A_1094, %swap3A_1095], %swap3A_1098 {strides = array<i32>} : memref<256x128xf32, #tpu.memory_space<vmem>>, vector<1x16xf32>,
      %add3A_1099 = arith.constant 8 : i32
      %add3A_1100 = arith.addi %mul3A_15, %add3A_1099 : i32
      %get3A_1101 = arith.index_cast %add3A_1100 : i32 to index
      %get3A_1102 = arith.constant 48 : index
      %get3A_1103 = tpu.vector_load %arg7[%get3A_1101, %get3A_1102] {strides = array<i32>} : memref<256x128xf32, #tpu.memory_space<vmem>>, vector<1x16xf32>,
      %get3A_1104 = vector.shape_cast %get3A_1103 : vector<1x16xf32> to vector<16xf32>
      %mul3A_1105 = arith.mulf %gather3A_1050, %get3A_1104 : vector<16xf32>
      %add3A_1106 = arith.addf %mul3A_1105, %gather3A_1053 : vector<16xf32>
      %add3A_1107 = arith.constant 8 : i32
      %add3A_1108 = arith.addi %mul3A_15, %add3A_1107 : i32
      %swap3A_1109 = arith.index_cast %add3A_1108 : i32 to index
      %swap3A_1110 = arith.constant 48 : index
      %swap3A_1111 = tpu.vector_load %arg7[%swap3A_1109, %swap3A_1110] {strides = array<i32>} : memref<256x128xf32, #tpu.memory_space<vmem>>, vector<1x16xf32>,
      %swap3A_1112 = vector.shape_cast %swap3A_1111 : vector<1x16xf32> to vector<16xf32>
      %swap3A_1113 = vector.shape_cast %add3A_1106 : vector<16xf32> to vector<1x16xf32>
      tpu.vector_store %arg7[%swap3A_1109, %swap3A_1110], %swap3A_1113 {strides = array<i32>} : memref<256x128xf32, #tpu.memory_space<vmem>>, vector<1x16xf32>,
      %add3A_1114 = arith.constant 8 : i32
      %add3A_1115 = arith.addi %mul3A_15, %add3A_1114 : i32
      %get3A_1116 = arith.index_cast %add3A_1115 : i32 to index
      %get3A_1117 = arith.constant 64 : index
      %get3A_1118 = tpu.vector_load %arg7[%get3A_1116, %get3A_1117] {strides = array<i32>} : memref<256x128xf32, #tpu.memory_space<vmem>>, vector<1x16xf32>,
      %get3A_1119 = vector.shape_cast %get3A_1118 : vector<1x16xf32> to vector<16xf32>
      %mul3A_1120 = arith.mulf %gather3A_1050, %get3A_1119 : vector<16xf32>
      %add3A_1121 = arith.addf %mul3A_1120, %gather3A_1053 : vector<16xf32>
      %add3A_1122 = arith.constant 8 : i32
      %add3A_1123 = arith.addi %mul3A_15, %add3A_1122 : i32
      %swap3A_1124 = arith.index_cast %add3A_1123 : i32 to index
      %swap3A_1125 = arith.constant 64 : index
      %swap3A_1126 = tpu.vector_load %arg7[%swap3A_1124, %swap3A_1125] {strides = array<i32>} : memref<256x128xf32, #tpu.memory_space<vmem>>, vector<1x16xf32>,
      %swap3A_1127 = vector.shape_cast %swap3A_1126 : vector<1x16xf32> to vector<16xf32>
      %swap3A_1128 = vector.shape_cast %add3A_1121 : vector<16xf32> to vector<1x16xf32>
      tpu.vector_store %arg7[%swap3A_1124, %swap3A_1125], %swap3A_1128 {strides = array<i32>} : memref<256x128xf32, #tpu.memory_space<vmem>>, vector<1x16xf32>,
      %add3A_1129 = arith.constant 8 : i32
      %add3A_1130 = arith.addi %mul3A_15, %add3A_1129 : i32
      %get3A_1131 = arith.index_cast %add3A_1130 : i32 to index
      %get3A_1132 = arith.constant 80 : index
      %get3A_1133 = tpu.vector_load %arg7[%get3A_1131, %get3A_1132] {strides = array<i32>} : memref<256x128xf32, #tpu.memory_space<vmem>>, vector<1x16xf32>,
      %get3A_1134 = vector.shape_cast %get3A_1133 : vector<1x16xf32> to vector<16xf32>
      %mul3A_1135 = arith.mulf %gather3A_1050, %get3A_1134 : vector<16xf32>
      %add3A_1136 = arith.addf %mul3A_1135, %gather3A_1053 : vector<16xf32>
      %add3A_1137 = arith.constant 8 : i32
      %add3A_1138 = arith.addi %mul3A_15, %add3A_1137 : i32
      %swap3A_1139 = arith.index_cast %add3A_1138 : i32 to index
      %swap3A_1140 = arith.constant 80 : index
      %swap3A_1141 = tpu.vector_load %arg7[%swap3A_1139, %swap3A_1140] {strides = array<i32>} : memref<256x128xf32, #tpu.memory_space<vmem>>, vector<1x16xf32>,
      %swap3A_1142 = vector.shape_cast %swap3A_1141 : vector<1x16xf32> to vector<16xf32>
      %swap3A_1143 = vector.shape_cast %add3A_1136 : vector<16xf32> to vector<1x16xf32>
      tpu.vector_store %arg7[%swap3A_1139, %swap3A_1140], %swap3A_1143 {strides = array<i32>} : memref<256x128xf32, #tpu.memory_space<vmem>>, vector<1x16xf32>,
      %add3A_1144 = arith.constant 8 : i32
      %add3A_1145 = arith.addi %mul3A_15, %add3A_1144 : i32
      %get3A_1146 = arith.index_cast %add3A_1145 : i32 to index
      %get3A_1147 = arith.constant 96 : index
      %get3A_1148 = tpu.vector_load %arg7[%get3A_1146, %get3A_1147] {strides = array<i32>} : memref<256x128xf32, #tpu.memory_space<vmem>>, vector<1x16xf32>,
      %get3A_1149 = vector.shape_cast %get3A_1148 : vector<1x16xf32> to vector<16xf32>
      %mul3A_1150 = arith.mulf %gather3A_1050, %get3A_1149 : vector<16xf32>
      %add3A_1151 = arith.addf %mul3A_1150, %gather3A_1053 : vector<16xf32>
      %add3A_1152 = arith.constant 8 : i32
      %add3A_1153 = arith.addi %mul3A_15, %add3A_1152 : i32
      %swap3A_1154 = arith.index_cast %add3A_1153 : i32 to index
      %swap3A_1155 = arith.constant 96 : index
      %swap3A_1156 = tpu.vector_load %arg7[%swap3A_1154, %swap3A_1155] {strides = array<i32>} : memref<256x128xf32, #tpu.memory_space<vmem>>, vector<1x16xf32>,
      %swap3A_1157 = vector.shape_cast %swap3A_1156 : vector<1x16xf32> to vector<16xf32>
      %swap3A_1158 = vector.shape_cast %add3A_1151 : vector<16xf32> to vector<1x16xf32>
      tpu.vector_store %arg7[%swap3A_1154, %swap3A_1155], %swap3A_1158 {strides = array<i32>} : memref<256x128xf32, #tpu.memory_space<vmem>>, vector<1x16xf32>,
      %add3A_1159 = arith.constant 8 : i32
      %add3A_1160 = arith.addi %mul3A_15, %add3A_1159 : i32
      %get3A_1161 = arith.index_cast %add3A_1160 : i32 to index
      %get3A_1162 = arith.constant 112 : index
      %get3A_1163 = tpu.vector_load %arg7[%get3A_1161, %get3A_1162] {strides = array<i32>} : memref<256x128xf32, #tpu.memory_space<vmem>>, vector<1x16xf32>,
      %get3A_1164 = vector.shape_cast %get3A_1163 : vector<1x16xf32> to vector<16xf32>
      %mul3A_1165 = arith.mulf %gather3A_1050, %get3A_1164 : vector<16xf32>
      %add3A_1166 = arith.addf %mul3A_1165, %gather3A_1053 : vector<16xf32>
      %add3A_1167 = arith.constant 8 : i32
      %add3A_1168 = arith.addi %mul3A_15, %add3A_1167 : i32
      %swap3A_1169 = arith.index_cast %add3A_1168 : i32 to index
      %swap3A_1170 = arith.constant 112 : index
      %swap3A_1171 = tpu.vector_load %arg7[%swap3A_1169, %swap3A_1170] {strides = array<i32>} : memref<256x128xf32, #tpu.memory_space<vmem>>, vector<1x16xf32>,
      %swap3A_1172 = vector.shape_cast %swap3A_1171 : vector<1x16xf32> to vector<16xf32>
      %swap3A_1173 = vector.shape_cast %add3A_1166 : vector<16xf32> to vector<1x16xf32>
      tpu.vector_store %arg7[%swap3A_1169, %swap3A_1170], %swap3A_1173 {strides = array<i32>} : memref<256x128xf32, #tpu.memory_space<vmem>>, vector<1x16xf32>,
      %broadcast_in_dim3A_1174 = arith.constant 9 : i32
      %broadcast_in_dim3A_1175 = vector.broadcast %broadcast_in_dim3A_1174 : i32 to vector<16xi32>
      %broadcast_in_dim3A_1176 = vector.shape_cast %broadcast_in_dim3A_1175 : vector<16xi32> to vector<16x1xi32>
      %gather3A_1177 = vector.shape_cast %broadcast_in_dim3A_1176 : vector<16x1xi32> to vector<16xi32>
      %gather3A_1178 = tpu.dynamic_gather %gather3A_19[%gather3A_1177] in [0] : vector<16xf32>, vector<16xi32> -> vector<16xf32>
      %broadcast_in_dim3A_1179 = vector.shape_cast %broadcast_in_dim3A_1175 : vector<16xi32> to vector<16x1xi32>
      %gather3A_1180 = vector.shape_cast %broadcast_in_dim3A_1179 : vector<16x1xi32> to vector<16xi32>
      %gather3A_1181 = tpu.dynamic_gather %gather3A_22[%gather3A_1180] in [0] : vector<16xf32>, vector<16xi32> -> vector<16xf32>
      %add3A_1182 = arith.constant 9 : i32
      %add3A_1183 = arith.addi %mul3A_15, %add3A_1182 : i32
      %get3A_1184 = arith.index_cast %add3A_1183 : i32 to index
      %get3A_1185 = arith.constant 0 : index
      %get3A_1186 = tpu.vector_load %arg7[%get3A_1184, %get3A_1185] {strides = array<i32>} : memref<256x128xf32, #tpu.memory_space<vmem>>, vector<1x16xf32>,
      %get3A_1187 = vector.shape_cast %get3A_1186 : vector<1x16xf32> to vector<16xf32>
      %mul3A_1188 = arith.mulf %gather3A_1178, %get3A_1187 : vector<16xf32>
      %add3A_1189 = arith.addf %mul3A_1188, %gather3A_1181 : vector<16xf32>
      %add3A_1190 = arith.constant 9 : i32
      %add3A_1191 = arith.addi %mul3A_15, %add3A_1190 : i32
      %swap3A_1192 = arith.index_cast %add3A_1191 : i32 to index
      %swap3A_1193 = arith.constant 0 : index
      %swap3A_1194 = tpu.vector_load %arg7[%swap3A_1192, %swap3A_1193] {strides = array<i32>} : memref<256x128xf32, #tpu.memory_space<vmem>>, vector<1x16xf32>,
      %swap3A_1195 = vector.shape_cast %swap3A_1194 : vector<1x16xf32> to vector<16xf32>
      %swap3A_1196 = vector.shape_cast %add3A_1189 : vector<16xf32> to vector<1x16xf32>
      tpu.vector_store %arg7[%swap3A_1192, %swap3A_1193], %swap3A_1196 {strides = array<i32>} : memref<256x128xf32, #tpu.memory_space<vmem>>, vector<1x16xf32>,
      %add3A_1197 = arith.constant 9 : i32
      %add3A_1198 = arith.addi %mul3A_15, %add3A_1197 : i32
      %get3A_1199 = arith.index_cast %add3A_1198 : i32 to index
      %get3A_1200 = arith.constant 16 : index
      %get3A_1201 = tpu.vector_load %arg7[%get3A_1199, %get3A_1200] {strides = array<i32>} : memref<256x128xf32, #tpu.memory_space<vmem>>, vector<1x16xf32>,
      %get3A_1202 = vector.shape_cast %get3A_1201 : vector<1x16xf32> to vector<16xf32>
      %mul3A_1203 = arith.mulf %gather3A_1178, %get3A_1202 : vector<16xf32>
      %add3A_1204 = arith.addf %mul3A_1203, %gather3A_1181 : vector<16xf32>
      %add3A_1205 = arith.constant 9 : i32
      %add3A_1206 = arith.addi %mul3A_15, %add3A_1205 : i32
      %swap3A_1207 = arith.index_cast %add3A_1206 : i32 to index
      %swap3A_1208 = arith.constant 16 : index
      %swap3A_1209 = tpu.vector_load %arg7[%swap3A_1207, %swap3A_1208] {strides = array<i32>} : memref<256x128xf32, #tpu.memory_space<vmem>>, vector<1x16xf32>,
      %swap3A_1210 = vector.shape_cast %swap3A_1209 : vector<1x16xf32> to vector<16xf32>
      %swap3A_1211 = vector.shape_cast %add3A_1204 : vector<16xf32> to vector<1x16xf32>
      tpu.vector_store %arg7[%swap3A_1207, %swap3A_1208], %swap3A_1211 {strides = array<i32>} : memref<256x128xf32, #tpu.memory_space<vmem>>, vector<1x16xf32>,
      %add3A_1212 = arith.constant 9 : i32
      %add3A_1213 = arith.addi %mul3A_15, %add3A_1212 : i32
      %get3A_1214 = arith.index_cast %add3A_1213 : i32 to index
      %get3A_1215 = arith.constant 32 : index
      %get3A_1216 = tpu.vector_load %arg7[%get3A_1214, %get3A_1215] {strides = array<i32>} : memref<256x128xf32, #tpu.memory_space<vmem>>, vector<1x16xf32>,
      %get3A_1217 = vector.shape_cast %get3A_1216 : vector<1x16xf32> to vector<16xf32>
      %mul3A_1218 = arith.mulf %gather3A_1178, %get3A_1217 : vector<16xf32>
      %add3A_1219 = arith.addf %mul3A_1218, %gather3A_1181 : vector<16xf32>
      %add3A_1220 = arith.constant 9 : i32
      %add3A_1221 = arith.addi %mul3A_15, %add3A_1220 : i32
      %swap3A_1222 = arith.index_cast %add3A_1221 : i32 to index
      %swap3A_1223 = arith.constant 32 : index
      %swap3A_1224 = tpu.vector_load %arg7[%swap3A_1222, %swap3A_1223] {strides = array<i32>} : memref<256x128xf32, #tpu.memory_space<vmem>>, vector<1x16xf32>,
      %swap3A_1225 = vector.shape_cast %swap3A_1224 : vector<1x16xf32> to vector<16xf32>
      %swap3A_1226 = vector.shape_cast %add3A_1219 : vector<16xf32> to vector<1x16xf32>
      tpu.vector_store %arg7[%swap3A_1222, %swap3A_1223], %swap3A_1226 {strides = array<i32>} : memref<256x128xf32, #tpu.memory_space<vmem>>, vector<1x16xf32>,
      %add3A_1227 = arith.constant 9 : i32
      %add3A_1228 = arith.addi %mul3A_15, %add3A_1227 : i32
      %get3A_1229 = arith.index_cast %add3A_1228 : i32 to index
      %get3A_1230 = arith.constant 48 : index
      %get3A_1231 = tpu.vector_load %arg7[%get3A_1229, %get3A_1230] {strides = array<i32>} : memref<256x128xf32, #tpu.memory_space<vmem>>, vector<1x16xf32>,
      %get3A_1232 = vector.shape_cast %get3A_1231 : vector<1x16xf32> to vector<16xf32>
      %mul3A_1233 = arith.mulf %gather3A_1178, %get3A_1232 : vector<16xf32>
      %add3A_1234 = arith.addf %mul3A_1233, %gather3A_1181 : vector<16xf32>
      %add3A_1235 = arith.constant 9 : i32
      %add3A_1236 = arith.addi %mul3A_15, %add3A_1235 : i32
      %swap3A_1237 = arith.index_cast %add3A_1236 : i32 to index
      %swap3A_1238 = arith.constant 48 : index
      %swap3A_1239 = tpu.vector_load %arg7[%swap3A_1237, %swap3A_1238] {strides = array<i32>} : memref<256x128xf32, #tpu.memory_space<vmem>>, vector<1x16xf32>,
      %swap3A_1240 = vector.shape_cast %swap3A_1239 : vector<1x16xf32> to vector<16xf32>
      %swap3A_1241 = vector.shape_cast %add3A_1234 : vector<16xf32> to vector<1x16xf32>
      tpu.vector_store %arg7[%swap3A_1237, %swap3A_1238], %swap3A_1241 {strides = array<i32>} : memref<256x128xf32, #tpu.memory_space<vmem>>, vector<1x16xf32>,
      %add3A_1242 = arith.constant 9 : i32
      %add3A_1243 = arith.addi %mul3A_15, %add3A_1242 : i32
      %get3A_1244 = arith.index_cast %add3A_1243 : i32 to index
      %get3A_1245 = arith.constant 64 : index
      %get3A_1246 = tpu.vector_load %arg7[%get3A_1244, %get3A_1245] {strides = array<i32>} : memref<256x128xf32, #tpu.memory_space<vmem>>, vector<1x16xf32>,
      %get3A_1247 = vector.shape_cast %get3A_1246 : vector<1x16xf32> to vector<16xf32>
      %mul3A_1248 = arith.mulf %gather3A_1178, %get3A_1247 : vector<16xf32>
      %add3A_1249 = arith.addf %mul3A_1248, %gather3A_1181 : vector<16xf32>
      %add3A_1250 = arith.constant 9 : i32
      %add3A_1251 = arith.addi %mul3A_15, %add3A_1250 : i32
      %swap3A_1252 = arith.index_cast %add3A_1251 : i32 to index
      %swap3A_1253 = arith.constant 64 : index
      %swap3A_1254 = tpu.vector_load %arg7[%swap3A_1252, %swap3A_1253] {strides = array<i32>} : memref<256x128xf32, #tpu.memory_space<vmem>>, vector<1x16xf32>,
      %swap3A_1255 = vector.shape_cast %swap3A_1254 : vector<1x16xf32> to vector<16xf32>
      %swap3A_1256 = vector.shape_cast %add3A_1249 : vector<16xf32> to vector<1x16xf32>
      tpu.vector_store %arg7[%swap3A_1252, %swap3A_1253], %swap3A_1256 {strides = array<i32>} : memref<256x128xf32, #tpu.memory_space<vmem>>, vector<1x16xf32>,
      %add3A_1257 = arith.constant 9 : i32
      %add3A_1258 = arith.addi %mul3A_15, %add3A_1257 : i32
      %get3A_1259 = arith.index_cast %add3A_1258 : i32 to index
      %get3A_1260 = arith.constant 80 : index
      %get3A_1261 = tpu.vector_load %arg7[%get3A_1259, %get3A_1260] {strides = array<i32>} : memref<256x128xf32, #tpu.memory_space<vmem>>, vector<1x16xf32>,
      %get3A_1262 = vector.shape_cast %get3A_1261 : vector<1x16xf32> to vector<16xf32>
      %mul3A_1263 = arith.mulf %gather3A_1178, %get3A_1262 : vector<16xf32>
      %add3A_1264 = arith.addf %mul3A_1263, %gather3A_1181 : vector<16xf32>
      %add3A_1265 = arith.constant 9 : i32
      %add3A_1266 = arith.addi %mul3A_15, %add3A_1265 : i32
      %swap3A_1267 = arith.index_cast %add3A_1266 : i32 to index
      %swap3A_1268 = arith.constant 80 : index
      %swap3A_1269 = tpu.vector_load %arg7[%swap3A_1267, %swap3A_1268] {strides = array<i32>} : memref<256x128xf32, #tpu.memory_space<vmem>>, vector<1x16xf32>,
      %swap3A_1270 = vector.shape_cast %swap3A_1269 : vector<1x16xf32> to vector<16xf32>
      %swap3A_1271 = vector.shape_cast %add3A_1264 : vector<16xf32> to vector<1x16xf32>
      tpu.vector_store %arg7[%swap3A_1267, %swap3A_1268], %swap3A_1271 {strides = array<i32>} : memref<256x128xf32, #tpu.memory_space<vmem>>, vector<1x16xf32>,
      %add3A_1272 = arith.constant 9 : i32
      %add3A_1273 = arith.addi %mul3A_15, %add3A_1272 : i32
      %get3A_1274 = arith.index_cast %add3A_1273 : i32 to index
      %get3A_1275 = arith.constant 96 : index
      %get3A_1276 = tpu.vector_load %arg7[%get3A_1274, %get3A_1275] {strides = array<i32>} : memref<256x128xf32, #tpu.memory_space<vmem>>, vector<1x16xf32>,
      %get3A_1277 = vector.shape_cast %get3A_1276 : vector<1x16xf32> to vector<16xf32>
      %mul3A_1278 = arith.mulf %gather3A_1178, %get3A_1277 : vector<16xf32>
      %add3A_1279 = arith.addf %mul3A_1278, %gather3A_1181 : vector<16xf32>
      %add3A_1280 = arith.constant 9 : i32
      %add3A_1281 = arith.addi %mul3A_15, %add3A_1280 : i32
      %swap3A_1282 = arith.index_cast %add3A_1281 : i32 to index
      %swap3A_1283 = arith.constant 96 : index
      %swap3A_1284 = tpu.vector_load %arg7[%swap3A_1282, %swap3A_1283] {strides = array<i32>} : memref<256x128xf32, #tpu.memory_space<vmem>>, vector<1x16xf32>,
      %swap3A_1285 = vector.shape_cast %swap3A_1284 : vector<1x16xf32> to vector<16xf32>
      %swap3A_1286 = vector.shape_cast %add3A_1279 : vector<16xf32> to vector<1x16xf32>
      tpu.vector_store %arg7[%swap3A_1282, %swap3A_1283], %swap3A_1286 {strides = array<i32>} : memref<256x128xf32, #tpu.memory_space<vmem>>, vector<1x16xf32>,
      %add3A_1287 = arith.constant 9 : i32
      %add3A_1288 = arith.addi %mul3A_15, %add3A_1287 : i32
      %get3A_1289 = arith.index_cast %add3A_1288 : i32 to index
      %get3A_1290 = arith.constant 112 : index
      %get3A_1291 = tpu.vector_load %arg7[%get3A_1289, %get3A_1290] {strides = array<i32>} : memref<256x128xf32, #tpu.memory_space<vmem>>, vector<1x16xf32>,
      %get3A_1292 = vector.shape_cast %get3A_1291 : vector<1x16xf32> to vector<16xf32>
      %mul3A_1293 = arith.mulf %gather3A_1178, %get3A_1292 : vector<16xf32>
      %add3A_1294 = arith.addf %mul3A_1293, %gather3A_1181 : vector<16xf32>
      %add3A_1295 = arith.constant 9 : i32
      %add3A_1296 = arith.addi %mul3A_15, %add3A_1295 : i32
      %swap3A_1297 = arith.index_cast %add3A_1296 : i32 to index
      %swap3A_1298 = arith.constant 112 : index
      %swap3A_1299 = tpu.vector_load %arg7[%swap3A_1297, %swap3A_1298] {strides = array<i32>} : memref<256x128xf32, #tpu.memory_space<vmem>>, vector<1x16xf32>,
      %swap3A_1300 = vector.shape_cast %swap3A_1299 : vector<1x16xf32> to vector<16xf32>
      %swap3A_1301 = vector.shape_cast %add3A_1294 : vector<16xf32> to vector<1x16xf32>
      tpu.vector_store %arg7[%swap3A_1297, %swap3A_1298], %swap3A_1301 {strides = array<i32>} : memref<256x128xf32, #tpu.memory_space<vmem>>, vector<1x16xf32>,
      %broadcast_in_dim3A_1302 = arith.constant 10 : i32
      %broadcast_in_dim3A_1303 = vector.broadcast %broadcast_in_dim3A_1302 : i32 to vector<16xi32>
      %broadcast_in_dim3A_1304 = vector.shape_cast %broadcast_in_dim3A_1303 : vector<16xi32> to vector<16x1xi32>
      %gather3A_1305 = vector.shape_cast %broadcast_in_dim3A_1304 : vector<16x1xi32> to vector<16xi32>
      %gather3A_1306 = tpu.dynamic_gather %gather3A_19[%gather3A_1305] in [0] : vector<16xf32>, vector<16xi32> -> vector<16xf32>
      %broadcast_in_dim3A_1307 = vector.shape_cast %broadcast_in_dim3A_1303 : vector<16xi32> to vector<16x1xi32>
      %gather3A_1308 = vector.shape_cast %broadcast_in_dim3A_1307 : vector<16x1xi32> to vector<16xi32>
      %gather3A_1309 = tpu.dynamic_gather %gather3A_22[%gather3A_1308] in [0] : vector<16xf32>, vector<16xi32> -> vector<16xf32>
      %add3A_1310 = arith.constant 10 : i32
      %add3A_1311 = arith.addi %mul3A_15, %add3A_1310 : i32
      %get3A_1312 = arith.index_cast %add3A_1311 : i32 to index
      %get3A_1313 = arith.constant 0 : index
      %get3A_1314 = tpu.vector_load %arg7[%get3A_1312, %get3A_1313] {strides = array<i32>} : memref<256x128xf32, #tpu.memory_space<vmem>>, vector<1x16xf32>,
      %get3A_1315 = vector.shape_cast %get3A_1314 : vector<1x16xf32> to vector<16xf32>
      %mul3A_1316 = arith.mulf %gather3A_1306, %get3A_1315 : vector<16xf32>
      %add3A_1317 = arith.addf %mul3A_1316, %gather3A_1309 : vector<16xf32>
      %add3A_1318 = arith.constant 10 : i32
      %add3A_1319 = arith.addi %mul3A_15, %add3A_1318 : i32
      %swap3A_1320 = arith.index_cast %add3A_1319 : i32 to index
      %swap3A_1321 = arith.constant 0 : index
      %swap3A_1322 = tpu.vector_load %arg7[%swap3A_1320, %swap3A_1321] {strides = array<i32>} : memref<256x128xf32, #tpu.memory_space<vmem>>, vector<1x16xf32>,
      %swap3A_1323 = vector.shape_cast %swap3A_1322 : vector<1x16xf32> to vector<16xf32>
      %swap3A_1324 = vector.shape_cast %add3A_1317 : vector<16xf32> to vector<1x16xf32>
      tpu.vector_store %arg7[%swap3A_1320, %swap3A_1321], %swap3A_1324 {strides = array<i32>} : memref<256x128xf32, #tpu.memory_space<vmem>>, vector<1x16xf32>,
      %add3A_1325 = arith.constant 10 : i32
      %add3A_1326 = arith.addi %mul3A_15, %add3A_1325 : i32
      %get3A_1327 = arith.index_cast %add3A_1326 : i32 to index
      %get3A_1328 = arith.constant 16 : index
      %get3A_1329 = tpu.vector_load %arg7[%get3A_1327, %get3A_1328] {strides = array<i32>} : memref<256x128xf32, #tpu.memory_space<vmem>>, vector<1x16xf32>,
      %get3A_1330 = vector.shape_cast %get3A_1329 : vector<1x16xf32> to vector<16xf32>
      %mul3A_1331 = arith.mulf %gather3A_1306, %get3A_1330 : vector<16xf32>
      %add3A_1332 = arith.addf %mul3A_1331, %gather3A_1309 : vector<16xf32>
      %add3A_1333 = arith.constant 10 : i32
      %add3A_1334 = arith.addi %mul3A_15, %add3A_1333 : i32
      %swap3A_1335 = arith.index_cast %add3A_1334 : i32 to index
      %swap3A_1336 = arith.constant 16 : index
      %swap3A_1337 = tpu.vector_load %arg7[%swap3A_1335, %swap3A_1336] {strides = array<i32>} : memref<256x128xf32, #tpu.memory_space<vmem>>, vector<1x16xf32>,
      %swap3A_1338 = vector.shape_cast %swap3A_1337 : vector<1x16xf32> to vector<16xf32>
      %swap3A_1339 = vector.shape_cast %add3A_1332 : vector<16xf32> to vector<1x16xf32>
      tpu.vector_store %arg7[%swap3A_1335, %swap3A_1336], %swap3A_1339 {strides = array<i32>} : memref<256x128xf32, #tpu.memory_space<vmem>>, vector<1x16xf32>,
      %add3A_1340 = arith.constant 10 : i32
      %add3A_1341 = arith.addi %mul3A_15, %add3A_1340 : i32
      %get3A_1342 = arith.index_cast %add3A_1341 : i32 to index
      %get3A_1343 = arith.constant 32 : index
      %get3A_1344 = tpu.vector_load %arg7[%get3A_1342, %get3A_1343] {strides = array<i32>} : memref<256x128xf32, #tpu.memory_space<vmem>>, vector<1x16xf32>,
      %get3A_1345 = vector.shape_cast %get3A_1344 : vector<1x16xf32> to vector<16xf32>
      %mul3A_1346 = arith.mulf %gather3A_1306, %get3A_1345 : vector<16xf32>
      %add3A_1347 = arith.addf %mul3A_1346, %gather3A_1309 : vector<16xf32>
      %add3A_1348 = arith.constant 10 : i32
      %add3A_1349 = arith.addi %mul3A_15, %add3A_1348 : i32
      %swap3A_1350 = arith.index_cast %add3A_1349 : i32 to index
      %swap3A_1351 = arith.constant 32 : index
      %swap3A_1352 = tpu.vector_load %arg7[%swap3A_1350, %swap3A_1351] {strides = array<i32>} : memref<256x128xf32, #tpu.memory_space<vmem>>, vector<1x16xf32>,
      %swap3A_1353 = vector.shape_cast %swap3A_1352 : vector<1x16xf32> to vector<16xf32>
      %swap3A_1354 = vector.shape_cast %add3A_1347 : vector<16xf32> to vector<1x16xf32>
      tpu.vector_store %arg7[%swap3A_1350, %swap3A_1351], %swap3A_1354 {strides = array<i32>} : memref<256x128xf32, #tpu.memory_space<vmem>>, vector<1x16xf32>,
      %add3A_1355 = arith.constant 10 : i32
      %add3A_1356 = arith.addi %mul3A_15, %add3A_1355 : i32
      %get3A_1357 = arith.index_cast %add3A_1356 : i32 to index
      %get3A_1358 = arith.constant 48 : index
      %get3A_1359 = tpu.vector_load %arg7[%get3A_1357, %get3A_1358] {strides = array<i32>} : memref<256x128xf32, #tpu.memory_space<vmem>>, vector<1x16xf32>,
      %get3A_1360 = vector.shape_cast %get3A_1359 : vector<1x16xf32> to vector<16xf32>
      %mul3A_1361 = arith.mulf %gather3A_1306, %get3A_1360 : vector<16xf32>
      %add3A_1362 = arith.addf %mul3A_1361, %gather3A_1309 : vector<16xf32>
      %add3A_1363 = arith.constant 10 : i32
      %add3A_1364 = arith.addi %mul3A_15, %add3A_1363 : i32
      %swap3A_1365 = arith.index_cast %add3A_1364 : i32 to index
      %swap3A_1366 = arith.constant 48 : index
      %swap3A_1367 = tpu.vector_load %arg7[%swap3A_1365, %swap3A_1366] {strides = array<i32>} : memref<256x128xf32, #tpu.memory_space<vmem>>, vector<1x16xf32>,
      %swap3A_1368 = vector.shape_cast %swap3A_1367 : vector<1x16xf32> to vector<16xf32>
      %swap3A_1369 = vector.shape_cast %add3A_1362 : vector<16xf32> to vector<1x16xf32>
      tpu.vector_store %arg7[%swap3A_1365, %swap3A_1366], %swap3A_1369 {strides = array<i32>} : memref<256x128xf32, #tpu.memory_space<vmem>>, vector<1x16xf32>,
      %add3A_1370 = arith.constant 10 : i32
      %add3A_1371 = arith.addi %mul3A_15, %add3A_1370 : i32
      %get3A_1372 = arith.index_cast %add3A_1371 : i32 to index
      %get3A_1373 = arith.constant 64 : index
      %get3A_1374 = tpu.vector_load %arg7[%get3A_1372, %get3A_1373] {strides = array<i32>} : memref<256x128xf32, #tpu.memory_space<vmem>>, vector<1x16xf32>,
      %get3A_1375 = vector.shape_cast %get3A_1374 : vector<1x16xf32> to vector<16xf32>
      %mul3A_1376 = arith.mulf %gather3A_1306, %get3A_1375 : vector<16xf32>
      %add3A_1377 = arith.addf %mul3A_1376, %gather3A_1309 : vector<16xf32>
      %add3A_1378 = arith.constant 10 : i32
      %add3A_1379 = arith.addi %mul3A_15, %add3A_1378 : i32
      %swap3A_1380 = arith.index_cast %add3A_1379 : i32 to index
      %swap3A_1381 = arith.constant 64 : index
      %swap3A_1382 = tpu.vector_load %arg7[%swap3A_1380, %swap3A_1381] {strides = array<i32>} : memref<256x128xf32, #tpu.memory_space<vmem>>, vector<1x16xf32>,
      %swap3A_1383 = vector.shape_cast %swap3A_1382 : vector<1x16xf32> to vector<16xf32>
      %swap3A_1384 = vector.shape_cast %add3A_1377 : vector<16xf32> to vector<1x16xf32>
      tpu.vector_store %arg7[%swap3A_1380, %swap3A_1381], %swap3A_1384 {strides = array<i32>} : memref<256x128xf32, #tpu.memory_space<vmem>>, vector<1x16xf32>,
      %add3A_1385 = arith.constant 10 : i32
      %add3A_1386 = arith.addi %mul3A_15, %add3A_1385 : i32
      %get3A_1387 = arith.index_cast %add3A_1386 : i32 to index
      %get3A_1388 = arith.constant 80 : index
      %get3A_1389 = tpu.vector_load %arg7[%get3A_1387, %get3A_1388] {strides = array<i32>} : memref<256x128xf32, #tpu.memory_space<vmem>>, vector<1x16xf32>,
      %get3A_1390 = vector.shape_cast %get3A_1389 : vector<1x16xf32> to vector<16xf32>
      %mul3A_1391 = arith.mulf %gather3A_1306, %get3A_1390 : vector<16xf32>
      %add3A_1392 = arith.addf %mul3A_1391, %gather3A_1309 : vector<16xf32>
      %add3A_1393 = arith.constant 10 : i32
      %add3A_1394 = arith.addi %mul3A_15, %add3A_1393 : i32
      %swap3A_1395 = arith.index_cast %add3A_1394 : i32 to index
      %swap3A_1396 = arith.constant 80 : index
      %swap3A_1397 = tpu.vector_load %arg7[%swap3A_1395, %swap3A_1396] {strides = array<i32>} : memref<256x128xf32, #tpu.memory_space<vmem>>, vector<1x16xf32>,
      %swap3A_1398 = vector.shape_cast %swap3A_1397 : vector<1x16xf32> to vector<16xf32>
      %swap3A_1399 = vector.shape_cast %add3A_1392 : vector<16xf32> to vector<1x16xf32>
      tpu.vector_store %arg7[%swap3A_1395, %swap3A_1396], %swap3A_1399 {strides = array<i32>} : memref<256x128xf32, #tpu.memory_space<vmem>>, vector<1x16xf32>,
      %add3A_1400 = arith.constant 10 : i32
      %add3A_1401 = arith.addi %mul3A_15, %add3A_1400 : i32
      %get3A_1402 = arith.index_cast %add3A_1401 : i32 to index
      %get3A_1403 = arith.constant 96 : index
      %get3A_1404 = tpu.vector_load %arg7[%get3A_1402, %get3A_1403] {strides = array<i32>} : memref<256x128xf32, #tpu.memory_space<vmem>>, vector<1x16xf32>,
      %get3A_1405 = vector.shape_cast %get3A_1404 : vector<1x16xf32> to vector<16xf32>
      %mul3A_1406 = arith.mulf %gather3A_1306, %get3A_1405 : vector<16xf32>
      %add3A_1407 = arith.addf %mul3A_1406, %gather3A_1309 : vector<16xf32>
      %add3A_1408 = arith.constant 10 : i32
      %add3A_1409 = arith.addi %mul3A_15, %add3A_1408 : i32
      %swap3A_1410 = arith.index_cast %add3A_1409 : i32 to index
      %swap3A_1411 = arith.constant 96 : index
      %swap3A_1412 = tpu.vector_load %arg7[%swap3A_1410, %swap3A_1411] {strides = array<i32>} : memref<256x128xf32, #tpu.memory_space<vmem>>, vector<1x16xf32>,
      %swap3A_1413 = vector.shape_cast %swap3A_1412 : vector<1x16xf32> to vector<16xf32>
      %swap3A_1414 = vector.shape_cast %add3A_1407 : vector<16xf32> to vector<1x16xf32>
      tpu.vector_store %arg7[%swap3A_1410, %swap3A_1411], %swap3A_1414 {strides = array<i32>} : memref<256x128xf32, #tpu.memory_space<vmem>>, vector<1x16xf32>,
      %add3A_1415 = arith.constant 10 : i32
      %add3A_1416 = arith.addi %mul3A_15, %add3A_1415 : i32
      %get3A_1417 = arith.index_cast %add3A_1416 : i32 to index
      %get3A_1418 = arith.constant 112 : index
      %get3A_1419 = tpu.vector_load %arg7[%get3A_1417, %get3A_1418] {strides = array<i32>} : memref<256x128xf32, #tpu.memory_space<vmem>>, vector<1x16xf32>,
      %get3A_1420 = vector.shape_cast %get3A_1419 : vector<1x16xf32> to vector<16xf32>
      %mul3A_1421 = arith.mulf %gather3A_1306, %get3A_1420 : vector<16xf32>
      %add3A_1422 = arith.addf %mul3A_1421, %gather3A_1309 : vector<16xf32>
      %add3A_1423 = arith.constant 10 : i32
      %add3A_1424 = arith.addi %mul3A_15, %add3A_1423 : i32
      %swap3A_1425 = arith.index_cast %add3A_1424 : i32 to index
      %swap3A_1426 = arith.constant 112 : index
      %swap3A_1427 = tpu.vector_load %arg7[%swap3A_1425, %swap3A_1426] {strides = array<i32>} : memref<256x128xf32, #tpu.memory_space<vmem>>, vector<1x16xf32>,
      %swap3A_1428 = vector.shape_cast %swap3A_1427 : vector<1x16xf32> to vector<16xf32>
      %swap3A_1429 = vector.shape_cast %add3A_1422 : vector<16xf32> to vector<1x16xf32>
      tpu.vector_store %arg7[%swap3A_1425, %swap3A_1426], %swap3A_1429 {strides = array<i32>} : memref<256x128xf32, #tpu.memory_space<vmem>>, vector<1x16xf32>,
      %broadcast_in_dim3A_1430 = arith.constant 11 : i32
      %broadcast_in_dim3A_1431 = vector.broadcast %broadcast_in_dim3A_1430 : i32 to vector<16xi32>
      %broadcast_in_dim3A_1432 = vector.shape_cast %broadcast_in_dim3A_1431 : vector<16xi32> to vector<16x1xi32>
      %gather3A_1433 = vector.shape_cast %broadcast_in_dim3A_1432 : vector<16x1xi32> to vector<16xi32>
      %gather3A_1434 = tpu.dynamic_gather %gather3A_19[%gather3A_1433] in [0] : vector<16xf32>, vector<16xi32> -> vector<16xf32>
      %broadcast_in_dim3A_1435 = vector.shape_cast %broadcast_in_dim3A_1431 : vector<16xi32> to vector<16x1xi32>
      %gather3A_1436 = vector.shape_cast %broadcast_in_dim3A_1435 : vector<16x1xi32> to vector<16xi32>
      %gather3A_1437 = tpu.dynamic_gather %gather3A_22[%gather3A_1436] in [0] : vector<16xf32>, vector<16xi32> -> vector<16xf32>
      %add3A_1438 = arith.constant 11 : i32
      %add3A_1439 = arith.addi %mul3A_15, %add3A_1438 : i32
      %get3A_1440 = arith.index_cast %add3A_1439 : i32 to index
      %get3A_1441 = arith.constant 0 : index
      %get3A_1442 = tpu.vector_load %arg7[%get3A_1440, %get3A_1441] {strides = array<i32>} : memref<256x128xf32, #tpu.memory_space<vmem>>, vector<1x16xf32>,
      %get3A_1443 = vector.shape_cast %get3A_1442 : vector<1x16xf32> to vector<16xf32>
      %mul3A_1444 = arith.mulf %gather3A_1434, %get3A_1443 : vector<16xf32>
      %add3A_1445 = arith.addf %mul3A_1444, %gather3A_1437 : vector<16xf32>
      %add3A_1446 = arith.constant 11 : i32
      %add3A_1447 = arith.addi %mul3A_15, %add3A_1446 : i32
      %swap3A_1448 = arith.index_cast %add3A_1447 : i32 to index
      %swap3A_1449 = arith.constant 0 : index
      %swap3A_1450 = tpu.vector_load %arg7[%swap3A_1448, %swap3A_1449] {strides = array<i32>} : memref<256x128xf32, #tpu.memory_space<vmem>>, vector<1x16xf32>,
      %swap3A_1451 = vector.shape_cast %swap3A_1450 : vector<1x16xf32> to vector<16xf32>
      %swap3A_1452 = vector.shape_cast %add3A_1445 : vector<16xf32> to vector<1x16xf32>
      tpu.vector_store %arg7[%swap3A_1448, %swap3A_1449], %swap3A_1452 {strides = array<i32>} : memref<256x128xf32, #tpu.memory_space<vmem>>, vector<1x16xf32>,
      %add3A_1453 = arith.constant 11 : i32
      %add3A_1454 = arith.addi %mul3A_15, %add3A_1453 : i32
      %get3A_1455 = arith.index_cast %add3A_1454 : i32 to index
      %get3A_1456 = arith.constant 16 : index
      %get3A_1457 = tpu.vector_load %arg7[%get3A_1455, %get3A_1456] {strides = array<i32>} : memref<256x128xf32, #tpu.memory_space<vmem>>, vector<1x16xf32>,
      %get3A_1458 = vector.shape_cast %get3A_1457 : vector<1x16xf32> to vector<16xf32>
      %mul3A_1459 = arith.mulf %gather3A_1434, %get3A_1458 : vector<16xf32>
      %add3A_1460 = arith.addf %mul3A_1459, %gather3A_1437 : vector<16xf32>
      %add3A_1461 = arith.constant 11 : i32
      %add3A_1462 = arith.addi %mul3A_15, %add3A_1461 : i32
      %swap3A_1463 = arith.index_cast %add3A_1462 : i32 to index
      %swap3A_1464 = arith.constant 16 : index
      %swap3A_1465 = tpu.vector_load %arg7[%swap3A_1463, %swap3A_1464] {strides = array<i32>} : memref<256x128xf32, #tpu.memory_space<vmem>>, vector<1x16xf32>,
      %swap3A_1466 = vector.shape_cast %swap3A_1465 : vector<1x16xf32> to vector<16xf32>
      %swap3A_1467 = vector.shape_cast %add3A_1460 : vector<16xf32> to vector<1x16xf32>
      tpu.vector_store %arg7[%swap3A_1463, %swap3A_1464], %swap3A_1467 {strides = array<i32>} : memref<256x128xf32, #tpu.memory_space<vmem>>, vector<1x16xf32>,
      %add3A_1468 = arith.constant 11 : i32
      %add3A_1469 = arith.addi %mul3A_15, %add3A_1468 : i32
      %get3A_1470 = arith.index_cast %add3A_1469 : i32 to index
      %get3A_1471 = arith.constant 32 : index
      %get3A_1472 = tpu.vector_load %arg7[%get3A_1470, %get3A_1471] {strides = array<i32>} : memref<256x128xf32, #tpu.memory_space<vmem>>, vector<1x16xf32>,
      %get3A_1473 = vector.shape_cast %get3A_1472 : vector<1x16xf32> to vector<16xf32>
      %mul3A_1474 = arith.mulf %gather3A_1434, %get3A_1473 : vector<16xf32>
      %add3A_1475 = arith.addf %mul3A_1474, %gather3A_1437 : vector<16xf32>
      %add3A_1476 = arith.constant 11 : i32
      %add3A_1477 = arith.addi %mul3A_15, %add3A_1476 : i32
      %swap3A_1478 = arith.index_cast %add3A_1477 : i32 to index
      %swap3A_1479 = arith.constant 32 : index
      %swap3A_1480 = tpu.vector_load %arg7[%swap3A_1478, %swap3A_1479] {strides = array<i32>} : memref<256x128xf32, #tpu.memory_space<vmem>>, vector<1x16xf32>,
      %swap3A_1481 = vector.shape_cast %swap3A_1480 : vector<1x16xf32> to vector<16xf32>
      %swap3A_1482 = vector.shape_cast %add3A_1475 : vector<16xf32> to vector<1x16xf32>
      tpu.vector_store %arg7[%swap3A_1478, %swap3A_1479], %swap3A_1482 {strides = array<i32>} : memref<256x128xf32, #tpu.memory_space<vmem>>, vector<1x16xf32>,
      %add3A_1483 = arith.constant 11 : i32
      %add3A_1484 = arith.addi %mul3A_15, %add3A_1483 : i32
      %get3A_1485 = arith.index_cast %add3A_1484 : i32 to index
      %get3A_1486 = arith.constant 48 : index
      %get3A_1487 = tpu.vector_load %arg7[%get3A_1485, %get3A_1486] {strides = array<i32>} : memref<256x128xf32, #tpu.memory_space<vmem>>, vector<1x16xf32>,
      %get3A_1488 = vector.shape_cast %get3A_1487 : vector<1x16xf32> to vector<16xf32>
      %mul3A_1489 = arith.mulf %gather3A_1434, %get3A_1488 : vector<16xf32>
      %add3A_1490 = arith.addf %mul3A_1489, %gather3A_1437 : vector<16xf32>
      %add3A_1491 = arith.constant 11 : i32
      %add3A_1492 = arith.addi %mul3A_15, %add3A_1491 : i32
      %swap3A_1493 = arith.index_cast %add3A_1492 : i32 to index
      %swap3A_1494 = arith.constant 48 : index
      %swap3A_1495 = tpu.vector_load %arg7[%swap3A_1493, %swap3A_1494] {strides = array<i32>} : memref<256x128xf32, #tpu.memory_space<vmem>>, vector<1x16xf32>,
      %swap3A_1496 = vector.shape_cast %swap3A_1495 : vector<1x16xf32> to vector<16xf32>
      %swap3A_1497 = vector.shape_cast %add3A_1490 : vector<16xf32> to vector<1x16xf32>
      tpu.vector_store %arg7[%swap3A_1493, %swap3A_1494], %swap3A_1497 {strides = array<i32>} : memref<256x128xf32, #tpu.memory_space<vmem>>, vector<1x16xf32>,
      %add3A_1498 = arith.constant 11 : i32
      %add3A_1499 = arith.addi %mul3A_15, %add3A_1498 : i32
      %get3A_1500 = arith.index_cast %add3A_1499 : i32 to index
      %get3A_1501 = arith.constant 64 : index
      %get3A_1502 = tpu.vector_load %arg7[%get3A_1500, %get3A_1501] {strides = array<i32>} : memref<256x128xf32, #tpu.memory_space<vmem>>, vector<1x16xf32>,
      %get3A_1503 = vector.shape_cast %get3A_1502 : vector<1x16xf32> to vector<16xf32>
      %mul3A_1504 = arith.mulf %gather3A_1434, %get3A_1503 : vector<16xf32>
      %add3A_1505 = arith.addf %mul3A_1504, %gather3A_1437 : vector<16xf32>
      %add3A_1506 = arith.constant 11 : i32
      %add3A_1507 = arith.addi %mul3A_15, %add3A_1506 : i32
      %swap3A_1508 = arith.index_cast %add3A_1507 : i32 to index
      %swap3A_1509 = arith.constant 64 : index
      %swap3A_1510 = tpu.vector_load %arg7[%swap3A_1508, %swap3A_1509] {strides = array<i32>} : memref<256x128xf32, #tpu.memory_space<vmem>>, vector<1x16xf32>,
      %swap3A_1511 = vector.shape_cast %swap3A_1510 : vector<1x16xf32> to vector<16xf32>
      %swap3A_1512 = vector.shape_cast %add3A_1505 : vector<16xf32> to vector<1x16xf32>
      tpu.vector_store %arg7[%swap3A_1508, %swap3A_1509], %swap3A_1512 {strides = array<i32>} : memref<256x128xf32, #tpu.memory_space<vmem>>, vector<1x16xf32>,
      %add3A_1513 = arith.constant 11 : i32
      %add3A_1514 = arith.addi %mul3A_15, %add3A_1513 : i32
      %get3A_1515 = arith.index_cast %add3A_1514 : i32 to index
      %get3A_1516 = arith.constant 80 : index
      %get3A_1517 = tpu.vector_load %arg7[%get3A_1515, %get3A_1516] {strides = array<i32>} : memref<256x128xf32, #tpu.memory_space<vmem>>, vector<1x16xf32>,
      %get3A_1518 = vector.shape_cast %get3A_1517 : vector<1x16xf32> to vector<16xf32>
      %mul3A_1519 = arith.mulf %gather3A_1434, %get3A_1518 : vector<16xf32>
      %add3A_1520 = arith.addf %mul3A_1519, %gather3A_1437 : vector<16xf32>
      %add3A_1521 = arith.constant 11 : i32
      %add3A_1522 = arith.addi %mul3A_15, %add3A_1521 : i32
      %swap3A_1523 = arith.index_cast %add3A_1522 : i32 to index
      %swap3A_1524 = arith.constant 80 : index
      %swap3A_1525 = tpu.vector_load %arg7[%swap3A_1523, %swap3A_1524] {strides = array<i32>} : memref<256x128xf32, #tpu.memory_space<vmem>>, vector<1x16xf32>,
      %swap3A_1526 = vector.shape_cast %swap3A_1525 : vector<1x16xf32> to vector<16xf32>
      %swap3A_1527 = vector.shape_cast %add3A_1520 : vector<16xf32> to vector<1x16xf32>
      tpu.vector_store %arg7[%swap3A_1523, %swap3A_1524], %swap3A_1527 {strides = array<i32>} : memref<256x128xf32, #tpu.memory_space<vmem>>, vector<1x16xf32>,
      %add3A_1528 = arith.constant 11 : i32
      %add3A_1529 = arith.addi %mul3A_15, %add3A_1528 : i32
      %get3A_1530 = arith.index_cast %add3A_1529 : i32 to index
      %get3A_1531 = arith.constant 96 : index
      %get3A_1532 = tpu.vector_load %arg7[%get3A_1530, %get3A_1531] {strides = array<i32>} : memref<256x128xf32, #tpu.memory_space<vmem>>, vector<1x16xf32>,
      %get3A_1533 = vector.shape_cast %get3A_1532 : vector<1x16xf32> to vector<16xf32>
      %mul3A_1534 = arith.mulf %gather3A_1434, %get3A_1533 : vector<16xf32>
      %add3A_1535 = arith.addf %mul3A_1534, %gather3A_1437 : vector<16xf32>
      %add3A_1536 = arith.constant 11 : i32
      %add3A_1537 = arith.addi %mul3A_15, %add3A_1536 : i32
      %swap3A_1538 = arith.index_cast %add3A_1537 : i32 to index
      %swap3A_1539 = arith.constant 96 : index
      %swap3A_1540 = tpu.vector_load %arg7[%swap3A_1538, %swap3A_1539] {strides = array<i32>} : memref<256x128xf32, #tpu.memory_space<vmem>>, vector<1x16xf32>,
      %swap3A_1541 = vector.shape_cast %swap3A_1540 : vector<1x16xf32> to vector<16xf32>
      %swap3A_1542 = vector.shape_cast %add3A_1535 : vector<16xf32> to vector<1x16xf32>
      tpu.vector_store %arg7[%swap3A_1538, %swap3A_1539], %swap3A_1542 {strides = array<i32>} : memref<256x128xf32, #tpu.memory_space<vmem>>, vector<1x16xf32>,
      %add3A_1543 = arith.constant 11 : i32
      %add3A_1544 = arith.addi %mul3A_15, %add3A_1543 : i32
      %get3A_1545 = arith.index_cast %add3A_1544 : i32 to index
      %get3A_1546 = arith.constant 112 : index
      %get3A_1547 = tpu.vector_load %arg7[%get3A_1545, %get3A_1546] {strides = array<i32>} : memref<256x128xf32, #tpu.memory_space<vmem>>, vector<1x16xf32>,
      %get3A_1548 = vector.shape_cast %get3A_1547 : vector<1x16xf32> to vector<16xf32>
      %mul3A_1549 = arith.mulf %gather3A_1434, %get3A_1548 : vector<16xf32>
      %add3A_1550 = arith.addf %mul3A_1549, %gather3A_1437 : vector<16xf32>
      %add3A_1551 = arith.constant 11 : i32
      %add3A_1552 = arith.addi %mul3A_15, %add3A_1551 : i32
      %swap3A_1553 = arith.index_cast %add3A_1552 : i32 to index
      %swap3A_1554 = arith.constant 112 : index
      %swap3A_1555 = tpu.vector_load %arg7[%swap3A_1553, %swap3A_1554] {strides = array<i32>} : memref<256x128xf32, #tpu.memory_space<vmem>>, vector<1x16xf32>,
      %swap3A_1556 = vector.shape_cast %swap3A_1555 : vector<1x16xf32> to vector<16xf32>
      %swap3A_1557 = vector.shape_cast %add3A_1550 : vector<16xf32> to vector<1x16xf32>
      tpu.vector_store %arg7[%swap3A_1553, %swap3A_1554], %swap3A_1557 {strides = array<i32>} : memref<256x128xf32, #tpu.memory_space<vmem>>, vector<1x16xf32>,
      %broadcast_in_dim3A_1558 = arith.constant 12 : i32
      %broadcast_in_dim3A_1559 = vector.broadcast %broadcast_in_dim3A_1558 : i32 to vector<16xi32>
      %broadcast_in_dim3A_1560 = vector.shape_cast %broadcast_in_dim3A_1559 : vector<16xi32> to vector<16x1xi32>
      %gather3A_1561 = vector.shape_cast %broadcast_in_dim3A_1560 : vector<16x1xi32> to vector<16xi32>
      %gather3A_1562 = tpu.dynamic_gather %gather3A_19[%gather3A_1561] in [0] : vector<16xf32>, vector<16xi32> -> vector<16xf32>
      %broadcast_in_dim3A_1563 = vector.shape_cast %broadcast_in_dim3A_1559 : vector<16xi32> to vector<16x1xi32>
      %gather3A_1564 = vector.shape_cast %broadcast_in_dim3A_1563 : vector<16x1xi32> to vector<16xi32>
      %gather3A_1565 = tpu.dynamic_gather %gather3A_22[%gather3A_1564] in [0] : vector<16xf32>, vector<16xi32> -> vector<16xf32>
      %add3A_1566 = arith.constant 12 : i32
      %add3A_1567 = arith.addi %mul3A_15, %add3A_1566 : i32
      %get3A_1568 = arith.index_cast %add3A_1567 : i32 to index
      %get3A_1569 = arith.constant 0 : index
      %get3A_1570 = tpu.vector_load %arg7[%get3A_1568, %get3A_1569] {strides = array<i32>} : memref<256x128xf32, #tpu.memory_space<vmem>>, vector<1x16xf32>,
      %get3A_1571 = vector.shape_cast %get3A_1570 : vector<1x16xf32> to vector<16xf32>
      %mul3A_1572 = arith.mulf %gather3A_1562, %get3A_1571 : vector<16xf32>
      %add3A_1573 = arith.addf %mul3A_1572, %gather3A_1565 : vector<16xf32>
      %add3A_1574 = arith.constant 12 : i32
      %add3A_1575 = arith.addi %mul3A_15, %add3A_1574 : i32
      %swap3A_1576 = arith.index_cast %add3A_1575 : i32 to index
      %swap3A_1577 = arith.constant 0 : index
      %swap3A_1578 = tpu.vector_load %arg7[%swap3A_1576, %swap3A_1577] {strides = array<i32>} : memref<256x128xf32, #tpu.memory_space<vmem>>, vector<1x16xf32>,
      %swap3A_1579 = vector.shape_cast %swap3A_1578 : vector<1x16xf32> to vector<16xf32>
      %swap3A_1580 = vector.shape_cast %add3A_1573 : vector<16xf32> to vector<1x16xf32>
      tpu.vector_store %arg7[%swap3A_1576, %swap3A_1577], %swap3A_1580 {strides = array<i32>} : memref<256x128xf32, #tpu.memory_space<vmem>>, vector<1x16xf32>,
      %add3A_1581 = arith.constant 12 : i32
      %add3A_1582 = arith.addi %mul3A_15, %add3A_1581 : i32
      %get3A_1583 = arith.index_cast %add3A_1582 : i32 to index
      %get3A_1584 = arith.constant 16 : index
      %get3A_1585 = tpu.vector_load %arg7[%get3A_1583, %get3A_1584] {strides = array<i32>} : memref<256x128xf32, #tpu.memory_space<vmem>>, vector<1x16xf32>,
      %get3A_1586 = vector.shape_cast %get3A_1585 : vector<1x16xf32> to vector<16xf32>
      %mul3A_1587 = arith.mulf %gather3A_1562, %get3A_1586 : vector<16xf32>
      %add3A_1588 = arith.addf %mul3A_1587, %gather3A_1565 : vector<16xf32>
      %add3A_1589 = arith.constant 12 : i32
      %add3A_1590 = arith.addi %mul3A_15, %add3A_1589 : i32
      %swap3A_1591 = arith.index_cast %add3A_1590 : i32 to index
      %swap3A_1592 = arith.constant 16 : index
      %swap3A_1593 = tpu.vector_load %arg7[%swap3A_1591, %swap3A_1592] {strides = array<i32>} : memref<256x128xf32, #tpu.memory_space<vmem>>, vector<1x16xf32>,
      %swap3A_1594 = vector.shape_cast %swap3A_1593 : vector<1x16xf32> to vector<16xf32>
      %swap3A_1595 = vector.shape_cast %add3A_1588 : vector<16xf32> to vector<1x16xf32>
      tpu.vector_store %arg7[%swap3A_1591, %swap3A_1592], %swap3A_1595 {strides = array<i32>} : memref<256x128xf32, #tpu.memory_space<vmem>>, vector<1x16xf32>,
      %add3A_1596 = arith.constant 12 : i32
      %add3A_1597 = arith.addi %mul3A_15, %add3A_1596 : i32
      %get3A_1598 = arith.index_cast %add3A_1597 : i32 to index
      %get3A_1599 = arith.constant 32 : index
      %get3A_1600 = tpu.vector_load %arg7[%get3A_1598, %get3A_1599] {strides = array<i32>} : memref<256x128xf32, #tpu.memory_space<vmem>>, vector<1x16xf32>,
      %get3A_1601 = vector.shape_cast %get3A_1600 : vector<1x16xf32> to vector<16xf32>
      %mul3A_1602 = arith.mulf %gather3A_1562, %get3A_1601 : vector<16xf32>
      %add3A_1603 = arith.addf %mul3A_1602, %gather3A_1565 : vector<16xf32>
      %add3A_1604 = arith.constant 12 : i32
      %add3A_1605 = arith.addi %mul3A_15, %add3A_1604 : i32
      %swap3A_1606 = arith.index_cast %add3A_1605 : i32 to index
      %swap3A_1607 = arith.constant 32 : index
      %swap3A_1608 = tpu.vector_load %arg7[%swap3A_1606, %swap3A_1607] {strides = array<i32>} : memref<256x128xf32, #tpu.memory_space<vmem>>, vector<1x16xf32>,
      %swap3A_1609 = vector.shape_cast %swap3A_1608 : vector<1x16xf32> to vector<16xf32>
      %swap3A_1610 = vector.shape_cast %add3A_1603 : vector<16xf32> to vector<1x16xf32>
      tpu.vector_store %arg7[%swap3A_1606, %swap3A_1607], %swap3A_1610 {strides = array<i32>} : memref<256x128xf32, #tpu.memory_space<vmem>>, vector<1x16xf32>,
      %add3A_1611 = arith.constant 12 : i32
      %add3A_1612 = arith.addi %mul3A_15, %add3A_1611 : i32
      %get3A_1613 = arith.index_cast %add3A_1612 : i32 to index
      %get3A_1614 = arith.constant 48 : index
      %get3A_1615 = tpu.vector_load %arg7[%get3A_1613, %get3A_1614] {strides = array<i32>} : memref<256x128xf32, #tpu.memory_space<vmem>>, vector<1x16xf32>,
      %get3A_1616 = vector.shape_cast %get3A_1615 : vector<1x16xf32> to vector<16xf32>
      %mul3A_1617 = arith.mulf %gather3A_1562, %get3A_1616 : vector<16xf32>
      %add3A_1618 = arith.addf %mul3A_1617, %gather3A_1565 : vector<16xf32>
      %add3A_1619 = arith.constant 12 : i32
      %add3A_1620 = arith.addi %mul3A_15, %add3A_1619 : i32
      %swap3A_1621 = arith.index_cast %add3A_1620 : i32 to index
      %swap3A_1622 = arith.constant 48 : index
      %swap3A_1623 = tpu.vector_load %arg7[%swap3A_1621, %swap3A_1622] {strides = array<i32>} : memref<256x128xf32, #tpu.memory_space<vmem>>, vector<1x16xf32>,
      %swap3A_1624 = vector.shape_cast %swap3A_1623 : vector<1x16xf32> to vector<16xf32>
      %swap3A_1625 = vector.shape_cast %add3A_1618 : vector<16xf32> to vector<1x16xf32>
      tpu.vector_store %arg7[%swap3A_1621, %swap3A_1622], %swap3A_1625 {strides = array<i32>} : memref<256x128xf32, #tpu.memory_space<vmem>>, vector<1x16xf32>,
      %add3A_1626 = arith.constant 12 : i32
      %add3A_1627 = arith.addi %mul3A_15, %add3A_1626 : i32
      %get3A_1628 = arith.index_cast %add3A_1627 : i32 to index
      %get3A_1629 = arith.constant 64 : index
      %get3A_1630 = tpu.vector_load %arg7[%get3A_1628, %get3A_1629] {strides = array<i32>} : memref<256x128xf32, #tpu.memory_space<vmem>>, vector<1x16xf32>,
      %get3A_1631 = vector.shape_cast %get3A_1630 : vector<1x16xf32> to vector<16xf32>
      %mul3A_1632 = arith.mulf %gather3A_1562, %get3A_1631 : vector<16xf32>
      %add3A_1633 = arith.addf %mul3A_1632, %gather3A_1565 : vector<16xf32>
      %add3A_1634 = arith.constant 12 : i32
      %add3A_1635 = arith.addi %mul3A_15, %add3A_1634 : i32
      %swap3A_1636 = arith.index_cast %add3A_1635 : i32 to index
      %swap3A_1637 = arith.constant 64 : index
      %swap3A_1638 = tpu.vector_load %arg7[%swap3A_1636, %swap3A_1637] {strides = array<i32>} : memref<256x128xf32, #tpu.memory_space<vmem>>, vector<1x16xf32>,
      %swap3A_1639 = vector.shape_cast %swap3A_1638 : vector<1x16xf32> to vector<16xf32>
      %swap3A_1640 = vector.shape_cast %add3A_1633 : vector<16xf32> to vector<1x16xf32>
      tpu.vector_store %arg7[%swap3A_1636, %swap3A_1637], %swap3A_1640 {strides = array<i32>} : memref<256x128xf32, #tpu.memory_space<vmem>>, vector<1x16xf32>,
      %add3A_1641 = arith.constant 12 : i32
      %add3A_1642 = arith.addi %mul3A_15, %add3A_1641 : i32
      %get3A_1643 = arith.index_cast %add3A_1642 : i32 to index
      %get3A_1644 = arith.constant 80 : index
      %get3A_1645 = tpu.vector_load %arg7[%get3A_1643, %get3A_1644] {strides = array<i32>} : memref<256x128xf32, #tpu.memory_space<vmem>>, vector<1x16xf32>,
      %get3A_1646 = vector.shape_cast %get3A_1645 : vector<1x16xf32> to vector<16xf32>
      %mul3A_1647 = arith.mulf %gather3A_1562, %get3A_1646 : vector<16xf32>
      %add3A_1648 = arith.addf %mul3A_1647, %gather3A_1565 : vector<16xf32>
      %add3A_1649 = arith.constant 12 : i32
      %add3A_1650 = arith.addi %mul3A_15, %add3A_1649 : i32
      %swap3A_1651 = arith.index_cast %add3A_1650 : i32 to index
      %swap3A_1652 = arith.constant 80 : index
      %swap3A_1653 = tpu.vector_load %arg7[%swap3A_1651, %swap3A_1652] {strides = array<i32>} : memref<256x128xf32, #tpu.memory_space<vmem>>, vector<1x16xf32>,
      %swap3A_1654 = vector.shape_cast %swap3A_1653 : vector<1x16xf32> to vector<16xf32>
      %swap3A_1655 = vector.shape_cast %add3A_1648 : vector<16xf32> to vector<1x16xf32>
      tpu.vector_store %arg7[%swap3A_1651, %swap3A_1652], %swap3A_1655 {strides = array<i32>} : memref<256x128xf32, #tpu.memory_space<vmem>>, vector<1x16xf32>,
      %add3A_1656 = arith.constant 12 : i32
      %add3A_1657 = arith.addi %mul3A_15, %add3A_1656 : i32
      %get3A_1658 = arith.index_cast %add3A_1657 : i32 to index
      %get3A_1659 = arith.constant 96 : index
      %get3A_1660 = tpu.vector_load %arg7[%get3A_1658, %get3A_1659] {strides = array<i32>} : memref<256x128xf32, #tpu.memory_space<vmem>>, vector<1x16xf32>,
      %get3A_1661 = vector.shape_cast %get3A_1660 : vector<1x16xf32> to vector<16xf32>
      %mul3A_1662 = arith.mulf %gather3A_1562, %get3A_1661 : vector<16xf32>
      %add3A_1663 = arith.addf %mul3A_1662, %gather3A_1565 : vector<16xf32>
      %add3A_1664 = arith.constant 12 : i32
      %add3A_1665 = arith.addi %mul3A_15, %add3A_1664 : i32
      %swap3A_1666 = arith.index_cast %add3A_1665 : i32 to index
      %swap3A_1667 = arith.constant 96 : index
      %swap3A_1668 = tpu.vector_load %arg7[%swap3A_1666, %swap3A_1667] {strides = array<i32>} : memref<256x128xf32, #tpu.memory_space<vmem>>, vector<1x16xf32>,
      %swap3A_1669 = vector.shape_cast %swap3A_1668 : vector<1x16xf32> to vector<16xf32>
      %swap3A_1670 = vector.shape_cast %add3A_1663 : vector<16xf32> to vector<1x16xf32>
      tpu.vector_store %arg7[%swap3A_1666, %swap3A_1667], %swap3A_1670 {strides = array<i32>} : memref<256x128xf32, #tpu.memory_space<vmem>>, vector<1x16xf32>,
      %add3A_1671 = arith.constant 12 : i32
      %add3A_1672 = arith.addi %mul3A_15, %add3A_1671 : i32
      %get3A_1673 = arith.index_cast %add3A_1672 : i32 to index
      %get3A_1674 = arith.constant 112 : index
      %get3A_1675 = tpu.vector_load %arg7[%get3A_1673, %get3A_1674] {strides = array<i32>} : memref<256x128xf32, #tpu.memory_space<vmem>>, vector<1x16xf32>,
      %get3A_1676 = vector.shape_cast %get3A_1675 : vector<1x16xf32> to vector<16xf32>
      %mul3A_1677 = arith.mulf %gather3A_1562, %get3A_1676 : vector<16xf32>
      %add3A_1678 = arith.addf %mul3A_1677, %gather3A_1565 : vector<16xf32>
      %add3A_1679 = arith.constant 12 : i32
      %add3A_1680 = arith.addi %mul3A_15, %add3A_1679 : i32
      %swap3A_1681 = arith.index_cast %add3A_1680 : i32 to index
      %swap3A_1682 = arith.constant 112 : index
      %swap3A_1683 = tpu.vector_load %arg7[%swap3A_1681, %swap3A_1682] {strides = array<i32>} : memref<256x128xf32, #tpu.memory_space<vmem>>, vector<1x16xf32>,
      %swap3A_1684 = vector.shape_cast %swap3A_1683 : vector<1x16xf32> to vector<16xf32>
      %swap3A_1685 = vector.shape_cast %add3A_1678 : vector<16xf32> to vector<1x16xf32>
      tpu.vector_store %arg7[%swap3A_1681, %swap3A_1682], %swap3A_1685 {strides = array<i32>} : memref<256x128xf32, #tpu.memory_space<vmem>>, vector<1x16xf32>,
      %broadcast_in_dim3A_1686 = arith.constant 13 : i32
      %broadcast_in_dim3A_1687 = vector.broadcast %broadcast_in_dim3A_1686 : i32 to vector<16xi32>
      %broadcast_in_dim3A_1688 = vector.shape_cast %broadcast_in_dim3A_1687 : vector<16xi32> to vector<16x1xi32>
      %gather3A_1689 = vector.shape_cast %broadcast_in_dim3A_1688 : vector<16x1xi32> to vector<16xi32>
      %gather3A_1690 = tpu.dynamic_gather %gather3A_19[%gather3A_1689] in [0] : vector<16xf32>, vector<16xi32> -> vector<16xf32>
      %broadcast_in_dim3A_1691 = vector.shape_cast %broadcast_in_dim3A_1687 : vector<16xi32> to vector<16x1xi32>
      %gather3A_1692 = vector.shape_cast %broadcast_in_dim3A_1691 : vector<16x1xi32> to vector<16xi32>
      %gather3A_1693 = tpu.dynamic_gather %gather3A_22[%gather3A_1692] in [0] : vector<16xf32>, vector<16xi32> -> vector<16xf32>
      %add3A_1694 = arith.constant 13 : i32
      %add3A_1695 = arith.addi %mul3A_15, %add3A_1694 : i32
      %get3A_1696 = arith.index_cast %add3A_1695 : i32 to index
      %get3A_1697 = arith.constant 0 : index
      %get3A_1698 = tpu.vector_load %arg7[%get3A_1696, %get3A_1697] {strides = array<i32>} : memref<256x128xf32, #tpu.memory_space<vmem>>, vector<1x16xf32>,
      %get3A_1699 = vector.shape_cast %get3A_1698 : vector<1x16xf32> to vector<16xf32>
      %mul3A_1700 = arith.mulf %gather3A_1690, %get3A_1699 : vector<16xf32>
      %add3A_1701 = arith.addf %mul3A_1700, %gather3A_1693 : vector<16xf32>
      %add3A_1702 = arith.constant 13 : i32
      %add3A_1703 = arith.addi %mul3A_15, %add3A_1702 : i32
      %swap3A_1704 = arith.index_cast %add3A_1703 : i32 to index
      %swap3A_1705 = arith.constant 0 : index
      %swap3A_1706 = tpu.vector_load %arg7[%swap3A_1704, %swap3A_1705] {strides = array<i32>} : memref<256x128xf32, #tpu.memory_space<vmem>>, vector<1x16xf32>,
      %swap3A_1707 = vector.shape_cast %swap3A_1706 : vector<1x16xf32> to vector<16xf32>
      %swap3A_1708 = vector.shape_cast %add3A_1701 : vector<16xf32> to vector<1x16xf32>
      tpu.vector_store %arg7[%swap3A_1704, %swap3A_1705], %swap3A_1708 {strides = array<i32>} : memref<256x128xf32, #tpu.memory_space<vmem>>, vector<1x16xf32>,
      %add3A_1709 = arith.constant 13 : i32
      %add3A_1710 = arith.addi %mul3A_15, %add3A_1709 : i32
      %get3A_1711 = arith.index_cast %add3A_1710 : i32 to index
      %get3A_1712 = arith.constant 16 : index
      %get3A_1713 = tpu.vector_load %arg7[%get3A_1711, %get3A_1712] {strides = array<i32>} : memref<256x128xf32, #tpu.memory_space<vmem>>, vector<1x16xf32>,
      %get3A_1714 = vector.shape_cast %get3A_1713 : vector<1x16xf32> to vector<16xf32>
      %mul3A_1715 = arith.mulf %gather3A_1690, %get3A_1714 : vector<16xf32>
      %add3A_1716 = arith.addf %mul3A_1715, %gather3A_1693 : vector<16xf32>
      %add3A_1717 = arith.constant 13 : i32
      %add3A_1718 = arith.addi %mul3A_15, %add3A_1717 : i32
      %swap3A_1719 = arith.index_cast %add3A_1718 : i32 to index
      %swap3A_1720 = arith.constant 16 : index
      %swap3A_1721 = tpu.vector_load %arg7[%swap3A_1719, %swap3A_1720] {strides = array<i32>} : memref<256x128xf32, #tpu.memory_space<vmem>>, vector<1x16xf32>,
      %swap3A_1722 = vector.shape_cast %swap3A_1721 : vector<1x16xf32> to vector<16xf32>
      %swap3A_1723 = vector.shape_cast %add3A_1716 : vector<16xf32> to vector<1x16xf32>
      tpu.vector_store %arg7[%swap3A_1719, %swap3A_1720], %swap3A_1723 {strides = array<i32>} : memref<256x128xf32, #tpu.memory_space<vmem>>, vector<1x16xf32>,
      %add3A_1724 = arith.constant 13 : i32
      %add3A_1725 = arith.addi %mul3A_15, %add3A_1724 : i32
      %get3A_1726 = arith.index_cast %add3A_1725 : i32 to index
      %get3A_1727 = arith.constant 32 : index
      %get3A_1728 = tpu.vector_load %arg7[%get3A_1726, %get3A_1727] {strides = array<i32>} : memref<256x128xf32, #tpu.memory_space<vmem>>, vector<1x16xf32>,
      %get3A_1729 = vector.shape_cast %get3A_1728 : vector<1x16xf32> to vector<16xf32>
      %mul3A_1730 = arith.mulf %gather3A_1690, %get3A_1729 : vector<16xf32>
      %add3A_1731 = arith.addf %mul3A_1730, %gather3A_1693 : vector<16xf32>
      %add3A_1732 = arith.constant 13 : i32
      %add3A_1733 = arith.addi %mul3A_15, %add3A_1732 : i32
      %swap3A_1734 = arith.index_cast %add3A_1733 : i32 to index
      %swap3A_1735 = arith.constant 32 : index
      %swap3A_1736 = tpu.vector_load %arg7[%swap3A_1734, %swap3A_1735] {strides = array<i32>} : memref<256x128xf32, #tpu.memory_space<vmem>>, vector<1x16xf32>,
      %swap3A_1737 = vector.shape_cast %swap3A_1736 : vector<1x16xf32> to vector<16xf32>
      %swap3A_1738 = vector.shape_cast %add3A_1731 : vector<16xf32> to vector<1x16xf32>
      tpu.vector_store %arg7[%swap3A_1734, %swap3A_1735], %swap3A_1738 {strides = array<i32>} : memref<256x128xf32, #tpu.memory_space<vmem>>, vector<1x16xf32>,
      %add3A_1739 = arith.constant 13 : i32
      %add3A_1740 = arith.addi %mul3A_15, %add3A_1739 : i32
      %get3A_1741 = arith.index_cast %add3A_1740 : i32 to index
      %get3A_1742 = arith.constant 48 : index
      %get3A_1743 = tpu.vector_load %arg7[%get3A_1741, %get3A_1742] {strides = array<i32>} : memref<256x128xf32, #tpu.memory_space<vmem>>, vector<1x16xf32>,
      %get3A_1744 = vector.shape_cast %get3A_1743 : vector<1x16xf32> to vector<16xf32>
      %mul3A_1745 = arith.mulf %gather3A_1690, %get3A_1744 : vector<16xf32>
      %add3A_1746 = arith.addf %mul3A_1745, %gather3A_1693 : vector<16xf32>
      %add3A_1747 = arith.constant 13 : i32
      %add3A_1748 = arith.addi %mul3A_15, %add3A_1747 : i32
      %swap3A_1749 = arith.index_cast %add3A_1748 : i32 to index
      %swap3A_1750 = arith.constant 48 : index
      %swap3A_1751 = tpu.vector_load %arg7[%swap3A_1749, %swap3A_1750] {strides = array<i32>} : memref<256x128xf32, #tpu.memory_space<vmem>>, vector<1x16xf32>,
      %swap3A_1752 = vector.shape_cast %swap3A_1751 : vector<1x16xf32> to vector<16xf32>
      %swap3A_1753 = vector.shape_cast %add3A_1746 : vector<16xf32> to vector<1x16xf32>
      tpu.vector_store %arg7[%swap3A_1749, %swap3A_1750], %swap3A_1753 {strides = array<i32>} : memref<256x128xf32, #tpu.memory_space<vmem>>, vector<1x16xf32>,
      %add3A_1754 = arith.constant 13 : i32
      %add3A_1755 = arith.addi %mul3A_15, %add3A_1754 : i32
      %get3A_1756 = arith.index_cast %add3A_1755 : i32 to index
      %get3A_1757 = arith.constant 64 : index
      %get3A_1758 = tpu.vector_load %arg7[%get3A_1756, %get3A_1757] {strides = array<i32>} : memref<256x128xf32, #tpu.memory_space<vmem>>, vector<1x16xf32>,
      %get3A_1759 = vector.shape_cast %get3A_1758 : vector<1x16xf32> to vector<16xf32>
      %mul3A_1760 = arith.mulf %gather3A_1690, %get3A_1759 : vector<16xf32>
      %add3A_1761 = arith.addf %mul3A_1760, %gather3A_1693 : vector<16xf32>
      %add3A_1762 = arith.constant 13 : i32
      %add3A_1763 = arith.addi %mul3A_15, %add3A_1762 : i32
      %swap3A_1764 = arith.index_cast %add3A_1763 : i32 to index
      %swap3A_1765 = arith.constant 64 : index
      %swap3A_1766 = tpu.vector_load %arg7[%swap3A_1764, %swap3A_1765] {strides = array<i32>} : memref<256x128xf32, #tpu.memory_space<vmem>>, vector<1x16xf32>,
      %swap3A_1767 = vector.shape_cast %swap3A_1766 : vector<1x16xf32> to vector<16xf32>
      %swap3A_1768 = vector.shape_cast %add3A_1761 : vector<16xf32> to vector<1x16xf32>
      tpu.vector_store %arg7[%swap3A_1764, %swap3A_1765], %swap3A_1768 {strides = array<i32>} : memref<256x128xf32, #tpu.memory_space<vmem>>, vector<1x16xf32>,
      %add3A_1769 = arith.constant 13 : i32
      %add3A_1770 = arith.addi %mul3A_15, %add3A_1769 : i32
      %get3A_1771 = arith.index_cast %add3A_1770 : i32 to index
      %get3A_1772 = arith.constant 80 : index
      %get3A_1773 = tpu.vector_load %arg7[%get3A_1771, %get3A_1772] {strides = array<i32>} : memref<256x128xf32, #tpu.memory_space<vmem>>, vector<1x16xf32>,
      %get3A_1774 = vector.shape_cast %get3A_1773 : vector<1x16xf32> to vector<16xf32>
      %mul3A_1775 = arith.mulf %gather3A_1690, %get3A_1774 : vector<16xf32>
      %add3A_1776 = arith.addf %mul3A_1775, %gather3A_1693 : vector<16xf32>
      %add3A_1777 = arith.constant 13 : i32
      %add3A_1778 = arith.addi %mul3A_15, %add3A_1777 : i32
      %swap3A_1779 = arith.index_cast %add3A_1778 : i32 to index
      %swap3A_1780 = arith.constant 80 : index
      %swap3A_1781 = tpu.vector_load %arg7[%swap3A_1779, %swap3A_1780] {strides = array<i32>} : memref<256x128xf32, #tpu.memory_space<vmem>>, vector<1x16xf32>,
      %swap3A_1782 = vector.shape_cast %swap3A_1781 : vector<1x16xf32> to vector<16xf32>
      %swap3A_1783 = vector.shape_cast %add3A_1776 : vector<16xf32> to vector<1x16xf32>
      tpu.vector_store %arg7[%swap3A_1779, %swap3A_1780], %swap3A_1783 {strides = array<i32>} : memref<256x128xf32, #tpu.memory_space<vmem>>, vector<1x16xf32>,
      %add3A_1784 = arith.constant 13 : i32
      %add3A_1785 = arith.addi %mul3A_15, %add3A_1784 : i32
      %get3A_1786 = arith.index_cast %add3A_1785 : i32 to index
      %get3A_1787 = arith.constant 96 : index
      %get3A_1788 = tpu.vector_load %arg7[%get3A_1786, %get3A_1787] {strides = array<i32>} : memref<256x128xf32, #tpu.memory_space<vmem>>, vector<1x16xf32>,
      %get3A_1789 = vector.shape_cast %get3A_1788 : vector<1x16xf32> to vector<16xf32>
      %mul3A_1790 = arith.mulf %gather3A_1690, %get3A_1789 : vector<16xf32>
      %add3A_1791 = arith.addf %mul3A_1790, %gather3A_1693 : vector<16xf32>
      %add3A_1792 = arith.constant 13 : i32
      %add3A_1793 = arith.addi %mul3A_15, %add3A_1792 : i32
      %swap3A_1794 = arith.index_cast %add3A_1793 : i32 to index
      %swap3A_1795 = arith.constant 96 : index
      %swap3A_1796 = tpu.vector_load %arg7[%swap3A_1794, %swap3A_1795] {strides = array<i32>} : memref<256x128xf32, #tpu.memory_space<vmem>>, vector<1x16xf32>,
      %swap3A_1797 = vector.shape_cast %swap3A_1796 : vector<1x16xf32> to vector<16xf32>
      %swap3A_1798 = vector.shape_cast %add3A_1791 : vector<16xf32> to vector<1x16xf32>
      tpu.vector_store %arg7[%swap3A_1794, %swap3A_1795], %swap3A_1798 {strides = array<i32>} : memref<256x128xf32, #tpu.memory_space<vmem>>, vector<1x16xf32>,
      %add3A_1799 = arith.constant 13 : i32
      %add3A_1800 = arith.addi %mul3A_15, %add3A_1799 : i32
      %get3A_1801 = arith.index_cast %add3A_1800 : i32 to index
      %get3A_1802 = arith.constant 112 : index
      %get3A_1803 = tpu.vector_load %arg7[%get3A_1801, %get3A_1802] {strides = array<i32>} : memref<256x128xf32, #tpu.memory_space<vmem>>, vector<1x16xf32>,
      %get3A_1804 = vector.shape_cast %get3A_1803 : vector<1x16xf32> to vector<16xf32>
      %mul3A_1805 = arith.mulf %gather3A_1690, %get3A_1804 : vector<16xf32>
      %add3A_1806 = arith.addf %mul3A_1805, %gather3A_1693 : vector<16xf32>
      %add3A_1807 = arith.constant 13 : i32
      %add3A_1808 = arith.addi %mul3A_15, %add3A_1807 : i32
      %swap3A_1809 = arith.index_cast %add3A_1808 : i32 to index
      %swap3A_1810 = arith.constant 112 : index
      %swap3A_1811 = tpu.vector_load %arg7[%swap3A_1809, %swap3A_1810] {strides = array<i32>} : memref<256x128xf32, #tpu.memory_space<vmem>>, vector<1x16xf32>,
      %swap3A_1812 = vector.shape_cast %swap3A_1811 : vector<1x16xf32> to vector<16xf32>
      %swap3A_1813 = vector.shape_cast %add3A_1806 : vector<16xf32> to vector<1x16xf32>
      tpu.vector_store %arg7[%swap3A_1809, %swap3A_1810], %swap3A_1813 {strides = array<i32>} : memref<256x128xf32, #tpu.memory_space<vmem>>, vector<1x16xf32>,
      %broadcast_in_dim3A_1814 = arith.constant 14 : i32
      %broadcast_in_dim3A_1815 = vector.broadcast %broadcast_in_dim3A_1814 : i32 to vector<16xi32>
      %broadcast_in_dim3A_1816 = vector.shape_cast %broadcast_in_dim3A_1815 : vector<16xi32> to vector<16x1xi32>
      %gather3A_1817 = vector.shape_cast %broadcast_in_dim3A_1816 : vector<16x1xi32> to vector<16xi32>
      %gather3A_1818 = tpu.dynamic_gather %gather3A_19[%gather3A_1817] in [0] : vector<16xf32>, vector<16xi32> -> vector<16xf32>
      %broadcast_in_dim3A_1819 = vector.shape_cast %broadcast_in_dim3A_1815 : vector<16xi32> to vector<16x1xi32>
      %gather3A_1820 = vector.shape_cast %broadcast_in_dim3A_1819 : vector<16x1xi32> to vector<16xi32>
      %gather3A_1821 = tpu.dynamic_gather %gather3A_22[%gather3A_1820] in [0] : vector<16xf32>, vector<16xi32> -> vector<16xf32>
      %add3A_1822 = arith.constant 14 : i32
      %add3A_1823 = arith.addi %mul3A_15, %add3A_1822 : i32
      %get3A_1824 = arith.index_cast %add3A_1823 : i32 to index
      %get3A_1825 = arith.constant 0 : index
      %get3A_1826 = tpu.vector_load %arg7[%get3A_1824, %get3A_1825] {strides = array<i32>} : memref<256x128xf32, #tpu.memory_space<vmem>>, vector<1x16xf32>,
      %get3A_1827 = vector.shape_cast %get3A_1826 : vector<1x16xf32> to vector<16xf32>
      %mul3A_1828 = arith.mulf %gather3A_1818, %get3A_1827 : vector<16xf32>
      %add3A_1829 = arith.addf %mul3A_1828, %gather3A_1821 : vector<16xf32>
      %add3A_1830 = arith.constant 14 : i32
      %add3A_1831 = arith.addi %mul3A_15, %add3A_1830 : i32
      %swap3A_1832 = arith.index_cast %add3A_1831 : i32 to index
      %swap3A_1833 = arith.constant 0 : index
      %swap3A_1834 = tpu.vector_load %arg7[%swap3A_1832, %swap3A_1833] {strides = array<i32>} : memref<256x128xf32, #tpu.memory_space<vmem>>, vector<1x16xf32>,
      %swap3A_1835 = vector.shape_cast %swap3A_1834 : vector<1x16xf32> to vector<16xf32>
      %swap3A_1836 = vector.shape_cast %add3A_1829 : vector<16xf32> to vector<1x16xf32>
      tpu.vector_store %arg7[%swap3A_1832, %swap3A_1833], %swap3A_1836 {strides = array<i32>} : memref<256x128xf32, #tpu.memory_space<vmem>>, vector<1x16xf32>,
      %add3A_1837 = arith.constant 14 : i32
      %add3A_1838 = arith.addi %mul3A_15, %add3A_1837 : i32
      %get3A_1839 = arith.index_cast %add3A_1838 : i32 to index
      %get3A_1840 = arith.constant 16 : index
      %get3A_1841 = tpu.vector_load %arg7[%get3A_1839, %get3A_1840] {strides = array<i32>} : memref<256x128xf32, #tpu.memory_space<vmem>>, vector<1x16xf32>,
      %get3A_1842 = vector.shape_cast %get3A_1841 : vector<1x16xf32> to vector<16xf32>
      %mul3A_1843 = arith.mulf %gather3A_1818, %get3A_1842 : vector<16xf32>
      %add3A_1844 = arith.addf %mul3A_1843, %gather3A_1821 : vector<16xf32>
      %add3A_1845 = arith.constant 14 : i32
      %add3A_1846 = arith.addi %mul3A_15, %add3A_1845 : i32
      %swap3A_1847 = arith.index_cast %add3A_1846 : i32 to index
      %swap3A_1848 = arith.constant 16 : index
      %swap3A_1849 = tpu.vector_load %arg7[%swap3A_1847, %swap3A_1848] {strides = array<i32>} : memref<256x128xf32, #tpu.memory_space<vmem>>, vector<1x16xf32>,
      %swap3A_1850 = vector.shape_cast %swap3A_1849 : vector<1x16xf32> to vector<16xf32>
      %swap3A_1851 = vector.shape_cast %add3A_1844 : vector<16xf32> to vector<1x16xf32>
      tpu.vector_store %arg7[%swap3A_1847, %swap3A_1848], %swap3A_1851 {strides = array<i32>} : memref<256x128xf32, #tpu.memory_space<vmem>>, vector<1x16xf32>,
      %add3A_1852 = arith.constant 14 : i32
      %add3A_1853 = arith.addi %mul3A_15, %add3A_1852 : i32
      %get3A_1854 = arith.index_cast %add3A_1853 : i32 to index
      %get3A_1855 = arith.constant 32 : index
      %get3A_1856 = tpu.vector_load %arg7[%get3A_1854, %get3A_1855] {strides = array<i32>} : memref<256x128xf32, #tpu.memory_space<vmem>>, vector<1x16xf32>,
      %get3A_1857 = vector.shape_cast %get3A_1856 : vector<1x16xf32> to vector<16xf32>
      %mul3A_1858 = arith.mulf %gather3A_1818, %get3A_1857 : vector<16xf32>
      %add3A_1859 = arith.addf %mul3A_1858, %gather3A_1821 : vector<16xf32>
      %add3A_1860 = arith.constant 14 : i32
      %add3A_1861 = arith.addi %mul3A_15, %add3A_1860 : i32
      %swap3A_1862 = arith.index_cast %add3A_1861 : i32 to index
      %swap3A_1863 = arith.constant 32 : index
      %swap3A_1864 = tpu.vector_load %arg7[%swap3A_1862, %swap3A_1863] {strides = array<i32>} : memref<256x128xf32, #tpu.memory_space<vmem>>, vector<1x16xf32>,
      %swap3A_1865 = vector.shape_cast %swap3A_1864 : vector<1x16xf32> to vector<16xf32>
      %swap3A_1866 = vector.shape_cast %add3A_1859 : vector<16xf32> to vector<1x16xf32>
      tpu.vector_store %arg7[%swap3A_1862, %swap3A_1863], %swap3A_1866 {strides = array<i32>} : memref<256x128xf32, #tpu.memory_space<vmem>>, vector<1x16xf32>,
      %add3A_1867 = arith.constant 14 : i32
      %add3A_1868 = arith.addi %mul3A_15, %add3A_1867 : i32
      %get3A_1869 = arith.index_cast %add3A_1868 : i32 to index
      %get3A_1870 = arith.constant 48 : index
      %get3A_1871 = tpu.vector_load %arg7[%get3A_1869, %get3A_1870] {strides = array<i32>} : memref<256x128xf32, #tpu.memory_space<vmem>>, vector<1x16xf32>,
      %get3A_1872 = vector.shape_cast %get3A_1871 : vector<1x16xf32> to vector<16xf32>
      %mul3A_1873 = arith.mulf %gather3A_1818, %get3A_1872 : vector<16xf32>
      %add3A_1874 = arith.addf %mul3A_1873, %gather3A_1821 : vector<16xf32>
      %add3A_1875 = arith.constant 14 : i32
      %add3A_1876 = arith.addi %mul3A_15, %add3A_1875 : i32
      %swap3A_1877 = arith.index_cast %add3A_1876 : i32 to index
      %swap3A_1878 = arith.constant 48 : index
      %swap3A_1879 = tpu.vector_load %arg7[%swap3A_1877, %swap3A_1878] {strides = array<i32>} : memref<256x128xf32, #tpu.memory_space<vmem>>, vector<1x16xf32>,
      %swap3A_1880 = vector.shape_cast %swap3A_1879 : vector<1x16xf32> to vector<16xf32>
      %swap3A_1881 = vector.shape_cast %add3A_1874 : vector<16xf32> to vector<1x16xf32>
      tpu.vector_store %arg7[%swap3A_1877, %swap3A_1878], %swap3A_1881 {strides = array<i32>} : memref<256x128xf32, #tpu.memory_space<vmem>>, vector<1x16xf32>,
      %add3A_1882 = arith.constant 14 : i32
      %add3A_1883 = arith.addi %mul3A_15, %add3A_1882 : i32
      %get3A_1884 = arith.index_cast %add3A_1883 : i32 to index
      %get3A_1885 = arith.constant 64 : index
      %get3A_1886 = tpu.vector_load %arg7[%get3A_1884, %get3A_1885] {strides = array<i32>} : memref<256x128xf32, #tpu.memory_space<vmem>>, vector<1x16xf32>,
      %get3A_1887 = vector.shape_cast %get3A_1886 : vector<1x16xf32> to vector<16xf32>
      %mul3A_1888 = arith.mulf %gather3A_1818, %get3A_1887 : vector<16xf32>
      %add3A_1889 = arith.addf %mul3A_1888, %gather3A_1821 : vector<16xf32>
      %add3A_1890 = arith.constant 14 : i32
      %add3A_1891 = arith.addi %mul3A_15, %add3A_1890 : i32
      %swap3A_1892 = arith.index_cast %add3A_1891 : i32 to index
      %swap3A_1893 = arith.constant 64 : index
      %swap3A_1894 = tpu.vector_load %arg7[%swap3A_1892, %swap3A_1893] {strides = array<i32>} : memref<256x128xf32, #tpu.memory_space<vmem>>, vector<1x16xf32>,
      %swap3A_1895 = vector.shape_cast %swap3A_1894 : vector<1x16xf32> to vector<16xf32>
      %swap3A_1896 = vector.shape_cast %add3A_1889 : vector<16xf32> to vector<1x16xf32>
      tpu.vector_store %arg7[%swap3A_1892, %swap3A_1893], %swap3A_1896 {strides = array<i32>} : memref<256x128xf32, #tpu.memory_space<vmem>>, vector<1x16xf32>,
      %add3A_1897 = arith.constant 14 : i32
      %add3A_1898 = arith.addi %mul3A_15, %add3A_1897 : i32
      %get3A_1899 = arith.index_cast %add3A_1898 : i32 to index
      %get3A_1900 = arith.constant 80 : index
      %get3A_1901 = tpu.vector_load %arg7[%get3A_1899, %get3A_1900] {strides = array<i32>} : memref<256x128xf32, #tpu.memory_space<vmem>>, vector<1x16xf32>,
      %get3A_1902 = vector.shape_cast %get3A_1901 : vector<1x16xf32> to vector<16xf32>
      %mul3A_1903 = arith.mulf %gather3A_1818, %get3A_1902 : vector<16xf32>
      %add3A_1904 = arith.addf %mul3A_1903, %gather3A_1821 : vector<16xf32>
      %add3A_1905 = arith.constant 14 : i32
      %add3A_1906 = arith.addi %mul3A_15, %add3A_1905 : i32
      %swap3A_1907 = arith.index_cast %add3A_1906 : i32 to index
      %swap3A_1908 = arith.constant 80 : index
      %swap3A_1909 = tpu.vector_load %arg7[%swap3A_1907, %swap3A_1908] {strides = array<i32>} : memref<256x128xf32, #tpu.memory_space<vmem>>, vector<1x16xf32>,
      %swap3A_1910 = vector.shape_cast %swap3A_1909 : vector<1x16xf32> to vector<16xf32>
      %swap3A_1911 = vector.shape_cast %add3A_1904 : vector<16xf32> to vector<1x16xf32>
      tpu.vector_store %arg7[%swap3A_1907, %swap3A_1908], %swap3A_1911 {strides = array<i32>} : memref<256x128xf32, #tpu.memory_space<vmem>>, vector<1x16xf32>,
      %add3A_1912 = arith.constant 14 : i32
      %add3A_1913 = arith.addi %mul3A_15, %add3A_1912 : i32
      %get3A_1914 = arith.index_cast %add3A_1913 : i32 to index
      %get3A_1915 = arith.constant 96 : index
      %get3A_1916 = tpu.vector_load %arg7[%get3A_1914, %get3A_1915] {strides = array<i32>} : memref<256x128xf32, #tpu.memory_space<vmem>>, vector<1x16xf32>,
      %get3A_1917 = vector.shape_cast %get3A_1916 : vector<1x16xf32> to vector<16xf32>
      %mul3A_1918 = arith.mulf %gather3A_1818, %get3A_1917 : vector<16xf32>
      %add3A_1919 = arith.addf %mul3A_1918, %gather3A_1821 : vector<16xf32>
      %add3A_1920 = arith.constant 14 : i32
      %add3A_1921 = arith.addi %mul3A_15, %add3A_1920 : i32
      %swap3A_1922 = arith.index_cast %add3A_1921 : i32 to index
      %swap3A_1923 = arith.constant 96 : index
      %swap3A_1924 = tpu.vector_load %arg7[%swap3A_1922, %swap3A_1923] {strides = array<i32>} : memref<256x128xf32, #tpu.memory_space<vmem>>, vector<1x16xf32>,
      %swap3A_1925 = vector.shape_cast %swap3A_1924 : vector<1x16xf32> to vector<16xf32>
      %swap3A_1926 = vector.shape_cast %add3A_1919 : vector<16xf32> to vector<1x16xf32>
      tpu.vector_store %arg7[%swap3A_1922, %swap3A_1923], %swap3A_1926 {strides = array<i32>} : memref<256x128xf32, #tpu.memory_space<vmem>>, vector<1x16xf32>,
      %add3A_1927 = arith.constant 14 : i32
      %add3A_1928 = arith.addi %mul3A_15, %add3A_1927 : i32
      %get3A_1929 = arith.index_cast %add3A_1928 : i32 to index
      %get3A_1930 = arith.constant 112 : index
      %get3A_1931 = tpu.vector_load %arg7[%get3A_1929, %get3A_1930] {strides = array<i32>} : memref<256x128xf32, #tpu.memory_space<vmem>>, vector<1x16xf32>,
      %get3A_1932 = vector.shape_cast %get3A_1931 : vector<1x16xf32> to vector<16xf32>
      %mul3A_1933 = arith.mulf %gather3A_1818, %get3A_1932 : vector<16xf32>
      %add3A_1934 = arith.addf %mul3A_1933, %gather3A_1821 : vector<16xf32>
      %add3A_1935 = arith.constant 14 : i32
      %add3A_1936 = arith.addi %mul3A_15, %add3A_1935 : i32
      %swap3A_1937 = arith.index_cast %add3A_1936 : i32 to index
      %swap3A_1938 = arith.constant 112 : index
      %swap3A_1939 = tpu.vector_load %arg7[%swap3A_1937, %swap3A_1938] {strides = array<i32>} : memref<256x128xf32, #tpu.memory_space<vmem>>, vector<1x16xf32>,
      %swap3A_1940 = vector.shape_cast %swap3A_1939 : vector<1x16xf32> to vector<16xf32>
      %swap3A_1941 = vector.shape_cast %add3A_1934 : vector<16xf32> to vector<1x16xf32>
      tpu.vector_store %arg7[%swap3A_1937, %swap3A_1938], %swap3A_1941 {strides = array<i32>} : memref<256x128xf32, #tpu.memory_space<vmem>>, vector<1x16xf32>,
      %broadcast_in_dim3A_1942 = arith.constant 15 : i32
      %broadcast_in_dim3A_1943 = vector.broadcast %broadcast_in_dim3A_1942 : i32 to vector<16xi32>
      %broadcast_in_dim3A_1944 = vector.shape_cast %broadcast_in_dim3A_1943 : vector<16xi32> to vector<16x1xi32>
      %gather3A_1945 = vector.shape_cast %broadcast_in_dim3A_1944 : vector<16x1xi32> to vector<16xi32>
      %gather3A_1946 = tpu.dynamic_gather %gather3A_19[%gather3A_1945] in [0] : vector<16xf32>, vector<16xi32> -> vector<16xf32>
      %broadcast_in_dim3A_1947 = vector.shape_cast %broadcast_in_dim3A_1943 : vector<16xi32> to vector<16x1xi32>
      %gather3A_1948 = vector.shape_cast %broadcast_in_dim3A_1947 : vector<16x1xi32> to vector<16xi32>
      %gather3A_1949 = tpu.dynamic_gather %gather3A_22[%gather3A_1948] in [0] : vector<16xf32>, vector<16xi32> -> vector<16xf32>
      %add3A_1950 = arith.constant 15 : i32
      %add3A_1951 = arith.addi %mul3A_15, %add3A_1950 : i32
      %get3A_1952 = arith.index_cast %add3A_1951 : i32 to index
      %get3A_1953 = arith.constant 0 : index
      %get3A_1954 = tpu.vector_load %arg7[%get3A_1952, %get3A_1953] {strides = array<i32>} : memref<256x128xf32, #tpu.memory_space<vmem>>, vector<1x16xf32>,
      %get3A_1955 = vector.shape_cast %get3A_1954 : vector<1x16xf32> to vector<16xf32>
      %mul3A_1956 = arith.mulf %gather3A_1946, %get3A_1955 : vector<16xf32>
      %add3A_1957 = arith.addf %mul3A_1956, %gather3A_1949 : vector<16xf32>
      %add3A_1958 = arith.constant 15 : i32
      %add3A_1959 = arith.addi %mul3A_15, %add3A_1958 : i32
      %swap3A_1960 = arith.index_cast %add3A_1959 : i32 to index
      %swap3A_1961 = arith.constant 0 : index
      %swap3A_1962 = tpu.vector_load %arg7[%swap3A_1960, %swap3A_1961] {strides = array<i32>} : memref<256x128xf32, #tpu.memory_space<vmem>>, vector<1x16xf32>,
      %swap3A_1963 = vector.shape_cast %swap3A_1962 : vector<1x16xf32> to vector<16xf32>
      %swap3A_1964 = vector.shape_cast %add3A_1957 : vector<16xf32> to vector<1x16xf32>
      tpu.vector_store %arg7[%swap3A_1960, %swap3A_1961], %swap3A_1964 {strides = array<i32>} : memref<256x128xf32, #tpu.memory_space<vmem>>, vector<1x16xf32>,
      %add3A_1965 = arith.constant 15 : i32
      %add3A_1966 = arith.addi %mul3A_15, %add3A_1965 : i32
      %get3A_1967 = arith.index_cast %add3A_1966 : i32 to index
      %get3A_1968 = arith.constant 16 : index
      %get3A_1969 = tpu.vector_load %arg7[%get3A_1967, %get3A_1968] {strides = array<i32>} : memref<256x128xf32, #tpu.memory_space<vmem>>, vector<1x16xf32>,
      %get3A_1970 = vector.shape_cast %get3A_1969 : vector<1x16xf32> to vector<16xf32>
      %mul3A_1971 = arith.mulf %gather3A_1946, %get3A_1970 : vector<16xf32>
      %add3A_1972 = arith.addf %mul3A_1971, %gather3A_1949 : vector<16xf32>
      %add3A_1973 = arith.constant 15 : i32
      %add3A_1974 = arith.addi %mul3A_15, %add3A_1973 : i32
      %swap3A_1975 = arith.index_cast %add3A_1974 : i32 to index
      %swap3A_1976 = arith.constant 16 : index
      %swap3A_1977 = tpu.vector_load %arg7[%swap3A_1975, %swap3A_1976] {strides = array<i32>} : memref<256x128xf32, #tpu.memory_space<vmem>>, vector<1x16xf32>,
      %swap3A_1978 = vector.shape_cast %swap3A_1977 : vector<1x16xf32> to vector<16xf32>
      %swap3A_1979 = vector.shape_cast %add3A_1972 : vector<16xf32> to vector<1x16xf32>
      tpu.vector_store %arg7[%swap3A_1975, %swap3A_1976], %swap3A_1979 {strides = array<i32>} : memref<256x128xf32, #tpu.memory_space<vmem>>, vector<1x16xf32>,
      %add3A_1980 = arith.constant 15 : i32
      %add3A_1981 = arith.addi %mul3A_15, %add3A_1980 : i32
      %get3A_1982 = arith.index_cast %add3A_1981 : i32 to index
      %get3A_1983 = arith.constant 32 : index
      %get3A_1984 = tpu.vector_load %arg7[%get3A_1982, %get3A_1983] {strides = array<i32>} : memref<256x128xf32, #tpu.memory_space<vmem>>, vector<1x16xf32>,
      %get3A_1985 = vector.shape_cast %get3A_1984 : vector<1x16xf32> to vector<16xf32>
      %mul3A_1986 = arith.mulf %gather3A_1946, %get3A_1985 : vector<16xf32>
      %add3A_1987 = arith.addf %mul3A_1986, %gather3A_1949 : vector<16xf32>
      %add3A_1988 = arith.constant 15 : i32
      %add3A_1989 = arith.addi %mul3A_15, %add3A_1988 : i32
      %swap3A_1990 = arith.index_cast %add3A_1989 : i32 to index
      %swap3A_1991 = arith.constant 32 : index
      %swap3A_1992 = tpu.vector_load %arg7[%swap3A_1990, %swap3A_1991] {strides = array<i32>} : memref<256x128xf32, #tpu.memory_space<vmem>>, vector<1x16xf32>,
      %swap3A_1993 = vector.shape_cast %swap3A_1992 : vector<1x16xf32> to vector<16xf32>
      %swap3A_1994 = vector.shape_cast %add3A_1987 : vector<16xf32> to vector<1x16xf32>
      tpu.vector_store %arg7[%swap3A_1990, %swap3A_1991], %swap3A_1994 {strides = array<i32>} : memref<256x128xf32, #tpu.memory_space<vmem>>, vector<1x16xf32>,
      %add3A_1995 = arith.constant 15 : i32
      %add3A_1996 = arith.addi %mul3A_15, %add3A_1995 : i32
      %get3A_1997 = arith.index_cast %add3A_1996 : i32 to index
      %get3A_1998 = arith.constant 48 : index
      %get3A_1999 = tpu.vector_load %arg7[%get3A_1997, %get3A_1998] {strides = array<i32>} : memref<256x128xf32, #tpu.memory_space<vmem>>, vector<1x16xf32>,
      %get3A_2000 = vector.shape_cast %get3A_1999 : vector<1x16xf32> to vector<16xf32>
      %mul3A_2001 = arith.mulf %gather3A_1946, %get3A_2000 : vector<16xf32>
      %add3A_2002 = arith.addf %mul3A_2001, %gather3A_1949 : vector<16xf32>
      %add3A_2003 = arith.constant 15 : i32
      %add3A_2004 = arith.addi %mul3A_15, %add3A_2003 : i32
      %swap3A_2005 = arith.index_cast %add3A_2004 : i32 to index
      %swap3A_2006 = arith.constant 48 : index
      %swap3A_2007 = tpu.vector_load %arg7[%swap3A_2005, %swap3A_2006] {strides = array<i32>} : memref<256x128xf32, #tpu.memory_space<vmem>>, vector<1x16xf32>,
      %swap3A_2008 = vector.shape_cast %swap3A_2007 : vector<1x16xf32> to vector<16xf32>
      %swap3A_2009 = vector.shape_cast %add3A_2002 : vector<16xf32> to vector<1x16xf32>
      tpu.vector_store %arg7[%swap3A_2005, %swap3A_2006], %swap3A_2009 {strides = array<i32>} : memref<256x128xf32, #tpu.memory_space<vmem>>, vector<1x16xf32>,
      %add3A_2010 = arith.constant 15 : i32
      %add3A_2011 = arith.addi %mul3A_15, %add3A_2010 : i32
      %get3A_2012 = arith.index_cast %add3A_2011 : i32 to index
      %get3A_2013 = arith.constant 64 : index
      %get3A_2014 = tpu.vector_load %arg7[%get3A_2012, %get3A_2013] {strides = array<i32>} : memref<256x128xf32, #tpu.memory_space<vmem>>, vector<1x16xf32>,
      %get3A_2015 = vector.shape_cast %get3A_2014 : vector<1x16xf32> to vector<16xf32>
      %mul3A_2016 = arith.mulf %gather3A_1946, %get3A_2015 : vector<16xf32>
      %add3A_2017 = arith.addf %mul3A_2016, %gather3A_1949 : vector<16xf32>
      %add3A_2018 = arith.constant 15 : i32
      %add3A_2019 = arith.addi %mul3A_15, %add3A_2018 : i32
      %swap3A_2020 = arith.index_cast %add3A_2019 : i32 to index
      %swap3A_2021 = arith.constant 64 : index
      %swap3A_2022 = tpu.vector_load %arg7[%swap3A_2020, %swap3A_2021] {strides = array<i32>} : memref<256x128xf32, #tpu.memory_space<vmem>>, vector<1x16xf32>,
      %swap3A_2023 = vector.shape_cast %swap3A_2022 : vector<1x16xf32> to vector<16xf32>
      %swap3A_2024 = vector.shape_cast %add3A_2017 : vector<16xf32> to vector<1x16xf32>
      tpu.vector_store %arg7[%swap3A_2020, %swap3A_2021], %swap3A_2024 {strides = array<i32>} : memref<256x128xf32, #tpu.memory_space<vmem>>, vector<1x16xf32>,
      %add3A_2025 = arith.constant 15 : i32
      %add3A_2026 = arith.addi %mul3A_15, %add3A_2025 : i32
      %get3A_2027 = arith.index_cast %add3A_2026 : i32 to index
      %get3A_2028 = arith.constant 80 : index
      %get3A_2029 = tpu.vector_load %arg7[%get3A_2027, %get3A_2028] {strides = array<i32>} : memref<256x128xf32, #tpu.memory_space<vmem>>, vector<1x16xf32>,
      %get3A_2030 = vector.shape_cast %get3A_2029 : vector<1x16xf32> to vector<16xf32>
      %mul3A_2031 = arith.mulf %gather3A_1946, %get3A_2030 : vector<16xf32>
      %add3A_2032 = arith.addf %mul3A_2031, %gather3A_1949 : vector<16xf32>
      %add3A_2033 = arith.constant 15 : i32
      %add3A_2034 = arith.addi %mul3A_15, %add3A_2033 : i32
      %swap3A_2035 = arith.index_cast %add3A_2034 : i32 to index
      %swap3A_2036 = arith.constant 80 : index
      %swap3A_2037 = tpu.vector_load %arg7[%swap3A_2035, %swap3A_2036] {strides = array<i32>} : memref<256x128xf32, #tpu.memory_space<vmem>>, vector<1x16xf32>,
      %swap3A_2038 = vector.shape_cast %swap3A_2037 : vector<1x16xf32> to vector<16xf32>
      %swap3A_2039 = vector.shape_cast %add3A_2032 : vector<16xf32> to vector<1x16xf32>
      tpu.vector_store %arg7[%swap3A_2035, %swap3A_2036], %swap3A_2039 {strides = array<i32>} : memref<256x128xf32, #tpu.memory_space<vmem>>, vector<1x16xf32>,
      %add3A_2040 = arith.constant 15 : i32
      %add3A_2041 = arith.addi %mul3A_15, %add3A_2040 : i32
      %get3A_2042 = arith.index_cast %add3A_2041 : i32 to index
      %get3A_2043 = arith.constant 96 : index
      %get3A_2044 = tpu.vector_load %arg7[%get3A_2042, %get3A_2043] {strides = array<i32>} : memref<256x128xf32, #tpu.memory_space<vmem>>, vector<1x16xf32>,
      %get3A_2045 = vector.shape_cast %get3A_2044 : vector<1x16xf32> to vector<16xf32>
      %mul3A_2046 = arith.mulf %gather3A_1946, %get3A_2045 : vector<16xf32>
      %add3A_2047 = arith.addf %mul3A_2046, %gather3A_1949 : vector<16xf32>
      %add3A_2048 = arith.constant 15 : i32
      %add3A_2049 = arith.addi %mul3A_15, %add3A_2048 : i32
      %swap3A_2050 = arith.index_cast %add3A_2049 : i32 to index
      %swap3A_2051 = arith.constant 96 : index
      %swap3A_2052 = tpu.vector_load %arg7[%swap3A_2050, %swap3A_2051] {strides = array<i32>} : memref<256x128xf32, #tpu.memory_space<vmem>>, vector<1x16xf32>,
      %swap3A_2053 = vector.shape_cast %swap3A_2052 : vector<1x16xf32> to vector<16xf32>
      %swap3A_2054 = vector.shape_cast %add3A_2047 : vector<16xf32> to vector<1x16xf32>
      tpu.vector_store %arg7[%swap3A_2050, %swap3A_2051], %swap3A_2054 {strides = array<i32>} : memref<256x128xf32, #tpu.memory_space<vmem>>, vector<1x16xf32>,
      %add3A_2055 = arith.constant 15 : i32
      %add3A_2056 = arith.addi %mul3A_15, %add3A_2055 : i32
      %get3A_2057 = arith.index_cast %add3A_2056 : i32 to index
      %get3A_2058 = arith.constant 112 : index
      %get3A_2059 = tpu.vector_load %arg7[%get3A_2057, %get3A_2058] {strides = array<i32>} : memref<256x128xf32, #tpu.memory_space<vmem>>, vector<1x16xf32>,
      %get3A_2060 = vector.shape_cast %get3A_2059 : vector<1x16xf32> to vector<16xf32>
      %mul3A_2061 = arith.mulf %gather3A_1946, %get3A_2060 : vector<16xf32>
      %add3A_2062 = arith.addf %mul3A_2061, %gather3A_1949 : vector<16xf32>
      %add3A_2063 = arith.constant 15 : i32
      %add3A_2064 = arith.addi %mul3A_15, %add3A_2063 : i32
      %swap3A_2065 = arith.index_cast %add3A_2064 : i32 to index
      %swap3A_2066 = arith.constant 112 : index
      %swap3A_2067 = tpu.vector_load %arg7[%swap3A_2065, %swap3A_2066] {strides = array<i32>} : memref<256x128xf32, #tpu.memory_space<vmem>>, vector<1x16xf32>,
      %swap3A_2068 = vector.shape_cast %swap3A_2067 : vector<1x16xf32> to vector<16xf32>
      %swap3A_2069 = vector.shape_cast %add3A_2062 : vector<16xf32> to vector<1x16xf32>
      tpu.vector_store %arg7[%swap3A_2065, %swap3A_2066], %swap3A_2069 {strides = array<i32>} : memref<256x128xf32, #tpu.memory_space<vmem>>, vector<1x16xf32>,
    }
    %scan3A_12 = arith.constant 16 : i32
    "tpu.region"() ({
      %run_scoped3A = tpu.sem_alloc : memref<!tpu.dma_semaphore, #tpu.memory_space<semaphore_mem>>
      %dma_start3A = arith.constant 0 : i32
      %dma_start3A_13 = tpu.memref_slice %arg6[%mul3A_2, %dma_start3A] : memref<8192x128xf32, #tpu.memory_space<hbm>> -> memref<256x128xf32, #tpu.memory_space<hbm>>
      %dma_start3A_14 = arith.constant 0 : i32
      %dma_start3A_15 = tpu.memref_slice %arg6[%mul3A_2, %dma_start3A_14] : memref<8192x128xf32, #tpu.memory_space<hbm>> -> memref<256x128xf32, #tpu.memory_space<hbm>>
      tpu.enqueue_dma source(%arg7 : memref<256x128xf32, #tpu.memory_space<vmem>>) target(%dma_start3A_15 : memref<256x128xf32, #tpu.memory_space<hbm>>) target_semaphore(%run_scoped3A : memref<!tpu.dma_semaphore, #tpu.memory_space<semaphore_mem>>)
      %dma_wait3A = arith.constant 0 : i32
      %dma_wait3A_16 = tpu.memref_slice %arg6[%mul3A_2, %dma_wait3A] : memref<8192x128xf32, #tpu.memory_space<hbm>> -> memref<256x128xf32, #tpu.memory_space<hbm>>
      %dma_wait3A_17 = arith.constant 0 : i32
      %dma_wait3A_18 = tpu.memref_slice %arg6[%mul3A_2, %dma_wait3A_17] : memref<8192x128xf32, #tpu.memory_space<hbm>> -> memref<256x128xf32, #tpu.memory_space<hbm>>
      tpu.wait_dma2 semaphore(%run_scoped3A : memref<!tpu.dma_semaphore, #tpu.memory_space<semaphore_mem>>) src(%arg7 : memref<256x128xf32, #tpu.memory_space<vmem>>) dst(%dma_wait3A_18 : memref<256x128xf32, #tpu.memory_space<hbm>>)
      tpu.yield
    }) : () -> ()
    return
  }
}

module attributes {stable_mosaic.version = 14 : i64} {
  func.func @_affine_tc_body(%arg0: i32, %arg1: memref<1x1x1024xi32, #tpu.memory_space<vmem>>, %arg2: memref<8xf32, #tpu.memory_space<smem>>, %arg3: memref<8xf32, #tpu.memory_space<smem>>, %arg4: memref<1024x128xf32, #tpu.memory_space<vmem>>, %arg5: memref<1024x128xf32, #tpu.memory_space<vmem>>) attributes {dimension_semantics = [#tpu.dimension_semantics<arbitrary>], iteration_bounds = array<i64: 8>, scalar_prefetch = 0 : i64, scratch_operands = 0 : i64, tpu.core_type = #tpu.core_type<tc>, window_params = [{transform_indices = @transform_0, window_bounds = array<i64: 1, 1, 1024>}, {transform_indices = @transform_1, window_bounds = array<i64: 8>}, {transform_indices = @transform_2, window_bounds = array<i64: 8>}, {transform_indices = @transform_3, window_bounds = array<i64: 1024, 128>}, {transform_indices = @transform_4, window_bounds = array<i64: 1024, 128>}]} {
    %get3A = arith.constant 0 : index
    %get3A_0 = arith.constant 0 : index
    %get3A_1 = arith.constant 0 : index
    %get3A_2 = vector.load %arg1[%get3A, %get3A_0, %get3A_1] : memref<1x1x1024xi32, #tpu.memory_space<vmem>>, vector<1x1x1024xi32>
    %get3A_3 = vector.shape_cast %get3A_2 : vector<1x1x1024xi32> to vector<1024xi32>
    %broadcast_in_dim3A = arith.constant 0.000000e+00 : f32
    %broadcast_in_dim3A_4 = vector.broadcast %broadcast_in_dim3A : f32 to vector<1024xf32>
    %broadcast_in_dim3A_5 = arith.constant 0.000000e+00 : f32
    %broadcast_in_dim3A_6 = vector.broadcast %broadcast_in_dim3A_5 : f32 to vector<1024xf32>
    %eq3A = arith.constant 0 : i32
    %eq3A_7 = vector.broadcast %eq3A : i32 to vector<1024xi32>
    %eq3A_8 = arith.cmpi eq, %get3A_3, %eq3A_7 : vector<1024xi32>
    %get3A_9 = arith.constant 0 : index
    %get3A_10 = memref.load %arg2[%get3A_9] : memref<8xf32, #tpu.memory_space<smem>>
    %broadcast_in_dim3A_11 = vector.broadcast %get3A_10 : f32 to vector<1024xf32>
    %select_n3A = arith.select %eq3A_8, %broadcast_in_dim3A_11, %broadcast_in_dim3A_4 : vector<1024xi1>, vector<1024xf32>
    %get3A_12 = arith.constant 0 : index
    %get3A_13 = memref.load %arg3[%get3A_12] : memref<8xf32, #tpu.memory_space<smem>>
    %broadcast_in_dim3A_14 = vector.broadcast %get3A_13 : f32 to vector<1024xf32>
    %select_n3A_15 = arith.select %eq3A_8, %broadcast_in_dim3A_14, %broadcast_in_dim3A_6 : vector<1024xi1>, vector<1024xf32>
    %eq3A_16 = arith.constant 1 : i32
    %eq3A_17 = vector.broadcast %eq3A_16 : i32 to vector<1024xi32>
    %eq3A_18 = arith.cmpi eq, %get3A_3, %eq3A_17 : vector<1024xi32>
    %get3A_19 = arith.constant 1 : index
    %get3A_20 = memref.load %arg2[%get3A_19] : memref<8xf32, #tpu.memory_space<smem>>
    %broadcast_in_dim3A_21 = vector.broadcast %get3A_20 : f32 to vector<1024xf32>
    %select_n3A_22 = arith.select %eq3A_18, %broadcast_in_dim3A_21, %select_n3A : vector<1024xi1>, vector<1024xf32>
    %get3A_23 = arith.constant 1 : index
    %get3A_24 = memref.load %arg3[%get3A_23] : memref<8xf32, #tpu.memory_space<smem>>
    %broadcast_in_dim3A_25 = vector.broadcast %get3A_24 : f32 to vector<1024xf32>
    %select_n3A_26 = arith.select %eq3A_18, %broadcast_in_dim3A_25, %select_n3A_15 : vector<1024xi1>, vector<1024xf32>
    %eq3A_27 = arith.constant 2 : i32
    %eq3A_28 = vector.broadcast %eq3A_27 : i32 to vector<1024xi32>
    %eq3A_29 = arith.cmpi eq, %get3A_3, %eq3A_28 : vector<1024xi32>
    %get3A_30 = arith.constant 2 : index
    %get3A_31 = memref.load %arg2[%get3A_30] : memref<8xf32, #tpu.memory_space<smem>>
    %broadcast_in_dim3A_32 = vector.broadcast %get3A_31 : f32 to vector<1024xf32>
    %select_n3A_33 = arith.select %eq3A_29, %broadcast_in_dim3A_32, %select_n3A_22 : vector<1024xi1>, vector<1024xf32>
    %get3A_34 = arith.constant 2 : index
    %get3A_35 = memref.load %arg3[%get3A_34] : memref<8xf32, #tpu.memory_space<smem>>
    %broadcast_in_dim3A_36 = vector.broadcast %get3A_35 : f32 to vector<1024xf32>
    %select_n3A_37 = arith.select %eq3A_29, %broadcast_in_dim3A_36, %select_n3A_26 : vector<1024xi1>, vector<1024xf32>
    %eq3A_38 = arith.constant 3 : i32
    %eq3A_39 = vector.broadcast %eq3A_38 : i32 to vector<1024xi32>
    %eq3A_40 = arith.cmpi eq, %get3A_3, %eq3A_39 : vector<1024xi32>
    %get3A_41 = arith.constant 3 : index
    %get3A_42 = memref.load %arg2[%get3A_41] : memref<8xf32, #tpu.memory_space<smem>>
    %broadcast_in_dim3A_43 = vector.broadcast %get3A_42 : f32 to vector<1024xf32>
    %select_n3A_44 = arith.select %eq3A_40, %broadcast_in_dim3A_43, %select_n3A_33 : vector<1024xi1>, vector<1024xf32>
    %get3A_45 = arith.constant 3 : index
    %get3A_46 = memref.load %arg3[%get3A_45] : memref<8xf32, #tpu.memory_space<smem>>
    %broadcast_in_dim3A_47 = vector.broadcast %get3A_46 : f32 to vector<1024xf32>
    %select_n3A_48 = arith.select %eq3A_40, %broadcast_in_dim3A_47, %select_n3A_37 : vector<1024xi1>, vector<1024xf32>
    %eq3A_49 = arith.constant 4 : i32
    %eq3A_50 = vector.broadcast %eq3A_49 : i32 to vector<1024xi32>
    %eq3A_51 = arith.cmpi eq, %get3A_3, %eq3A_50 : vector<1024xi32>
    %get3A_52 = arith.constant 4 : index
    %get3A_53 = memref.load %arg2[%get3A_52] : memref<8xf32, #tpu.memory_space<smem>>
    %broadcast_in_dim3A_54 = vector.broadcast %get3A_53 : f32 to vector<1024xf32>
    %select_n3A_55 = arith.select %eq3A_51, %broadcast_in_dim3A_54, %select_n3A_44 : vector<1024xi1>, vector<1024xf32>
    %get3A_56 = arith.constant 4 : index
    %get3A_57 = memref.load %arg3[%get3A_56] : memref<8xf32, #tpu.memory_space<smem>>
    %broadcast_in_dim3A_58 = vector.broadcast %get3A_57 : f32 to vector<1024xf32>
    %select_n3A_59 = arith.select %eq3A_51, %broadcast_in_dim3A_58, %select_n3A_48 : vector<1024xi1>, vector<1024xf32>
    %eq3A_60 = arith.constant 5 : i32
    %eq3A_61 = vector.broadcast %eq3A_60 : i32 to vector<1024xi32>
    %eq3A_62 = arith.cmpi eq, %get3A_3, %eq3A_61 : vector<1024xi32>
    %get3A_63 = arith.constant 5 : index
    %get3A_64 = memref.load %arg2[%get3A_63] : memref<8xf32, #tpu.memory_space<smem>>
    %broadcast_in_dim3A_65 = vector.broadcast %get3A_64 : f32 to vector<1024xf32>
    %select_n3A_66 = arith.select %eq3A_62, %broadcast_in_dim3A_65, %select_n3A_55 : vector<1024xi1>, vector<1024xf32>
    %get3A_67 = arith.constant 5 : index
    %get3A_68 = memref.load %arg3[%get3A_67] : memref<8xf32, #tpu.memory_space<smem>>
    %broadcast_in_dim3A_69 = vector.broadcast %get3A_68 : f32 to vector<1024xf32>
    %select_n3A_70 = arith.select %eq3A_62, %broadcast_in_dim3A_69, %select_n3A_59 : vector<1024xi1>, vector<1024xf32>
    %eq3A_71 = arith.constant 6 : i32
    %eq3A_72 = vector.broadcast %eq3A_71 : i32 to vector<1024xi32>
    %eq3A_73 = arith.cmpi eq, %get3A_3, %eq3A_72 : vector<1024xi32>
    %get3A_74 = arith.constant 6 : index
    %get3A_75 = memref.load %arg2[%get3A_74] : memref<8xf32, #tpu.memory_space<smem>>
    %broadcast_in_dim3A_76 = vector.broadcast %get3A_75 : f32 to vector<1024xf32>
    %select_n3A_77 = arith.select %eq3A_73, %broadcast_in_dim3A_76, %select_n3A_66 : vector<1024xi1>, vector<1024xf32>
    %get3A_78 = arith.constant 6 : index
    %get3A_79 = memref.load %arg3[%get3A_78] : memref<8xf32, #tpu.memory_space<smem>>
    %broadcast_in_dim3A_80 = vector.broadcast %get3A_79 : f32 to vector<1024xf32>
    %select_n3A_81 = arith.select %eq3A_73, %broadcast_in_dim3A_80, %select_n3A_70 : vector<1024xi1>, vector<1024xf32>
    %eq3A_82 = arith.constant 7 : i32
    %eq3A_83 = vector.broadcast %eq3A_82 : i32 to vector<1024xi32>
    %eq3A_84 = arith.cmpi eq, %get3A_3, %eq3A_83 : vector<1024xi32>
    %get3A_85 = arith.constant 7 : index
    %get3A_86 = memref.load %arg2[%get3A_85] : memref<8xf32, #tpu.memory_space<smem>>
    %broadcast_in_dim3A_87 = vector.broadcast %get3A_86 : f32 to vector<1024xf32>
    %select_n3A_88 = arith.select %eq3A_84, %broadcast_in_dim3A_87, %select_n3A_77 : vector<1024xi1>, vector<1024xf32>
    %get3A_89 = arith.constant 7 : index
    %get3A_90 = memref.load %arg3[%get3A_89] : memref<8xf32, #tpu.memory_space<smem>>
    %broadcast_in_dim3A_91 = vector.broadcast %get3A_90 : f32 to vector<1024xf32>
    %select_n3A_92 = arith.select %eq3A_84, %broadcast_in_dim3A_91, %select_n3A_81 : vector<1024xi1>, vector<1024xf32>
    %broadcast_in_dim3A_93 = vector.shape_cast %select_n3A_88 : vector<1024xf32> to vector<1024x1xf32>
    %get3A_94 = arith.constant 0 : index
    %get3A_95 = arith.constant 0 : index
    %get3A_96 = vector.load %arg4[%get3A_94, %get3A_95] : memref<1024x128xf32, #tpu.memory_space<vmem>>, vector<1024x128xf32>
    %mul3A = vector.broadcast %broadcast_in_dim3A_93 : vector<1024x1xf32> to vector<1024x128xf32>
    %mul3A_97 = arith.mulf %mul3A, %get3A_96 : vector<1024x128xf32>
    %broadcast_in_dim3A_98 = vector.shape_cast %select_n3A_92 : vector<1024xf32> to vector<1024x1xf32>
    %add3A = vector.broadcast %broadcast_in_dim3A_98 : vector<1024x1xf32> to vector<1024x128xf32>
    %add3A_99 = arith.addf %mul3A_97, %add3A : vector<1024x128xf32>
    %swap3A = arith.constant 0 : index
    %swap3A_100 = arith.constant 0 : index
    %swap3A_101 = vector.load %arg5[%swap3A, %swap3A_100] : memref<1024x128xf32, #tpu.memory_space<vmem>>, vector<1024x128xf32>
    tpu.vector_store %arg5[%swap3A, %swap3A_100], %add3A_99 {strides = array<i32>} : memref<1024x128xf32, #tpu.memory_space<vmem>>, vector<1024x128xf32>,
    return
  }
  func.func @transform_0(%arg0: i32) -> (i32, i32, i32) {
    %add3A = arith.constant 8 : i32
    %add3A_0 = arith.addi %arg0, %add3A : i32
    %c0_i32 = arith.constant 0 : i32
    %c0_i32_1 = arith.constant 0 : i32
    %c0_i32_2 = arith.constant 0 : i32
    return %add3A_0, %c0_i32, %c0_i32_1 : i32, i32, i32
  }
  func.func @transform_1(%arg0: i32) -> i32 {
    %c0_i32 = arith.constant 0 : i32
    %c0_i32_0 = arith.constant 0 : i32
    return %c0_i32 : i32
  }
  func.func @transform_2(%arg0: i32) -> i32 {
    %c0_i32 = arith.constant 0 : i32
    %c0_i32_0 = arith.constant 0 : i32
    return %c0_i32 : i32
  }
  func.func @transform_3(%arg0: i32) -> (i32, i32) {
    %add3A = arith.constant 8 : i32
    %add3A_0 = arith.addi %arg0, %add3A : i32
    %c0_i32 = arith.constant 0 : i32
    %c0_i32_1 = arith.constant 0 : i32
    return %add3A_0, %c0_i32 : i32, i32
  }
  func.func @transform_4(%arg0: i32) -> (i32, i32) {
    %c0_i32 = arith.constant 0 : i32
    %c0_i32_0 = arith.constant 0 : i32
    return %arg0, %c0_i32 : i32, i32
  }
}

</mosaic_0001>

<sc_bundles>
// kernel: kernel.4.cloned.1.call-start
scs
__scs_entry_jumppad:
0x0: {  	(pc) =	sbr.rel $0x88, $3  }
0x1: {  	(tag) =	ssettag $0x0;
	lr =	simm.s32 $0x1  }
0x2: {  	[smem:$0x3F9D] =	sst lr;
	_ =	strace $0xD0000000  }
0x3: {  	_ = 	snop  }
0x4: {  	_ = 	snop  }
0x5: {  	_ = 	snop  }
0x6: {  	_ = 	snop  }
0x7: {  	_ = 	snop  }
__scs_overlays_trampoline_lowered:
0x8: {  	[smem:$0x3FAC] =	sst s0  }
0x9: {  	[smem:$0x3FAD] =	sst s1  }
0xa: {  	[smem:$0x3FAE] =	sst s2  }
0xb: {  	[smem:$0x3FAF] =	sst s3  }
0xc: {  	[smem:$0x3FB0] =	sst s4  }
0xd: {  	[smem:$0x3FB1] =	sst s5  }
0xe: {  	[smem:$0x3FB2] =	sst s6  }
0xf: {  	[smem:$0x3FB3] =	sst s7  }
0x10: {  	[smem:$0x3FB4] =	sst s8  }
0x11: {  	[smem:$0x3FB5] =	sst s9;
	s0 =	simm.s32 @!p0 $0x0  }
0x12: {  	s1 =	sld [smem:$0x3F9B];
	s0 =	simm.s32 @p0 $0x1  }
0x13: {  	[smem:$0x3FB6] =	sst s0;
	s0 =	simm.s32 @!p1 $0x0  }
0x14: {  	s2 =	sld [smem:$0x3F9A];
	s0 =	simm.s32 @p1 $0x1  }
0x15: {  	[smem:$0x3FB7] =	sst s0;
	s0 =	simm.s32 @!p2 $0x0  }
0x16: {  	s3 =	sld [smem:$0x3FDB];
	s0 =	simm.s32 @p2 $0x1  }
0x17: {  	s4 =	simm.s32 $0x1BF5;
	[smem:$0x3FB9] =	sst s0  }
0x18: {  	s0 =	sld [smem:$0x3F9C];
	_ =	swait.ge [sflag:s4], $0x0  }
0x19: {  	s7 =	sld [smem:$0x3F9D]  }
0x1a: {  	s8 =	sadd.s32 $0xFFFFE003, lr  }
0x1b: {  	s9 =	sadd.s32 $0xFFFFFEF7, lr;
	s5 =	simm.s32 $0xFFFFFFFF;
	p2 =	slt.u32 s8, $0xFFFFF086  }
0x1c: {  	p1 =	slt.u32 s9, $0xF7A;
	s5 =	simm.s32 @!p2 $0x0  }
0x1d: {  	s5 =	simm.s32 @p1 $0x1;
	p0 =	seq.s32 s7, s2  }
0x1e: {  	s7 =	smul.u32 @!p0 $0xF7A, s2;
	p2 =	seq.s32 @!p0 s5, $0x0  }
0x1f: {  	s9 =	smul.u32 $0xF7A, s1;
	s8 =	simm.s32 @!p0 $0x1BF5;
	p2 =	por !p2, p0  }
0x20: {  	[sflag:s8] =	ssyncset.s32 @!p0 $0xFFFFF086;
	s6 =	sadd.s32 @!p0 s3, s7;
	s7 =	simm.s32 @!p0 $0x108  }
0x21: {  	s3 =	sadd.s32 s3, s9;
	s6 =	sadd.s32 @!p0 $0x88, s6;
	s7 =	simm.s32 @p2 $0x1082  }
0x22: {  	[simem:s7], [sflag:s8] =	dma.local @!p0 [hbm:s6], $0xF7A  }
0x23: {  	s9 =	sor.u32 $0xD0000000, s2;
	s6 =	simm.s32 $0x108;
	_ =	swait.ge @!p0 [sflag:s8], $0x0  }
0x24: {  	s3 =	sadd.s32 $0x88, s3;
	s6 =	simm.s32 @!p1 $0x1082;
	[sflag:s4] =	ssyncset.s32 $0xFFFFF086  }
0x25: {  	[simem:s6], [sflag:s4] =	dma.local [hbm:s3], $0xF7A  }
0x26: {  	[smem:$0x3F9D] =	sst s1;
	(tag) =	ssettag s2;
	_ =	strace s9  }
0x27: {  	s1 =	sld [smem:$0x3FAD]  }
0x28: {  	s2 =	sld [smem:$0x3FAE]  }
0x29: {  	s4 =	sld [smem:$0x3FB0]  }
0x2a: {  	p0 =	seq.s32 s5, $0x0;
	s5 =	sld [smem:$0x3FB1]  }
0x2b: {  	s6 =	sld [smem:$0x3FB2]  }
0x2c: {  	s7 =	sld [smem:$0x3FB3]  }
0x2d: {  	s3 =	simm.s32 $0x108;
	s8 =	sld [smem:$0x3FB4]  }
0x2e: {  	s3 =	simm.s32 @!p0 $0x1082;
	s9 =	sld [smem:$0x3FB5]  }
0x2f: {  	lr =	sadd.s32 s0, s3;
	s0 =	sld [smem:$0x3FAC]  }
0x30: {  	s3 =	sld [smem:$0x3FAF]  }
0x31: {  	[smem:$0x3FB8] =	sst s10  }
0x32: {  	s10 =	sld [smem:$0x3FB6];
	_ =	sdelay $0x3  }
0x33: {  	p0 =	seq.s32 s10, $0x1;
	s10 =	sld [smem:$0x3FB8];
	_ =	sdelay $0x3  }
0x34: {  	[smem:$0x3FB8] =	sst s10  }
0x35: {  	s10 =	sld [smem:$0x3FB7];
	_ =	sdelay $0x3  }
0x36: {  	p1 =	seq.s32 s10, $0x1;
	s10 =	sld [smem:$0x3FB8];
	_ =	sdelay $0x3  }
0x37: {  	[smem:$0x3FB8] =	sst s10  }
0x38: {  	s10 =	sld [smem:$0x3FB9]  }
0x39: {  	_ = 	snop;
	(pc) =	sbr.ind lr, $3  }
0x3a: {  	_ = 	snop  }
0x3b: {  	_ = 	snop  }
0x3c: {  	p2 =	seq.s32 s10, $0x1;
	s10 =	sld [smem:$0x3FB8]  }
0x3d: {  	_ =	shalt  }
0x3e: {  	_ =	shalt  }
0x3f: {  	_ =	shalt  }
0x40: {  	_ =	shalt  }
0x41: {  	_ =	shalt  }
0x42: {  	_ =	shalt  }
0x43: {  	_ =	shalt  }
0x44: {  	_ =	shalt  }
0x45: {  	_ =	shalt  }
0x46: {  	_ =	shalt  }
0x47: {  	_ =	shalt  }
0x48: {  	_ =	shalt  }
0x49: {  	_ =	shalt  }
0x4a: {  	_ =	shalt  }
0x4b: {  	_ =	shalt  }
0x4c: {  	_ =	shalt  }
0x4d: {  	_ =	shalt  }
0x4e: {  	_ =	shalt  }
0x4f: {  	_ =	shalt  }
0x50: {  	_ =	shalt  }
0x51: {  	_ =	shalt  }
0x52: {  	_ =	shalt  }
0x53: {  	_ =	shalt  }
0x54: {  	_ =	shalt  }
0x55: {  	_ =	shalt  }
0x56: {  	_ =	shalt  }
0x57: {  	_ =	shalt  }
0x58: {  	_ =	shalt  }
0x59: {  	_ =	shalt  }
0x5a: {  	_ =	shalt  }
0x5b: {  	_ =	shalt  }
0x5c: {  	_ =	shalt  }
0x5d: {  	_ =	shalt  }
0x5e: {  	_ =	shalt  }
0x5f: {  	_ =	shalt  }
0x60: {  	_ =	shalt  }
0x61: {  	_ =	shalt  }
0x62: {  	_ =	shalt  }
0x63: {  	_ =	shalt  }
0x64: {  	_ =	shalt  }
0x65: {  	_ =	shalt  }
0x66: {  	_ =	shalt  }
0x67: {  	_ =	shalt  }
0x68: {  	_ =	shalt  }
0x69: {  	_ =	shalt  }
0x6a: {  	_ =	shalt  }
0x6b: {  	_ =	shalt  }
0x6c: {  	_ =	shalt  }
0x6d: {  	_ =	shalt  }
0x6e: {  	_ =	shalt  }
0x6f: {  	_ =	shalt  }
0x70: {  	_ =	shalt  }
0x71: {  	_ =	shalt  }
0x72: {  	_ =	shalt  }
0x73: {  	_ =	shalt  }
0x74: {  	_ =	shalt  }
0x75: {  	_ =	shalt  }
0x76: {  	_ =	shalt  }
0x77: {  	_ =	shalt  }
0x78: {  	_ =	shalt  }
0x79: {  	_ =	shalt  }
0x7a: {  	_ =	shalt  }
0x7b: {  	_ =	shalt  }
0x7c: {  	_ =	shalt  }
0x7d: {  	_ =	shalt  }
0x7e: {  	_ =	shalt  }
0x7f: {  	_ =	shalt  }
0x80: {  	_ =	shalt  }
0x81: {  	_ =	shalt  }
0x82: {  	_ =	shalt  }
0x83: {  	_ =	shalt  }
0x84: {  	_ =	shalt  }
0x85: {  	_ =	shalt  }
0x86: {  	_ =	shalt  }
0x87: {  	_ =	shalt  }
.Lfunc_end0:
.L_simem_size_0:
called_computation_lowered:
.L_overlay_start_0:
0x88: {  	s2 =	sld [smem:$0x3FD9]  }
0x89: {  	s3 =	sld [smem:$0x3FFE];
	_ =	sdelay $0x1  }
0x8a: {  	s1 =	srdreg.scid  }
0x8b: {  	s0 =	sand.u32 $0x1, s1  }
0x8c: {  	s17 =	sshll.u32 s0, $0xA;
	s2 =	sadd.s32 s3, s2  }
0x8d: {  	s2 =	sadd.s32 s2, s17  }
0x8e: {  	[smem:$0x3FC4] =	sst s2  }
0x8f: {  	_ = 	snop  }
0x90: {  	s2 =	sld [smem:$0x3FC9]  }
0x91: {  	s18 =	sld [smem:$0x3FC8]  }
0x92: {  	s4 =	sld [smem:$0x3FC7]  }
0x93: {  	s5 =	sld [smem:$0x3FC6];
	(tm) =	ssettm $0x1  }
0x94: {  	s6 =	sld [smem:$0x3FFB];
	_ =	sdelay $0x3  }
0x95: {  	_ =	strace s6  }
0x96: {  	s6 =	sld [smem:$0x3FFC];
	_ =	sdelay $0x3  }
0x97: {  	_ =	strace s6  }
0x98: {  	s6 =	sld [smem:$0x3FFD];
	_ =	sdelay $0x3  }
0x99: {  	_ =	strace s6  }
0x9a: {  	_ =	strace $0x8FFFFFFF  }
0x9b: {  	s19 =	sld [smem:$0x3FDB];
	_ =	sdelay $0x1  }
0x9c: {  	s7 =	simm.s32 $_scs_section_size  }
0x9d: {  	s8 =	simm.s32 $_size__tile_overlayer_lowered;
	s9 =	simm.s32 $_tile_overlayer_lowered  }
0x9e: {  	s22 =	simm.s32 $0x1BFF;
	s21 =	sshll.u32 s9, $0x1;
	s6 =	sadd.s32 s7, s19  }
0x9f: {  	s10 =	simm.s32 $0x0;
	s20 =	sshll.u32 s8, $0x1;
	s8 =	sadd.s32 s21, s6  }
0xa0: {  	[timem:s10], [sflag:s22] =	dma.local [hbm:s8], s20  }
0xa1: {  	_ =	swait.ge [sflag:s22], s20  }
0xa2: {  	s7 =	ssub.s32 $0x0, s20;
	[sflag:s22] =	ssyncset.done $0x0  }
0xa3: {  	[sflag:s22] =	ssyncadd.s32 s7;
	_ =	sdelay $0x1  }
0xa4: {  	s23 =	simm.s32 $0x1B8B  }
0xa5: {  	_ =	swait.ge [sflag:s23], $0x1  }
0xa6: {  	[sflag:s23] =	ssyncset.done $0x0  }
0xa7: {  	s25 =	simm.s32 $0x1B8E;
	s24 =	sld [smem:$0x3FFE];
	[sflag:s23] =	ssyncadd.s32 $0xFFFFFFFF  }
0xa8: {  	s26 =	simm.s32 $execute0_lowered;
	[smem:$0x3FD2] =	sst s25  }
0xa9: {  	s8 =	sshll.u32 s26, $0x1;
	_ =	strace $0x80000046;
	[dreg:$0x1] =	wrdreg $0xFFFFFFFF  }
0xaa: {  	s28 =	simm.s32 $_size_execute0_lowered;
	s6 =	sadd.s32 s6, s8;
	[dreg:$0x0] =	wrdreg $0x0  }
0xab: {  	s8 =	sshll.u32 s28, $0x1;
	[dreg:$0x2] =	wrdreg s6  }
0xac: {  	[dreg:$0x3] =	wrdreg s8  }
0xad: {  	[dreg:$0x4] =	wrdreg $0xC0  }
0xae: {  	_ =	task [dreg:s10], $0x5FFFF  }
0xaf: {  	[dreg:$0x1] =	wrdreg $0xFFFFFFFF  }
0xb0: {  	[dreg:$0x0] =	wrdreg $0x60  }
0xb1: {  	[dreg:$0x2] =	wrdreg s2  }
0xb2: {  	[dreg:$0x3] =	wrdreg s18  }
0xb3: {  	[dreg:$0x4] =	wrdreg s4  }
0xb4: {  	[dreg:$0x5] =	wrdreg s5  }
0xb5: {  	[dreg:$0x6] =	wrdreg s24  }
0xb6: {  	[dreg:$0x7] =	wrdreg $0x9  }
0xb7: {  	_ =	task.clear_ibuf [dreg:s10], $0x8FFFF;
	_ =	strace $0x90000046  }
0xb8: {  	s29 =	simm.s32 $0x9;
	_ =	strace $0x80000048  }
0xb9: {  	_ =	swait.ge [sflag:s29], $0x1  }
0xba: {  	[sflag:s29] =	ssyncadd.s32 $0xFFFFFFFF  }
0xbb: {  	_ =	strace $0x90000048  }
0xbc: {  	_ =	sfence  }
0xbd: {  	s30 =	sld [smem:$0x0];
	_ =	sdelay $0x2  }
0xbe: {  	s31 =	sshll.u32 s1, $0xD;
	s1 =	sshrl.u32 s1, $0x2  }
0xbf: {  	s3 =	sand.u32 $0x4000, s31;
	s1 =	sadd.s32 s1, s30  }
0xc0: {  	s0 =	sor.u32 s3, s0;
	s1 =	sshll.u32 s1, $0x11  }
0xc1: {  	s0 =	sor.u32 s1, s0  }
0xc2: {  	s0 =	sadd.s32 $0x8F2B, s0  }
0xc3: {  	[sflag:s0] =	ssyncadd.remote.s32 $0x1  }
0xc4: {  	_ =	sfence.sel $0xFFFF  }
0xc5: {  	[dreg:$0x0] =	wrdreg $0xFFFFFFFF;
	(pc) =	sbr.abs _section_cstart, $3  }
0xc6: {  	[dreg:$0x1] =	wrdreg $0xFFFFFFFF  }
0xc7: {  	_ =	task.clear_ibuf [dreg:s10], $0x2FFFF;
	_ =	strace $0x9FFFFFFF  }
0xc8: {  	(tm) =	ssettm $0x7FFFFFFF  }
0xc9: {  	_ =	shalt  }
tec
execute0_lowered:
.L_overlay_start_1:
0x0: {  	(tag) =	ssettag $0x1  }
0x1: {  	s6 =	rddreg [dreg:$0x0]  }
0x2: {  	s5 =	rddreg [dreg:$0x1]  }
0x3: {  	s1 =	rddreg [dreg:$0x2]  }
0x4: {  	s3 =	rddreg [dreg:$0x3]  }
0x5: {  	s7 =	rddreg [dreg:$0x4];
	s4 =	srdreg.scid  }
0x6: {  	s0 =	rddreg [dreg:$0x5];
	s2 =	stileid.u32;
	s12 =	simm.s32 $0x8000  }
0x7: {  	s13 =	simm.s32 $0x0;
	s8 =	sand.u32 $0x1, s4;
	s4 =	simm.s32 $0x0  }
0x8: {  	v0 =	vimm.s32 $0xF;
	s9 =	sshll.u32 s2, $0x9;
	s10 =	sshll.u32 s8, $0x8;
	s8 =	ssub.s32 $0x2, s8  }
0x9: {  	v1 =	vimm.s32 $0x0;
	v2 =	vimm.s32 $0x1;
	v3 =	vimm.s32 $0x2;
	[smem:$0x7FF] =	sst s4;
	s9 =	sor.u32 s10, s9;
	s11 =	sshrl.u32 s8, $0x1  }
0xa: {  	v4 =	vimm.s32 $0x3;
	v5 =	vimm.s32 $0x4;
	v6 =	vimm.s32 $0x5;
	_ =	strace $0x80000047;
	s10 =	sshll.u32 s9, $0x4;
	s8 =	ssub.s32 s8, s11  }
0xb: {  	v7 =	vimm.s32 $0x6;
	v8 =	vimm.s32 $0x7;
	v9 =	vimm.s32 $0x8;
	s9 =	sshrl.u32 s9, $0x3;
	s11 =	simm.s32 $0x8180;
	s7 =	sadd.s32 s10, s7  }
0xc: {  	v10 =	vimm.s32 $0x9;
	v11 =	vimm.s32 $0xA;
	v12 =	vimm.s32 $0xB;
	s5 =	sadd.s32 s5, s9;
	s6 =	sadd.s32 s6, s10;
	s8 =	smax.u32 s8, $0x1  }
0xd: {  	v13 =	vimm.s32 $0xC;
	v14 =	vimm.s32 $0xD;
	v15 =	vimm.s32 $0xE;
	s9 =	simm.s32 $0x8100;
	s10 =	simm.s32 $0x1;
	s7 =	sadd.s32 $0xC00, s7  }
.LBB2_1:
0xe: {  	[tilespmem:s9], [sflag:$0x1] =	stream.linear.gather [hbm4b:s1+s4], $0x8, $0x38;
	[tilespmem:$0x8200] =	vst v63  }
0xf: {  	_ =	swait.ge [sflag:s10], $0x8  }
0x10: {  	[sflag:s10] =	ssyncset.done $0x0  }
0x11: {  	[sflag:s10] =	ssyncadd.s32 $0xFFFFFFF8  }
0x12: {  	[tilespmem:s11], [sflag:$0x1] =	stream.linear.gather [hbm4b:s3+s4], $0x8, $0x38;
	[tilespmem:$0x8200] =	vst v63  }
0x13: {  	_ =	swait.ge [sflag:s10], $0x8  }
0x14: {  	[sflag:s10] =	ssyncset.done $0x0  }
0x15: {  	[sflag:s10] =	ssyncadd.s32 $0xFFFFFFF8  }
0x16: {  	[tilespmem:s12], [sflag:$0x1] =	stream.linear.gather [hbm4b:s5+s4], $0x100, $0x38;
	[tilespmem:$0x8200] =	vst v63  }
0x17: {  	_ =	swait.ge [sflag:s10], $0x100  }
0x18: {  	[sflag:s10] =	ssyncset.done $0x0  }
0x19: {  	[sflag:s10] =	ssyncadd.s32 $0xFFFFFF00  }
0x1a: {  	[tilespmem:s4], [sflag:$0x1] =	stream.linear.gather [hbm4b:s6+s4], $0x8000, $0x38;
	[tilespmem:$0x8200] =	vst v63  }
0x1b: {  	_ =	swait.ge [sflag:s10], $0x8000  }
0x1c: {  	[sflag:s10] =	ssyncset.done $0x0  }
0x1d: {  	[sflag:s10] =	ssyncadd.s32 $0xFFFF8000  }
0x1e: {  	v16 =	vld [tilespmem:$0x8100]  }
0x1f: {  	s14 =	simm.s32 $0x0;
	v17 =	vld [tilespmem:$0x8180]  }
.LBB2_2:
0x20: {  	s15 =	sshll.u32 s14, $0x4  }
0x21: {  	s15 =	sand.u32 $0x3FFFFFF0, s15  }
0x22: {  	v18 =	vld [tilespmem:s15+$0x8000];
	_ =	sdelay $0x1  }
0x23: {  	s31 =	sshll.u32 s14, $0xB  }
0x24: {  	s15 =	sand.u32 $0x3FFFF800, s31  }
0x25: {  	v20 =	vld [tilespmem:s15+$0x0]  }
0x26: {  	v21 =	vld [tilespmem:s15+$0x10];
	v18 =	vand.u32 $0xF, v18  }
0x27: {  	v22 =	vld [tilespmem:s15+$0x20];
	v19 =	vperm.xlane v16, v18  }
0x28: {  	v24 =	vld [tilespmem:s15+$0x30]  }
0x29: {  	v25 =	vld [tilespmem:s15+$0x40];
	v18 =	vperm.xlane v17, v18;
	v23 =	vperm.xlane v19, v1  }
0x2a: {  	v27 =	vld [tilespmem:s15+$0x50]  }
0x2b: {  	v28 =	vld [tilespmem:s15+$0x60];
	v26 =	vperm.xlane v18, v1;
	v20 =	vmul.f32 v20, v23  }
0x2c: {  	v29 =	vld [tilespmem:s15+$0x70];
	v21 =	vmul.f32 v21, v23  }
0x2d: {  	v30 =	vld [tilespmem:s15+$0x80];
	v22 =	vmul.f32 v22, v23;
	v20 =	vadd.f32 v20, v26  }
0x2e: {  	v48 =	vld [tilespmem:s15+$0x90];
	v24 =	vmul.f32 v24, v23;
	v21 =	vadd.f32 v21, v26  }
0x2f: {  	v51 =	vld [tilespmem:s15+$0xA0];
	v47 =	vmul.f32 v25, v23;
	v46 =	vadd.f32 v22, v26;
	[tilespmem:s15+$0x0] =	vst v20  }
0x30: {  	v31 =	vld [tilespmem:s15+$0xB0];
	v50 =	vmul.f32 v27, v23;
	v49 =	vadd.f32 v24, v26;
	[tilespmem:s15+$0x10] =	vst v21  }
0x31: {  	v56 =	vld [tilespmem:s15+$0xC0];
	v54 =	vperm.xlane v19, v2;
	v53 =	vmul.f32 v28, v23;
	v52 =	vadd.f32 v47, v26;
	[tilespmem:s15+$0x20] =	vst v46  }
0x32: {  	v60 =	vld [tilespmem:s15+$0xD0];
	v23 =	vmul.f32 v29, v23;
	v55 =	vadd.f32 v50, v26;
	[tilespmem:s15+$0x30] =	vst v49  }
0x33: {  	v63 =	vld [tilespmem:s15+$0xE0];
	v58 =	vperm.xlane v18, v2;
	v59 =	vmul.f32 v30, v54;
	v57 =	vadd.f32 v53, v26;
	[tilespmem:s15+$0x40] =	vst v52  }
0x34: {  	v34 =	vld [tilespmem:s15+$0xF0];
	v62 =	vmul.f32 v48, v54;
	v61 =	vadd.f32 v23, v26;
	[tilespmem:s15+$0x50] =	vst v55  }
0x35: {  	v37 =	vld [tilespmem:s15+$0x100];
	v33 =	vmul.f32 v51, v54;
	v32 =	vadd.f32 v59, v58;
	[tilespmem:s15+$0x60] =	vst v57  }
0x36: {  	v39 =	vld [tilespmem:s15+$0x110];
	v36 =	vmul.f32 v31, v54;
	v35 =	vadd.f32 v62, v58;
	[tilespmem:s15+$0x70] =	vst v61  }
0x37: {  	v42 =	vld [tilespmem:s15+$0x120];
	v41 =	vmul.f32 v60, v54;
	v38 =	vadd.f32 v33, v58;
	[tilespmem:s15+$0x80] =	vst v32  }
0x38: {  	v45 =	vperm.xlane v19, v3;
	v44 =	vmul.f32 v63, v54;
	v40 =	vadd.f32 v36, v58;
	v53 =	vld [tilespmem:s15+$0x150];
	[tilespmem:s15+$0x90] =	vst v35  }
0x39: {  	v48 =	vmul.f32 v34, v54;
	v24 =	vmul.f32 v56, v54;
	v47 =	vadd.f32 v41, v58;
	v56 =	vld [tilespmem:s15+$0x160];
	[tilespmem:s15+$0xA0] =	vst v38  }
0x3a: {  	v50 =	vadd.f32 v44, v58;
	v59 =	vld [tilespmem:s15+$0x170];
	[tilespmem:s15+$0xB0] =	vst v40  }
0x3b: {  	v51 =	vperm.xlane v18, v3;
	v54 =	vadd.f32 v48, v58;
	v62 =	vld [tilespmem:s15+$0x180];
	v52 =	vmul.f32 v37, v45;
	[tilespmem:s15+$0xD0] =	vst v47  }
0x3c: {  	v33 =	vld [tilespmem:s15+$0x190];
	v43 =	vadd.f32 v24, v58;
	v55 =	vmul.f32 v39, v45;
	[tilespmem:s15+$0xE0] =	vst v50  }
0x3d: {  	v46 =	vld [tilespmem:s15+$0x130];
	v58 =	vmul.f32 v42, v45;
	[tilespmem:s15+$0xF0] =	vst v54;
	v57 =	vadd.f32 v52, v51  }
0x3e: {  	v49 =	vld [tilespmem:s15+$0x140];
	[tilespmem:s15+$0xC0] =	vst v43;
	v60 =	vadd.f32 v55, v51;
	v35 =	vmul.f32 v53, v45  }
0x3f: {  	v36 =	vld [tilespmem:s15+$0x1A0];
	v38 =	vperm.xlane v19, v4;
	v63 =	vadd.f32 v58, v51;
	v23 =	vmul.f32 v56, v45;
	[tilespmem:s15+$0x100] =	vst v57  }
0x40: {  	v39 =	vld [tilespmem:s15+$0x1B0];
	v41 =	vmul.f32 v59, v45;
	[tilespmem:s15+$0x110] =	vst v60;
	v40 =	vadd.f32 v35, v51  }
0x41: {  	v44 =	vperm.xlane v18, v4;
	v42 =	vld [tilespmem:s15+$0x1C0];
	v48 =	vmul.f32 v33, v38;
	[tilespmem:s15+$0x120] =	vst v63;
	v43 =	vadd.f32 v23, v51  }
0x42: {  	v52 =	vld [tilespmem:s15+$0x1F0];
	v61 =	vmul.f32 v46, v45;
	v47 =	vadd.f32 v41, v51;
	[tilespmem:s15+$0x150] =	vst v40  }
0x43: {  	v55 =	vld [tilespmem:s15+$0x200];
	v32 =	vmul.f32 v49, v45;
	v53 =	vadd.f32 v48, v44;
	[tilespmem:s15+$0x160] =	vst v43  }
0x44: {  	v57 =	vld [tilespmem:s15+$0x210];
	v45 =	vmul.f32 v62, v38;
	v34 =	vadd.f32 v61, v51;
	[tilespmem:s15+$0x170] =	vst v47  }
0x45: {  	v60 =	vld [tilespmem:s15+$0x220];
	v54 =	vmul.f32 v39, v38;
	v37 =	vadd.f32 v32, v51;
	[tilespmem:s15+$0x190] =	vst v53  }
0x46: {  	v63 =	vld [tilespmem:s15+$0x230];
	v25 =	vmul.f32 v42, v38;
	v50 =	vadd.f32 v45, v44;
	[tilespmem:s15+$0x130] =	vst v34  }
0x47: {  	v46 =	vld [tilespmem:s15+$0x1D0];
	v62 =	vperm.xlane v19, v5;
	v51 =	vmul.f32 v36, v38;
	v58 =	vadd.f32 v54, v44;
	[tilespmem:s15+$0x140] =	vst v37  }
0x48: {  	v49 =	vld [tilespmem:s15+$0x1E0];
	v61 =	vadd.f32 v25, v44;
	v33 =	vmul.f32 v52, v38;
	[tilespmem:s15+$0x180] =	vst v50  }
0x49: {  	v41 =	vld [tilespmem:s15+$0x260];
	v36 =	vperm.xlane v18, v5;
	v56 =	vadd.f32 v51, v44;
	[tilespmem:s15+$0x1B0] =	vst v58;
	v37 =	vmul.f32 v55, v62  }
0x4a: {  	v47 =	vld [tilespmem:s15+$0x280];
	[tilespmem:s15+$0x1C0] =	vst v61;
	v39 =	vadd.f32 v33, v44;
	v40 =	vmul.f32 v57, v62  }
0x4b: {  	v52 =	vld [tilespmem:s15+$0x2A0];
	v43 =	vmul.f32 v60, v62;
	[tilespmem:s15+$0x1A0] =	vst v56;
	v42 =	vadd.f32 v37, v36  }
0x4c: {  	v34 =	vld [tilespmem:s15+$0x240];
	v59 =	vmul.f32 v46, v38;
	[tilespmem:s15+$0x1F0] =	vst v39;
	v45 =	vadd.f32 v40, v36  }
0x4d: {  	v55 =	vld [tilespmem:s15+$0x2B0];
	v24 =	vmul.f32 v49, v38;
	v48 =	vadd.f32 v43, v36;
	[tilespmem:s15+$0x200] =	vst v42  }
0x4e: {  	v54 =	vperm.xlane v19, v6;
	v58 =	vld [tilespmem:s15+$0x2C0];
	v46 =	vmul.f32 v63, v62;
	v32 =	vadd.f32 v59, v44;
	[tilespmem:s15+$0x210] =	vst v45  }
0x4f: {  	v38 =	vld [tilespmem:s15+$0x250];
	v23 =	vmul.f32 v41, v62;
	v35 =	vadd.f32 v24, v44;
	[tilespmem:s15+$0x220] =	vst v48  }
0x50: {  	v60 =	vperm.xlane v18, v6;
	v49 =	vld [tilespmem:s15+$0x290];
	v50 =	vadd.f32 v46, v36;
	v61 =	vmul.f32 v47, v54;
	[tilespmem:s15+$0x1D0] =	vst v32  }
0x51: {  	v33 =	vld [tilespmem:s15+$0x2E0];
	v59 =	vadd.f32 v23, v36;
	[tilespmem:s15+$0x1E0] =	vst v35;
	v26 =	vmul.f32 v34, v62  }
0x52: {  	v44 =	vld [tilespmem:s15+$0x270];
	[tilespmem:s15+$0x230] =	vst v50;
	v34 =	vadd.f32 v61, v60;
	v35 =	vmul.f32 v52, v54  }
0x53: {  	v41 =	vld [tilespmem:s15+$0x310];
	[tilespmem:s15+$0x260] =	vst v59;
	v25 =	vmul.f32 v58, v54;
	v53 =	vadd.f32 v26, v36  }
0x54: {  	v39 =	vld [tilespmem:s15+$0x300];
	v51 =	vmul.f32 v38, v62;
	[tilespmem:s15+$0x280] =	vst v34;
	v40 =	vadd.f32 v35, v60  }
0x55: {  	v47 =	vld [tilespmem:s15+$0x330];
	v32 =	vmul.f32 v49, v54;
	v45 =	vadd.f32 v25, v60;
	[tilespmem:s15+$0x240] =	vst v53  }
0x56: {  	v46 =	vperm.xlane v19, v7;
	v50 =	vld [tilespmem:s15+$0x340];
	v38 =	vmul.f32 v55, v54;
	v56 =	vadd.f32 v51, v36;
	[tilespmem:s15+$0x2A0] =	vst v40  }
0x57: {  	v24 =	vmul.f32 v33, v54;
	v57 =	vmul.f32 v44, v62;
	v62 =	vld [tilespmem:s15+$0x2D0];
	v37 =	vadd.f32 v32, v60;
	[tilespmem:s15+$0x2C0] =	vst v45  }
0x58: {  	v42 =	vadd.f32 v38, v60;
	v44 =	vld [tilespmem:s15+$0x320];
	[tilespmem:s15+$0x250] =	vst v56  }
0x59: {  	v52 =	vperm.xlane v18, v7;
	v33 =	vld [tilespmem:s15+$0x390];
	v51 =	vadd.f32 v24, v60;
	v53 =	vmul.f32 v39, v46;
	[tilespmem:s15+$0x290] =	vst v37  }
0x5a: {  	v63 =	vadd.f32 v57, v36;
	v36 =	vld [tilespmem:s15+$0x2F0];
	[tilespmem:s15+$0x2B0] =	vst v42;
	v56 =	vmul.f32 v41, v46  }
0x5b: {  	v57 =	vld [tilespmem:s15+$0x360];
	[tilespmem:s15+$0x2E0] =	vst v51;
	v26 =	vmul.f32 v50, v46;
	v58 =	vadd.f32 v53, v52  }
0x5c: {  	v42 =	vld [tilespmem:s15+$0x3C0];
	[tilespmem:s15+$0x270] =	vst v63;
	v61 =	vadd.f32 v56, v52;
	v43 =	vmul.f32 v62, v54  }
0x5d: {  	v63 =	vld [tilespmem:s15+$0x380];
	v37 =	vadd.f32 v26, v52;
	v59 =	vmul.f32 v44, v46;
	[tilespmem:s15+$0x300] =	vst v58  }
0x5e: {  	v39 =	vld [tilespmem:s15+$0x3B0];
	v62 =	vmul.f32 v47, v46;
	[tilespmem:s15+$0x310] =	vst v61;
	v48 =	vadd.f32 v43, v60  }
0x5f: {  	v38 =	vperm.xlane v19, v8;
	[tilespmem:s15+$0x340] =	vst v37;
	v49 =	vmul.f32 v36, v54;
	v54 =	vld [tilespmem:s15+$0x350];
	v32 =	vadd.f32 v59, v52  }
0x60: {  	v34 =	vadd.f32 v62, v52;
	v36 =	vld [tilespmem:s15+$0x3A0];
	v23 =	vmul.f32 v57, v46;
	[tilespmem:s15+$0x2D0] =	vst v48  }
0x61: {  	v44 =	vperm.xlane v18, v8;
	v25 =	vmul.f32 v42, v38;
	v57 =	vld [tilespmem:s15+$0x410];
	v55 =	vadd.f32 v49, v60;
	[tilespmem:s15+$0x320] =	vst v32  }
0x62: {  	v60 =	vld [tilespmem:s15+$0x370];
	[tilespmem:s15+$0x330] =	vst v34;
	v43 =	vadd.f32 v23, v52;
	v45 =	vmul.f32 v63, v38  }
0x63: {  	v48 =	vmul.f32 v33, v38;
	v49 =	vld [tilespmem:s15+$0x3E0];
	v61 =	vadd.f32 v25, v44;
	[tilespmem:s15+$0x2F0] =	vst v55  }
0x64: {  	v34 =	vld [tilespmem:s15+$0x440];
	[tilespmem:s15+$0x360] =	vst v43;
	v50 =	vadd.f32 v45, v44;
	v35 =	vmul.f32 v54, v46  }
0x65: {  	v53 =	vadd.f32 v48, v44;
	v55 =	vld [tilespmem:s15+$0x400];
	[tilespmem:s15+$0x3C0] =	vst v61;
	v51 =	vmul.f32 v36, v38  }
0x66: {  	v63 =	vld [tilespmem:s15+$0x430];
	v54 =	vmul.f32 v39, v38;
	[tilespmem:s15+$0x380] =	vst v50;
	v40 =	vadd.f32 v35, v52  }
0x67: {  	v62 =	vperm.xlane v19, v9;
	[tilespmem:s15+$0x390] =	vst v53;
	v41 =	vmul.f32 v60, v46;
	v46 =	vld [tilespmem:s15+$0x3D0];
	v56 =	vadd.f32 v51, v44  }
0x68: {  	v58 =	vadd.f32 v54, v44;
	v60 =	vld [tilespmem:s15+$0x420];
	v24 =	vmul.f32 v49, v38;
	[tilespmem:s15+$0x350] =	vst v40  }
0x69: {  	v36 =	vperm.xlane v18, v9;
	v26 =	vmul.f32 v34, v62;
	v49 =	vld [tilespmem:s15+$0x490];
	v47 =	vadd.f32 v41, v52;
	[tilespmem:s15+$0x3A0] =	vst v56  }
0x6a: {  	v52 =	vld [tilespmem:s15+$0x3F0];
	[tilespmem:s15+$0x3B0] =	vst v58;
	v35 =	vadd.f32 v24, v44;
	v37 =	vmul.f32 v55, v62  }
0x6b: {  	v40 =	vmul.f32 v57, v62;
	v41 =	vld [tilespmem:s15+$0x460];
	v53 =	vadd.f32 v26, v36;
	[tilespmem:s15+$0x370] =	vst v47  }
0x6c: {  	v58 =	vld [tilespmem:s15+$0x4C0];
	[tilespmem:s15+$0x3E0] =	vst v35;
	v42 =	vadd.f32 v37, v36;
	v59 =	vmul.f32 v46, v38  }
0x6d: {  	v45 =	vadd.f32 v40, v36;
	v47 =	vld [tilespmem:s15+$0x480];
	[tilespmem:s15+$0x440] =	vst v53;
	v43 =	vmul.f32 v60, v62  }
0x6e: {  	v55 =	vld [tilespmem:s15+$0x4B0];
	v46 =	vmul.f32 v63, v62;
	[tilespmem:s15+$0x400] =	vst v42;
	v32 =	vadd.f32 v59, v44  }
0x6f: {  	v54 =	vperm.xlane v19, v10;
	[tilespmem:s15+$0x410] =	vst v45;
	v33 =	vmul.f32 v52, v38;
	v38 =	vld [tilespmem:s15+$0x450];
	v48 =	vadd.f32 v43, v36  }
0x70: {  	v50 =	vadd.f32 v46, v36;
	v52 =	vld [tilespmem:s15+$0x4A0];
	v23 =	vmul.f32 v41, v62;
	[tilespmem:s15+$0x3D0] =	vst v32  }
0x71: {  	v60 =	vperm.xlane v18, v10;
	v25 =	vmul.f32 v58, v54;
	v41 =	vld [tilespmem:s15+$0x510];
	v39 =	vadd.f32 v33, v44;
	[tilespmem:s15+$0x420] =	vst v48  }
0x72: {  	v44 =	vld [tilespmem:s15+$0x470];
	[tilespmem:s15+$0x430] =	vst v50;
	v59 =	vadd.f32 v23, v36;
	v61 =	vmul.f32 v47, v54  }
0x73: {  	v32 =	vmul.f32 v49, v54;
	v33 =	vld [tilespmem:s15+$0x4E0];
	v45 =	vadd.f32 v25, v60;
	[tilespmem:s15+$0x3F0] =	vst v39  }
0x74: {  	v50 =	vld [tilespmem:s15+$0x540];
	[tilespmem:s15+$0x460] =	vst v59;
	v34 =	vadd.f32 v61, v60;
	v51 =	vmul.f32 v38, v62  }
0x75: {  	v37 =	vadd.f32 v32, v60;
	v39 =	vld [tilespmem:s15+$0x500];
	[tilespmem:s15+$0x4C0] =	vst v45;
	v35 =	vmul.f32 v52, v54  }
0x76: {  	v47 =	vld [tilespmem:s15+$0x530];
	v38 =	vmul.f32 v55, v54;
	[tilespmem:s15+$0x480] =	vst v34;
	v56 =	vadd.f32 v51, v36  }
0x77: {  	v46 =	vperm.xlane v19, v11;
	[tilespmem:s15+$0x490] =	vst v37;
	v57 =	vmul.f32 v44, v62;
	v62 =	vld [tilespmem:s15+$0x4D0];
	v40 =	vadd.f32 v35, v60  }
0x78: {  	v42 =	vadd.f32 v38, v60;
	v44 =	vld [tilespmem:s15+$0x520];
	v24 =	vmul.f32 v33, v54;
	[tilespmem:s15+$0x450] =	vst v56  }
0x79: {  	v52 =	vperm.xlane v18, v11;
	v26 =	vmul.f32 v50, v46;
	v33 =	vld [tilespmem:s15+$0x590];
	v63 =	vadd.f32 v57, v36;
	[tilespmem:s15+$0x4A0] =	vst v40  }
0x7a: {  	v36 =	vld [tilespmem:s15+$0x4F0];
	[tilespmem:s15+$0x4B0] =	vst v42;
	v51 =	vadd.f32 v24, v60;
	v53 =	vmul.f32 v39, v46  }
0x7b: {  	v56 =	vmul.f32 v41, v46;
	v57 =	vld [tilespmem:s15+$0x560];
	v37 =	vadd.f32 v26, v52;
	[tilespmem:s15+$0x470] =	vst v63  }
0x7c: {  	v42 =	vld [tilespmem:s15+$0x5C0];
	[tilespmem:s15+$0x4E0] =	vst v51;
	v58 =	vadd.f32 v53, v52;
	v43 =	vmul.f32 v62, v54  }
0x7d: {  	v61 =	vadd.f32 v56, v52;
	v63 =	vld [tilespmem:s15+$0x580];
	[tilespmem:s15+$0x540] =	vst v37;
	v59 =	vmul.f32 v44, v46  }
0x7e: {  	v39 =	vld [tilespmem:s15+$0x5B0];
	v62 =	vmul.f32 v47, v46;
	[tilespmem:s15+$0x500] =	vst v58;
	v48 =	vadd.f32 v43, v60  }
0x7f: {  	v38 =	vperm.xlane v19, v12;
	[tilespmem:s15+$0x510] =	vst v61;
	v49 =	vmul.f32 v36, v54;
	v54 =	vld [tilespmem:s15+$0x550];
	v32 =	vadd.f32 v59, v52  }
0x80: {  	v34 =	vadd.f32 v62, v52;
	v36 =	vld [tilespmem:s15+$0x5A0];
	v23 =	vmul.f32 v57, v46;
	[tilespmem:s15+$0x4D0] =	vst v48  }
0x81: {  	v44 =	vperm.xlane v18, v12;
	v25 =	vmul.f32 v42, v38;
	v55 =	vadd.f32 v49, v60;
	v60 =	vld [tilespmem:s15+$0x570];
	[tilespmem:s15+$0x520] =	vst v32  }
0x82: {  	v57 =	vld [tilespmem:s15+$0x610];
	[tilespmem:s15+$0x530] =	vst v34;
	v43 =	vadd.f32 v23, v52;
	v45 =	vmul.f32 v63, v38  }
0x83: {  	v48 =	vmul.f32 v33, v38;
	v49 =	vld [tilespmem:s15+$0x5E0];
	v61 =	vadd.f32 v25, v44;
	[tilespmem:s15+$0x4F0] =	vst v55  }
0x84: {  	v42 =	vld [tilespmem:s15+$0x660];
	[tilespmem:s15+$0x560] =	vst v43;
	v50 =	vadd.f32 v45, v44;
	v35 =	vmul.f32 v54, v46  }
0x85: {  	v63 =	vld [tilespmem:s15+$0x630];
	v53 =	vadd.f32 v48, v44;
	[tilespmem:s15+$0x5C0] =	vst v61;
	v51 =	vmul.f32 v36, v38  }
0x86: {  	[tilespmem:s15+$0x580] =	vst v50;
	v40 =	vadd.f32 v35, v52;
	v41 =	vmul.f32 v60, v46;
	v46 =	vld [tilespmem:s15+$0x5D0]  }
0x87: {  	v62 =	vperm.xlane v19, v13;
	v54 =	vmul.f32 v39, v38;
	[tilespmem:s15+$0x590] =	vst v53;
	v56 =	vadd.f32 v51, v44;
	v35 =	vld [tilespmem:s15+$0x640]  }
0x88: {  	v24 =	vmul.f32 v49, v38;
	[tilespmem:s15+$0x550] =	vst v40;
	v47 =	vadd.f32 v41, v52;
	v52 =	vld [tilespmem:s15+$0x5F0]  }
0x89: {  	v37 =	vperm.xlane v18, v13;
	v55 =	vld [tilespmem:s15+$0x600];
	v58 =	vadd.f32 v54, v44;
	[tilespmem:s15+$0x5A0] =	vst v56;
	v41 =	vmul.f32 v57, v62  }
0x8a: {  	v39 =	vld [tilespmem:s15+$0x650];
	v36 =	vadd.f32 v24, v44;
	[tilespmem:s15+$0x570] =	vst v47;
	v47 =	vmul.f32 v63, v62  }
0x8b: {  	v45 =	vld [tilespmem:s15+$0x670];
	[tilespmem:s15+$0x5B0] =	vst v58;
	v59 =	vmul.f32 v46, v38;
	v46 =	vadd.f32 v41, v37  }
0x8c: {  	v48 =	vld [tilespmem:s15+$0x680];
	[tilespmem:s15+$0x5E0] =	vst v36;
	v26 =	vmul.f32 v35, v62;
	v51 =	vadd.f32 v47, v37  }
0x8d: {  	v60 =	vld [tilespmem:s15+$0x620];
	v33 =	vadd.f32 v59, v44;
	v34 =	vmul.f32 v52, v38;
	[tilespmem:s15+$0x610] =	vst v46  }
0x8e: {  	v50 =	vld [tilespmem:s15+$0x690];
	v38 =	vmul.f32 v55, v62;
	v54 =	vadd.f32 v26, v37;
	[tilespmem:s15+$0x630] =	vst v51  }
0x8f: {  	v53 =	vld [tilespmem:s15+$0x6A0];
	v52 =	vmul.f32 v39, v62;
	[tilespmem:s15+$0x5D0] =	vst v33;
	v40 =	vadd.f32 v34, v44  }
0x90: {  	v23 =	vmul.f32 v42, v62;
	v63 =	vld [tilespmem:s15+$0x6D0];
	v43 =	vadd.f32 v38, v37;
	[tilespmem:s15+$0x640] =	vst v54  }
0x91: {  	v58 =	vmul.f32 v45, v62;
	v35 =	vld [tilespmem:s15+$0x6E0];
	v55 =	vperm.xlane v19, v14;
	v57 =	vadd.f32 v52, v37;
	[tilespmem:s15+$0x5F0] =	vst v40  }
0x92: {  	v56 =	vld [tilespmem:s15+$0x6B0];
	v44 =	vmul.f32 v60, v62;
	v60 =	vadd.f32 v23, v37;
	[tilespmem:s15+$0x600] =	vst v43  }
0x93: {  	v61 =	vperm.xlane v18, v14;
	v41 =	vld [tilespmem:s15+$0x700];
	v62 =	vmul.f32 v48, v55;
	v33 =	vadd.f32 v58, v37;
	[tilespmem:s15+$0x650] =	vst v57  }
0x94: {  	v59 =	vld [tilespmem:s15+$0x6C0];
	v34 =	vmul.f32 v50, v55;
	v49 =	vadd.f32 v44, v37;
	[tilespmem:s15+$0x660] =	vst v60  }
0x95: {  	v38 =	vld [tilespmem:s15+$0x6F0];
	v45 =	vmul.f32 v63, v55;
	v36 =	vadd.f32 v62, v61;
	[tilespmem:s15+$0x670] =	vst v33  }
0x96: {  	v46 =	vld [tilespmem:s15+$0x720];
	v24 =	vmul.f32 v35, v55;
	v39 =	vadd.f32 v34, v61;
	[tilespmem:s15+$0x620] =	vst v49  }
0x97: {  	v52 =	vld [tilespmem:s15+$0x740];
	v37 =	vmul.f32 v53, v55;
	v50 =	vadd.f32 v45, v61;
	[tilespmem:s15+$0x680] =	vst v36  }
0x98: {  	v40 =	vmul.f32 v56, v55;
	v43 =	vld [tilespmem:s15+$0x710];
	v53 =	vadd.f32 v24, v61;
	[tilespmem:s15+$0x690] =	vst v39  }
0x99: {  	v48 =	vperm.xlane v19, v15;
	v56 =	vld [tilespmem:s15+$0x750];
	v25 =	vmul.f32 v59, v55;
	v42 =	vadd.f32 v37, v61;
	[tilespmem:s15+$0x6D0] =	vst v50  }
0x9a: {  	v62 =	vld [tilespmem:s15+$0x770];
	v44 =	vadd.f32 v40, v61;
	v51 =	vmul.f32 v38, v55;
	[tilespmem:s15+$0x6E0] =	vst v53  }
0x9b: {  	v54 =	vperm.xlane v18, v15;
	v34 =	vld [tilespmem:s15+$0x780];
	v47 =	vadd.f32 v25, v61;
	v55 =	vmul.f32 v41, v48;
	[tilespmem:s15+$0x6A0] =	vst v42  }
0x9c: {  	v59 =	vld [tilespmem:s15+$0x760];
	v26 =	vmul.f32 v52, v48;
	[tilespmem:s15+$0x6B0] =	vst v44;
	v57 =	vadd.f32 v51, v61  }
0x9d: {  	v49 =	vld [tilespmem:s15+$0x730];
	[tilespmem:s15+$0x6C0] =	vst v47;
	v58 =	vmul.f32 v43, v48;
	v60 =	vadd.f32 v55, v54  }
0x9e: {  	v61 =	vmul.f32 v46, v48;
	v40 =	vadd.f32 v26, v54;
	[tilespmem:s15+$0x6F0] =	vst v57  }
0x9f: {  	v19 =	vperm.xlane v19, v0;
	v36 =	vld [tilespmem:s15+$0x790];
	v38 =	vmul.f32 v56, v48;
	v63 =	vadd.f32 v58, v54;
	[tilespmem:s15+$0x700] =	vst v60  }
0xa0: {  	v39 =	vld [tilespmem:s15+$0x7A0];
	v43 =	vmul.f32 v62, v48;
	v35 =	vadd.f32 v61, v54;
	[tilespmem:s15+$0x740] =	vst v40  }
0xa1: {  	v18 =	vperm.xlane v18, v0;
	v50 =	vld [tilespmem:s15+$0x7E0];
	v46 =	vmul.f32 v34, v19;
	v42 =	vadd.f32 v38, v54;
	[tilespmem:s15+$0x710] =	vst v63  }
0xa2: {  	v41 =	vld [tilespmem:s15+$0x7B0];
	v23 =	vmul.f32 v59, v48;
	v33 =	vmul.f32 v49, v48;
	v48 =	vadd.f32 v43, v54;
	[tilespmem:s15+$0x720] =	vst v35  }
0xa3: {  	v44 =	vld [tilespmem:s15+$0x7C0];
	v51 =	vadd.f32 v46, v18;
	[tilespmem:s15+$0x750] =	vst v42  }
0xa4: {  	v47 =	vld [tilespmem:s15+$0x7D0];
	v49 =	vmul.f32 v36, v19;
	v45 =	vadd.f32 v23, v54;
	[tilespmem:s15+$0x770] =	vst v48  }
0xa5: {  	v53 =	vld [tilespmem:s15+$0x7F0];
	v52 =	vmul.f32 v39, v19;
	v37 =	vadd.f32 v33, v54;
	[tilespmem:s15+$0x780] =	vst v51  }
0xa6: {  	v61 =	vmul.f32 v50, v19;
	v54 =	vadd.f32 v49, v18;
	[tilespmem:s15+$0x760] =	vst v45  }
0xa7: {  	v55 =	vmul.f32 v41, v19;
	v56 =	vadd.f32 v52, v18;
	[tilespmem:s15+$0x730] =	vst v37  }
0xa8: {  	v57 =	vmul.f32 v44, v19;
	v63 =	vadd.f32 v61, v18;
	[tilespmem:s15+$0x790] =	vst v54  }
0xa9: {  	p0 =	sne.s32 s14, $0xF;
	v58 =	vadd.f32 v55, v18;
	v59 =	vmul.f32 v47, v19;
	[tilespmem:s15+$0x7A0] =	vst v56  }
.Ltmp0:
0xaa: {  	v19 =	vmul.f32 v53, v19;
	v60 =	vadd.f32 v57, v18;
	[tilespmem:s15+$0x7E0] =	vst v63;
	(pc) =	sbr.rel @p0 .LBB2_2-.Ltmp0, $4  }
0xab: {  	[tilespmem:s15+$0x7B0] =	vst v58;
	v62 =	vadd.f32 v59, v18  }
0xac: {  	v18 =	vadd.f32 v19, v18;
	[tilespmem:s15+$0x7C0] =	vst v60  }
0xad: {  	[tilespmem:s15+$0x7D0] =	vst v62  }
0xae: {  	s14 =	sadd.s32 $0x1, s14;
	[tilespmem:s15+$0x7F0] =	vst v18  }
0xaf: {  	s13 =	sadd.s32 $0x1, s13  }
0xb0: {  	p0 =	sne.s32 s13, s8  }
.Ltmp1:
0xb1: {  	_ = 	snop;
	(pc) =	sbr.rel @p0 .LBB2_1-.Ltmp1, $4  }
0xb2: {  	[hbm4b:s7+s4] =	stream.linear.scatter [tilespmem:s4], [sflag:$0x1], $0x8000, $0x38;
	[tilespmem:$0x8200] =	vst v63  }
0xb3: {  	_ =	swait.ge [sflag:s10], $0x8000  }
0xb4: {  	[sflag:s10] =	ssyncset.done $0x0  }
0xb5: {  	[sflag:s10] =	ssyncadd.s32 $0xFFFF8000  }
0xb6: {  	_ =	sfence.sel $0x180000  }
0xb7: {  	[bflag:$0x0] =	sbarrier.arrive $0xFFFF  }
0xb8: {  	p0 =	sne.s32 s2, $0x0;
	_ =	strace $0x90000047  }
0xb9: {  	s0 =	sadd.s32 @!p0 $0x100000, s0;
	[bflag:$0x2] =	sbarrier.arrive $0xFFFF  }
0xba: {  	[sflag:s0] =	ssyncadd.tile.s32 @!p0 $0x1;
	_ =	shalt  }
.Lfunc_end2:
_tile_overlayer_lowered:
.L_overlay_start_2:
0xbb: {  	(tag) =	ssettag $0x2  }
0xbc: {  	s0 =	rddreg [dreg:$0x0];
	s2 =	stileid.u32  }
0xbd: {  	s1 =	rddreg [dreg:$0x1];
	p0 =	sne.s32 s2, $0x0  }
0xbe: {  	s3 =	rddreg [dreg:$0x2];
	[bflag:$0x3] =	sbarrier.arrive $0xFFFF;
	s2 =	simm.s32 @!p0 $0x1C01  }
0xbf: {  	[timem:s3], [sflag:s2] =	dma.local @!p0 [hbm:s0], s1  }
0xc0: {  	s0 =	simm.s32 @!p0 $0x1  }
0xc1: {  	_ =	swait.ge @!p0 [sflag:s0], s1  }
0xc2: {  	s1 =	ssub.s32 @!p0 $0x0, s1;
	[sflag:s0] =	ssyncset.done @!p0 $0x0  }
0xc3: {  	[sflag:s0] =	ssyncadd.s32 @!p0 s1  }
0xc4: {  	[bflag:$0x3] =	sbarrier.arrive $0xFFFF  }
0xc5: {  	_ =	shalt  }

</sc_bundles>
